<compile_context>
chip_gen: v7x
topology: tpu7x:2x2x1
jax: 0.10.2.dev20260603
libtpu: 0.0.44.dev20260713+nightly
codegen_flags: <defaults>
</compile_context>

<pallas_src>
import jax
import jax.numpy as jnp
from jax import lax
from jax.experimental import pallas as pl
from jax.experimental.pallas import tpu as pltpu
from jax.experimental.pallas import tpu_sc as plsc

N = 10000
M = 5000
E = 320000
D = 128
F = 8

GROUP = 128
NTILES = 32
NGROUPS = E // GROUP
G_LO = NGROUPS // NTILES
G_REM = NGROUPS % NTILES
GP_T = G_LO + 1
NBUF = 8
ROUNDS = (GP_T + NBUF - 1) // NBUF
M_PAD = 5120
N_PAD = 10240
ZROWS = N_PAD // 16

ROWS_BLK = 2000
KE_BLK = 640
KB_BLK = 1000


def _sc_stage(acc_rows, table_rows):
    rpt = acc_rows // 16
    tpt = table_rows // 16
    mesh = plsc.VectorSubcoreMesh(core_axis_name="c", subcore_axis_name="s")

    def body(table_hbm, gidx_hbm, sidx_hbm, z_hbm, out_hbm,
             gidxv, sidxv, rows, tbl, acc, *sems):
        gsems = sems[:NBUF]
        ssems = sems[NBUF:]
        cid = lax.axis_index("c")
        sid = lax.axis_index("s")
        wid = cid * 16 + sid
        ng = jnp.where(wid < G_REM, G_LO + 1, G_LO)
        gbase = wid * G_LO + jnp.minimum(wid, G_REM)

        pltpu.sync_copy(gidx_hbm.at[pl.ds(gbase, G_LO)],
                        gidxv.at[pl.ds(0, G_LO)])
        pltpu.sync_copy(sidx_hbm.at[pl.ds(gbase, G_LO)],
                        sidxv.at[pl.ds(0, G_LO)])

        @pl.when(wid < G_REM)
        def _():
            pltpu.sync_copy(gidx_hbm.at[pl.ds(gbase + G_LO, 1)],
                            gidxv.at[pl.ds(G_LO, 1)])
            pltpu.sync_copy(sidx_hbm.at[pl.ds(gbase + G_LO, 1)],
                            sidxv.at[pl.ds(G_LO, 1)])
        pltpu.sync_copy(table_hbm.at[pl.ds(sid * tpt, tpt)],
                        tbl.at[pl.ds(sid * tpt, tpt)])
        pltpu.sync_copy(z_hbm.at[pl.ds(0, rpt)], acc.at[pl.ds(sid * rpt, rpt)])
        plsc.subcore_barrier()

        for b in range(NBUF):
            pltpu.async_copy(tbl.at[gidxv.at[b]], rows.at[b], gsems[b])

        def round_body(i, carry):
            for b in range(NBUF):
                g = i * NBUF + b
                pb = (b - 1) % NBUF

                @pl.when(g < ng)
                def _():
                    pltpu.make_async_copy(
                        tbl.at[gidxv.at[b]], rows.at[b], gsems[b]).wait()
                    pltpu.async_copy(rows.at[b], acc.at[sidxv.at[g]],
                                     ssems[b], add=True)

                    @pl.when(jnp.logical_and(g >= 1, g <= ng - NBUF))
                    def _():
                        pltpu.make_async_copy(
                            z_hbm.at[pl.ds(0, GROUP)], rows.at[pb],
                            ssems[pb]).wait()
                        pltpu.async_copy(
                            tbl.at[gidxv.at[g - 1 + NBUF]], rows.at[pb],
                            gsems[pb])
            return carry

        lax.fori_loop(0, ROUNDS, round_body, 0)
        for b in range(NBUF):
            pltpu.make_async_copy(
                z_hbm.at[pl.ds(0, GROUP)], rows.at[b], ssems[b]).wait()
        plsc.subcore_barrier()
        pltpu.sync_copy(acc.at[pl.ds(sid * rpt, rpt)],
                        out_hbm.at[cid, pl.ds(sid * rpt, rpt)])

    return pl.kernel(
        body,
        out_type=jax.ShapeDtypeStruct((2, acc_rows, F), jnp.float32),
        mesh=mesh,
        compiler_params=pltpu.CompilerParams(use_tc_tiling_on_sc=False),
        scratch_types=[
            pltpu.VMEM((GP_T, GROUP), jnp.int32),
            pltpu.VMEM((GP_T, GROUP), jnp.int32),
            pltpu.VMEM((NBUF, GROUP, F), jnp.float32),
            pltpu.VMEM_SHARED((table_rows, F), jnp.float32),
            pltpu.VMEM_SHARED((acc_rows, F), jnp.float32),
        ] + [pltpu.SemaphoreType.DMA] * (2 * NBUF),
    )


_s1 = _sc_stage(M_PAD, N)
_s2 = _sc_stage(N_PAD, M_PAD)


def _ka_body(x_ref, wm_ref, wu_ref, c_ref, b_ref, m8_ref, u8_ref):
    xb = x_ref[...]
    m8_ref[...] = jax.nn.gelu(
        jnp.dot(xb, wm_ref[...], preferred_element_type=jnp.float32)) + c_ref[...]
    u8_ref[...] = jnp.dot(
        xb, wu_ref[...], preferred_element_type=jnp.float32) + b_ref[...]


def _ka(x, wm8, wu8, c8, b8):
    return pl.pallas_call(
        _ka_body,
        grid=(N // ROWS_BLK,),
        in_specs=[
            pl.BlockSpec((ROWS_BLK, D), lambda i: (i, 0)),
            pl.BlockSpec((D, F), lambda i: (0, 0)),
            pl.BlockSpec((D, F), lambda i: (0, 0)),
            pl.BlockSpec((1, F), lambda i: (0, 0)),
            pl.BlockSpec((1, F), lambda i: (0, 0)),
        ],
        out_specs=[
            pl.BlockSpec((ROWS_BLK, F), lambda i: (i, 0)),
            pl.BlockSpec((ROWS_BLK, F), lambda i: (i, 0)),
        ],
        out_shape=[
            jax.ShapeDtypeStruct((N, F), jnp.float32),
            jax.ShapeDtypeStruct((N, F), jnp.float32),
        ],
    )(x, wm8, wu8, c8, b8)


def _ke_body(ep_ref, out_ref):
    p = ep_ref[0] + ep_ref[1]
    cnt = jnp.maximum(p[:, 4:5], 1.0)
    out_ref[...] = p / cnt


def _ke(e_part):
    return pl.pallas_call(
        _ke_body,
        grid=(M_PAD // KE_BLK,),
        in_specs=[pl.BlockSpec((2, KE_BLK, F), lambda i: (0, i, 0))],
        out_specs=pl.BlockSpec((KE_BLK, F), lambda i: (i, 0)),
        out_shape=jax.ShapeDtypeStruct((M_PAD, F), jnp.float32),
    )(e_part)


def _kb_body(vp_ref, u8_ref, out_ref):
    p = vp_ref[0] + vp_ref[1]
    cnt = jnp.maximum(p[:, 4:5], 1.0)
    m_i = p[:, 0:4] / cnt
    h = jax.nn.gelu(u8_ref[:, 0:4] + m_i)
    hm = jnp.max(h, axis=1, keepdims=True)
    out_ref[...] = (h - hm) - jnp.log(
        jnp.sum(jnp.exp(h - hm), axis=1, keepdims=True))


def _kb(v_part, u8):
    return pl.pallas_call(
        _kb_body,
        grid=(N // KB_BLK,),
        in_specs=[
            pl.BlockSpec((2, KB_BLK, F), lambda i: (0, i, 0)),
            pl.BlockSpec((KB_BLK, F), lambda i: (i, 0)),
        ],
        out_specs=pl.BlockSpec((KB_BLK, 4), lambda i: (i, 0)),
        out_shape=jax.ShapeDtypeStruct((N, 4), jnp.float32),
    )(v_part, u8)


def kernel(x, v_idx, e_idx, W_msg, W_upd, b_upd):
    v_idx = v_idx.astype(jnp.int32)
    e_idx = e_idx.astype(jnp.int32)
    wm8 = jnp.pad(W_msg, ((0, 0), (0, F - 4)))
    wu8 = jnp.pad(W_upd, ((0, 0), (0, F - 4)))
    c8 = jnp.array([[0, 0, 0, 0, 1, 0, 0, 0]], jnp.float32)
    b8 = jnp.pad(b_upd, (0, F - 4)).reshape(1, F)
    z = jnp.zeros((ZROWS, F), jnp.float32)

    gs1 = v_idx.reshape(NGROUPS, GROUP)
    ss1 = e_idx.reshape(NGROUPS, GROUP)
    gs2 = ss1
    ss2 = gs1

    m8, u8 = _ka(x, wm8, wu8, c8, b8)
    e_part = _s1(m8, gs1, ss1, z)
    e_feat8 = _ke(e_part)
    v_part = _s2(e_feat8, gs2, ss2, z)
    return _kb(v_part, u8)

# --- scband reference (transcript-rebuilt; emitter-appended) ---
"""Pipeline reference for scband-action-network-50749333569733 (READ-ONLY COPY).

The authoritative reference and input builder live on the scoring server;
editing this copy changes nothing except your own understanding.
"""

import jax, jax.numpy as jnp
import numpy as np

N = 10000   # vertices
M = 5000    # hyperedges
E = 320000  # incidence pairs
D = 128     # num_features

def setup_inputs(seed: int = 0) -> dict:
    key = jax.random.key(seed)
    k1, k2, k3, k4, k5, k6 = jax.random.split(key, 6)
    x = jax.random.normal(k1, (N, D), dtype=jnp.float32)
    v_idx = jax.random.randint(k2, (E,), 0, N)
    e_idx = jax.random.randint(k3, (E,), 0, M)
    # learned parameters
    W_msg = jax.random.normal(k4, (D, 4), dtype=jnp.float32) * 0.05  # lin_message (no bias)
    W_upd = jax.random.normal(k5, (D, 4), dtype=jnp.float32) * 0.05  # lin_update weight
    b_upd = jax.random.normal(k6, (4,), dtype=jnp.float32) * 0.05    # lin_update bias
    return {"x": x, "v_idx": v_idx, "e_idx": e_idx, "W_msg": W_msg, "W_upd": W_upd, "b_upd": b_upd}

def reference(x, v_idx, e_idx, W_msg, W_upd, b_upd):
    # m_ji = GELU(dropout(lin_message(x))); dropout is identity in eval mode
    m = jax.nn.gelu(x @ W_msg)
    # G.v2v with 'mean' aggregation == v2e mean followed by e2v mean (no edge weights)
    # v2e: mean of incident vertex messages per hyperedge
    gathered_v = jnp.take(m, v_idx, axis=0)                                   # [E, 4]
    e_sum = jax.ops.segment_sum(gathered_v, e_idx, num_segments=M)            # [M, 4]
    e_cnt = jax.ops.segment_sum(jnp.ones((E,), dtype=jnp.float32), e_idx, num_segments=M)
    e_feat = e_sum / jnp.clip(e_cnt, 1.0)[:, None]
    # e2v: mean of incident hyperedge features per vertex
    gathered_e = jnp.take(e_feat, e_idx, axis=0)                              # [E, 4]
    v_sum = jax.ops.segment_sum(gathered_e, v_idx, num_segments=N)            # [N, 4]
    v_cnt = jax.ops.segment_sum(jnp.ones((E,), dtype=jnp.float32), v_idx, num_segments=N)
    m_i = v_sum / jnp.clip(v_cnt, 1.0)[:, None]
    # h_i = GELU(lin_update(x) + m_i)
    h = jax.nn.gelu(x @ W_upd + b_upd + m_i)
    return jax.nn.log_softmax(h, axis=1)

if __name__ == "__main__":
    import jax
    _d = setup_inputs()
    print(jax.jit(kernel)(*tuple(_d.values())))

</pallas_src>

<mosaic_0001>
#map = affine_map<(d0, d1) -> (0, 0)>
#map1 = affine_map<(d0, d1) -> (0, 0, 0)>
module attributes {stable_mosaic.version = 14 : i64} {
  func.func @body(%arg0: i32, %arg1: i32, %arg2: memref<10000x8xf32, #tpu.memory_space<hbm>>, %arg3: memref<2500x128xi32, #tpu.memory_space<hbm>>, %arg4: memref<2500x128xi32, #tpu.memory_space<hbm>>, %arg5: memref<640x8xf32, #tpu.memory_space<hbm>>, %arg6: memref<2x5120x8xf32, #tpu.memory_space<hbm>>, %arg7: memref<79x128xi32, #tpu.memory_space<vmem>>, %arg8: memref<79x128xi32, #tpu.memory_space<vmem>>, %arg9: memref<8x128x8xf32, #tpu.memory_space<vmem>>, %arg10: memref<10000x8xf32, #tpu.memory_space<vmem_shared>>, %arg11: memref<5120x8xf32, #tpu.memory_space<vmem_shared>>, %arg12: memref<!tpu.dma_semaphore, #tpu.memory_space<semaphore_mem>>, %arg13: memref<!tpu.dma_semaphore, #tpu.memory_space<semaphore_mem>>, %arg14: memref<!tpu.dma_semaphore, #tpu.memory_space<semaphore_mem>>, %arg15: memref<!tpu.dma_semaphore, #tpu.memory_space<semaphore_mem>>, %arg16: memref<!tpu.dma_semaphore, #tpu.memory_space<semaphore_mem>>, %arg17: memref<!tpu.dma_semaphore, #tpu.memory_space<semaphore_mem>>, %arg18: memref<!tpu.dma_semaphore, #tpu.memory_space<semaphore_mem>>, %arg19: memref<!tpu.dma_semaphore, #tpu.memory_space<semaphore_mem>>, %arg20: memref<!tpu.dma_semaphore, #tpu.memory_space<semaphore_mem>>, %arg21: memref<!tpu.dma_semaphore, #tpu.memory_space<semaphore_mem>>, %arg22: memref<!tpu.dma_semaphore, #tpu.memory_space<semaphore_mem>>, %arg23: memref<!tpu.dma_semaphore, #tpu.memory_space<semaphore_mem>>, %arg24: memref<!tpu.dma_semaphore, #tpu.memory_space<semaphore_mem>>, %arg25: memref<!tpu.dma_semaphore, #tpu.memory_space<semaphore_mem>>, %arg26: memref<!tpu.dma_semaphore, #tpu.memory_space<semaphore_mem>>, %arg27: memref<!tpu.dma_semaphore, #tpu.memory_space<semaphore_mem>>) attributes {dimension_semantics = [#tpu.dimension_semantics<core_parallel>, #tpu.dimension_semantics<subcore_parallel>], iteration_bounds = array<i64: 2, 16>, scalar_prefetch = 0 : i64, scratch_operands = 21 : i64, tpu.core_type = #tpu.core_type<sc_vector_subcore>, window_params = [{transform_indices = #map}, {transform_indices = #map}, {transform_indices = #map}, {transform_indices = #map}, {transform_indices = #map1}]} {
    %mul3A = arith.constant 16 : i32
    %mul3A_0 = arith.muli %arg0, %mul3A : i32
    %add3A = arith.addi %mul3A_0, %arg1 : i32
    %lt3A = arith.constant 4 : i32
    %lt3A_1 = arith.cmpi slt, %add3A, %lt3A : i32
    %jit3A = arith.constant 79 : i32
    %jit3A_2 = arith.constant 78 : i32
    %select_n3A = arith.select %lt3A_1, %jit3A, %jit3A_2 : i32
    %mul3A_3 = arith.constant 78 : i32
    %mul3A_4 = arith.muli %add3A, %mul3A_3 : i32
    %min3A = arith.constant 4 : i32
    %min3A_5 = arith.minsi %add3A, %min3A : i32
    %add3A_6 = arith.addi %mul3A_4, %min3A_5 : i32
    "tpu.region"() ({
      %run_scoped3A = tpu.sem_alloc : memref<!tpu.dma_semaphore, #tpu.memory_space<semaphore_mem>>
      %dma_start3A_240 = arith.constant 0 : i32
      %dma_start3A_241 = arith.constant 0 : i32
      %dma_start3A_242 = tpu.memref_slice %arg7[%dma_start3A_240, %dma_start3A_241] : memref<79x128xi32, #tpu.memory_space<vmem>> -> memref<78x128xi32, #tpu.memory_space<vmem>>
      %dma_start3A_243 = arith.constant 0 : i32
      %dma_start3A_244 = tpu.memref_slice %arg3[%add3A_6, %dma_start3A_243] : memref<2500x128xi32, #tpu.memory_space<hbm>> -> memref<78x128xi32, #tpu.memory_space<hbm>>
      %dma_start3A_245 = arith.constant 0 : i32
      %dma_start3A_246 = arith.constant 0 : i32
      %dma_start3A_247 = tpu.memref_slice %arg7[%dma_start3A_245, %dma_start3A_246] : memref<79x128xi32, #tpu.memory_space<vmem>> -> memref<78x128xi32, #tpu.memory_space<vmem>>
      %dma_start3A_248 = arith.constant 0 : i32
      %dma_start3A_249 = tpu.memref_slice %arg3[%add3A_6, %dma_start3A_248] : memref<2500x128xi32, #tpu.memory_space<hbm>> -> memref<78x128xi32, #tpu.memory_space<hbm>>
      tpu.enqueue_dma source(%dma_start3A_249 : memref<78x128xi32, #tpu.memory_space<hbm>>) target(%dma_start3A_247 : memref<78x128xi32, #tpu.memory_space<vmem>>) target_semaphore(%run_scoped3A : memref<!tpu.dma_semaphore, #tpu.memory_space<semaphore_mem>>)
      %dma_wait3A_250 = arith.constant 0 : i32
      %dma_wait3A_251 = arith.constant 0 : i32
      %dma_wait3A_252 = tpu.memref_slice %arg7[%dma_wait3A_250, %dma_wait3A_251] : memref<79x128xi32, #tpu.memory_space<vmem>> -> memref<78x128xi32, #tpu.memory_space<vmem>>
      %dma_wait3A_253 = arith.constant 0 : i32
      %dma_wait3A_254 = tpu.memref_slice %arg3[%add3A_6, %dma_wait3A_253] : memref<2500x128xi32, #tpu.memory_space<hbm>> -> memref<78x128xi32, #tpu.memory_space<hbm>>
      %dma_wait3A_255 = arith.constant 0 : i32
      %dma_wait3A_256 = arith.constant 0 : i32
      %dma_wait3A_257 = tpu.memref_slice %arg7[%dma_wait3A_255, %dma_wait3A_256] : memref<79x128xi32, #tpu.memory_space<vmem>> -> memref<78x128xi32, #tpu.memory_space<vmem>>
      %dma_wait3A_258 = arith.constant 0 : i32
      %dma_wait3A_259 = tpu.memref_slice %arg3[%add3A_6, %dma_wait3A_258] : memref<2500x128xi32, #tpu.memory_space<hbm>> -> memref<78x128xi32, #tpu.memory_space<hbm>>
      tpu.wait_dma2 semaphore(%run_scoped3A : memref<!tpu.dma_semaphore, #tpu.memory_space<semaphore_mem>>) src(%dma_wait3A_259 : memref<78x128xi32, #tpu.memory_space<hbm>>) dst(%dma_wait3A_257 : memref<78x128xi32, #tpu.memory_space<vmem>>)
      tpu.yield
    }) : () -> ()
    "tpu.region"() ({
      %run_scoped3A = tpu.sem_alloc : memref<!tpu.dma_semaphore, #tpu.memory_space<semaphore_mem>>
      %dma_start3A_240 = arith.constant 0 : i32
      %dma_start3A_241 = arith.constant 0 : i32
      %dma_start3A_242 = tpu.memref_slice %arg8[%dma_start3A_240, %dma_start3A_241] : memref<79x128xi32, #tpu.memory_space<vmem>> -> memref<78x128xi32, #tpu.memory_space<vmem>>
      %dma_start3A_243 = arith.constant 0 : i32
      %dma_start3A_244 = tpu.memref_slice %arg4[%add3A_6, %dma_start3A_243] : memref<2500x128xi32, #tpu.memory_space<hbm>> -> memref<78x128xi32, #tpu.memory_space<hbm>>
      %dma_start3A_245 = arith.constant 0 : i32
      %dma_start3A_246 = arith.constant 0 : i32
      %dma_start3A_247 = tpu.memref_slice %arg8[%dma_start3A_245, %dma_start3A_246] : memref<79x128xi32, #tpu.memory_space<vmem>> -> memref<78x128xi32, #tpu.memory_space<vmem>>
      %dma_start3A_248 = arith.constant 0 : i32
      %dma_start3A_249 = tpu.memref_slice %arg4[%add3A_6, %dma_start3A_248] : memref<2500x128xi32, #tpu.memory_space<hbm>> -> memref<78x128xi32, #tpu.memory_space<hbm>>
      tpu.enqueue_dma source(%dma_start3A_249 : memref<78x128xi32, #tpu.memory_space<hbm>>) target(%dma_start3A_247 : memref<78x128xi32, #tpu.memory_space<vmem>>) target_semaphore(%run_scoped3A : memref<!tpu.dma_semaphore, #tpu.memory_space<semaphore_mem>>)
      %dma_wait3A_250 = arith.constant 0 : i32
      %dma_wait3A_251 = arith.constant 0 : i32
      %dma_wait3A_252 = tpu.memref_slice %arg8[%dma_wait3A_250, %dma_wait3A_251] : memref<79x128xi32, #tpu.memory_space<vmem>> -> memref<78x128xi32, #tpu.memory_space<vmem>>
      %dma_wait3A_253 = arith.constant 0 : i32
      %dma_wait3A_254 = tpu.memref_slice %arg4[%add3A_6, %dma_wait3A_253] : memref<2500x128xi32, #tpu.memory_space<hbm>> -> memref<78x128xi32, #tpu.memory_space<hbm>>
      %dma_wait3A_255 = arith.constant 0 : i32
      %dma_wait3A_256 = arith.constant 0 : i32
      %dma_wait3A_257 = tpu.memref_slice %arg8[%dma_wait3A_255, %dma_wait3A_256] : memref<79x128xi32, #tpu.memory_space<vmem>> -> memref<78x128xi32, #tpu.memory_space<vmem>>
      %dma_wait3A_258 = arith.constant 0 : i32
      %dma_wait3A_259 = tpu.memref_slice %arg4[%add3A_6, %dma_wait3A_258] : memref<2500x128xi32, #tpu.memory_space<hbm>> -> memref<78x128xi32, #tpu.memory_space<hbm>>
      tpu.wait_dma2 semaphore(%run_scoped3A : memref<!tpu.dma_semaphore, #tpu.memory_space<semaphore_mem>>) src(%dma_wait3A_259 : memref<78x128xi32, #tpu.memory_space<hbm>>) dst(%dma_wait3A_257 : memref<78x128xi32, #tpu.memory_space<vmem>>)
      tpu.yield
    }) : () -> ()
    %lt3A_7 = arith.constant 4 : i32
    %lt3A_8 = arith.cmpi slt, %add3A, %lt3A_7 : i32
    %convert_element_type3A = arith.extui %lt3A_8 : i1 to i32
    %cond3A = arith.constant 0 : i32
    %cond3A_9 = arith.cmpi ne, %convert_element_type3A, %cond3A : i32
    scf.if %cond3A_9 {
      %add3A_240 = arith.constant 78 : i32
      %add3A_241 = arith.addi %add3A_6, %add3A_240 : i32
      "tpu.region"() ({
        %run_scoped3A = tpu.sem_alloc : memref<!tpu.dma_semaphore, #tpu.memory_space<semaphore_mem>>
        %dma_start3A_244 = arith.constant 78 : i32
        %dma_start3A_245 = arith.constant 0 : i32
        %dma_start3A_246 = tpu.memref_slice %arg7[%dma_start3A_244, %dma_start3A_245] : memref<79x128xi32, #tpu.memory_space<vmem>> -> memref<1x128xi32, #tpu.memory_space<vmem>>
        %dma_start3A_247 = arith.constant 0 : i32
        %dma_start3A_248 = tpu.memref_slice %arg3[%add3A_241, %dma_start3A_247] : memref<2500x128xi32, #tpu.memory_space<hbm>> -> memref<1x128xi32, #tpu.memory_space<hbm>>
        %dma_start3A_249 = arith.constant 78 : i32
        %dma_start3A_250 = arith.constant 0 : i32
        %dma_start3A_251 = tpu.memref_slice %arg7[%dma_start3A_249, %dma_start3A_250] : memref<79x128xi32, #tpu.memory_space<vmem>> -> memref<1x128xi32, #tpu.memory_space<vmem>>
        %dma_start3A_252 = arith.constant 0 : i32
        %dma_start3A_253 = tpu.memref_slice %arg3[%add3A_241, %dma_start3A_252] : memref<2500x128xi32, #tpu.memory_space<hbm>> -> memref<1x128xi32, #tpu.memory_space<hbm>>
        tpu.enqueue_dma source(%dma_start3A_253 : memref<1x128xi32, #tpu.memory_space<hbm>>) target(%dma_start3A_251 : memref<1x128xi32, #tpu.memory_space<vmem>>) target_semaphore(%run_scoped3A : memref<!tpu.dma_semaphore, #tpu.memory_space<semaphore_mem>>)
        %dma_wait3A_254 = arith.constant 78 : i32
        %dma_wait3A_255 = arith.constant 0 : i32
        %dma_wait3A_256 = tpu.memref_slice %arg7[%dma_wait3A_254, %dma_wait3A_255] : memref<79x128xi32, #tpu.memory_space<vmem>> -> memref<1x128xi32, #tpu.memory_space<vmem>>
        %dma_wait3A_257 = arith.constant 0 : i32
        %dma_wait3A_258 = tpu.memref_slice %arg3[%add3A_241, %dma_wait3A_257] : memref<2500x128xi32, #tpu.memory_space<hbm>> -> memref<1x128xi32, #tpu.memory_space<hbm>>
        %dma_wait3A_259 = arith.constant 78 : i32
        %dma_wait3A_260 = arith.constant 0 : i32
        %dma_wait3A_261 = tpu.memref_slice %arg7[%dma_wait3A_259, %dma_wait3A_260] : memref<79x128xi32, #tpu.memory_space<vmem>> -> memref<1x128xi32, #tpu.memory_space<vmem>>
        %dma_wait3A_262 = arith.constant 0 : i32
        %dma_wait3A_263 = tpu.memref_slice %arg3[%add3A_241, %dma_wait3A_262] : memref<2500x128xi32, #tpu.memory_space<hbm>> -> memref<1x128xi32, #tpu.memory_space<hbm>>
        tpu.wait_dma2 semaphore(%run_scoped3A : memref<!tpu.dma_semaphore, #tpu.memory_space<semaphore_mem>>) src(%dma_wait3A_263 : memref<1x128xi32, #tpu.memory_space<hbm>>) dst(%dma_wait3A_261 : memref<1x128xi32, #tpu.memory_space<vmem>>)
        tpu.yield
      }) : () -> ()
      %add3A_242 = arith.constant 78 : i32
      %add3A_243 = arith.addi %add3A_6, %add3A_242 : i32
      "tpu.region"() ({
        %run_scoped3A = tpu.sem_alloc : memref<!tpu.dma_semaphore, #tpu.memory_space<semaphore_mem>>
        %dma_start3A_244 = arith.constant 78 : i32
        %dma_start3A_245 = arith.constant 0 : i32
        %dma_start3A_246 = tpu.memref_slice %arg8[%dma_start3A_244, %dma_start3A_245] : memref<79x128xi32, #tpu.memory_space<vmem>> -> memref<1x128xi32, #tpu.memory_space<vmem>>
        %dma_start3A_247 = arith.constant 0 : i32
        %dma_start3A_248 = tpu.memref_slice %arg4[%add3A_243, %dma_start3A_247] : memref<2500x128xi32, #tpu.memory_space<hbm>> -> memref<1x128xi32, #tpu.memory_space<hbm>>
        %dma_start3A_249 = arith.constant 78 : i32
        %dma_start3A_250 = arith.constant 0 : i32
        %dma_start3A_251 = tpu.memref_slice %arg8[%dma_start3A_249, %dma_start3A_250] : memref<79x128xi32, #tpu.memory_space<vmem>> -> memref<1x128xi32, #tpu.memory_space<vmem>>
        %dma_start3A_252 = arith.constant 0 : i32
        %dma_start3A_253 = tpu.memref_slice %arg4[%add3A_243, %dma_start3A_252] : memref<2500x128xi32, #tpu.memory_space<hbm>> -> memref<1x128xi32, #tpu.memory_space<hbm>>
        tpu.enqueue_dma source(%dma_start3A_253 : memref<1x128xi32, #tpu.memory_space<hbm>>) target(%dma_start3A_251 : memref<1x128xi32, #tpu.memory_space<vmem>>) target_semaphore(%run_scoped3A : memref<!tpu.dma_semaphore, #tpu.memory_space<semaphore_mem>>)
        %dma_wait3A_254 = arith.constant 78 : i32
        %dma_wait3A_255 = arith.constant 0 : i32
        %dma_wait3A_256 = tpu.memref_slice %arg8[%dma_wait3A_254, %dma_wait3A_255] : memref<79x128xi32, #tpu.memory_space<vmem>> -> memref<1x128xi32, #tpu.memory_space<vmem>>
        %dma_wait3A_257 = arith.constant 0 : i32
        %dma_wait3A_258 = tpu.memref_slice %arg4[%add3A_243, %dma_wait3A_257] : memref<2500x128xi32, #tpu.memory_space<hbm>> -> memref<1x128xi32, #tpu.memory_space<hbm>>
        %dma_wait3A_259 = arith.constant 78 : i32
        %dma_wait3A_260 = arith.constant 0 : i32
        %dma_wait3A_261 = tpu.memref_slice %arg8[%dma_wait3A_259, %dma_wait3A_260] : memref<79x128xi32, #tpu.memory_space<vmem>> -> memref<1x128xi32, #tpu.memory_space<vmem>>
        %dma_wait3A_262 = arith.constant 0 : i32
        %dma_wait3A_263 = tpu.memref_slice %arg4[%add3A_243, %dma_wait3A_262] : memref<2500x128xi32, #tpu.memory_space<hbm>> -> memref<1x128xi32, #tpu.memory_space<hbm>>
        tpu.wait_dma2 semaphore(%run_scoped3A : memref<!tpu.dma_semaphore, #tpu.memory_space<semaphore_mem>>) src(%dma_wait3A_263 : memref<1x128xi32, #tpu.memory_space<hbm>>) dst(%dma_wait3A_261 : memref<1x128xi32, #tpu.memory_space<vmem>>)
        tpu.yield
      }) : () -> ()
    } else {
    }
    %mul3A_10 = arith.constant 625 : i32
    %mul3A_11 = arith.muli %arg1, %mul3A_10 : i32
    %mul3A_12 = arith.constant 625 : i32
    %mul3A_13 = arith.muli %arg1, %mul3A_12 : i32
    "tpu.region"() ({
      %run_scoped3A = tpu.sem_alloc : memref<!tpu.dma_semaphore, #tpu.memory_space<semaphore_mem>>
      %dma_start3A_240 = arith.constant 0 : i32
      %dma_start3A_241 = tpu.memref_slice %arg10[%mul3A_13, %dma_start3A_240] : memref<10000x8xf32, #tpu.memory_space<vmem_shared>> -> memref<625x8xf32, #tpu.memory_space<vmem_shared>>
      %dma_start3A_242 = arith.constant 0 : i32
      %dma_start3A_243 = tpu.memref_slice %arg2[%mul3A_11, %dma_start3A_242] : memref<10000x8xf32, #tpu.memory_space<hbm>> -> memref<625x8xf32, #tpu.memory_space<hbm>>
      tpu.enqueue_dma source(%dma_start3A_243 : memref<625x8xf32, #tpu.memory_space<hbm>>) target(%dma_start3A_241 : memref<625x8xf32, #tpu.memory_space<vmem_shared>>) target_semaphore(%run_scoped3A : memref<!tpu.dma_semaphore, #tpu.memory_space<semaphore_mem>>)
      %dma_wait3A_244 = arith.constant 0 : i32
      %dma_wait3A_245 = tpu.memref_slice %arg10[%mul3A_13, %dma_wait3A_244] : memref<10000x8xf32, #tpu.memory_space<vmem_shared>> -> memref<625x8xf32, #tpu.memory_space<vmem_shared>>
      %dma_wait3A_246 = arith.constant 0 : i32
      %dma_wait3A_247 = tpu.memref_slice %arg2[%mul3A_11, %dma_wait3A_246] : memref<10000x8xf32, #tpu.memory_space<hbm>> -> memref<625x8xf32, #tpu.memory_space<hbm>>
      tpu.wait_dma2 semaphore(%run_scoped3A : memref<!tpu.dma_semaphore, #tpu.memory_space<semaphore_mem>>) src(%dma_wait3A_247 : memref<625x8xf32, #tpu.memory_space<hbm>>) dst(%dma_wait3A_245 : memref<625x8xf32, #tpu.memory_space<vmem_shared>>)
      tpu.yield
    }) : () -> ()
    %mul3A_14 = arith.constant 320 : i32
    %mul3A_15 = arith.muli %arg1, %mul3A_14 : i32
    "tpu.region"() ({
      %run_scoped3A = tpu.sem_alloc : memref<!tpu.dma_semaphore, #tpu.memory_space<semaphore_mem>>
      %dma_start3A_240 = arith.constant 0 : i32
      %dma_start3A_241 = tpu.memref_slice %arg11[%mul3A_15, %dma_start3A_240] : memref<5120x8xf32, #tpu.memory_space<vmem_shared>> -> memref<320x8xf32, #tpu.memory_space<vmem_shared>>
      %dma_start3A_242 = arith.constant 0 : i32
      %dma_start3A_243 = arith.constant 0 : i32
      %dma_start3A_244 = tpu.memref_slice %arg5[%dma_start3A_242, %dma_start3A_243] : memref<640x8xf32, #tpu.memory_space<hbm>> -> memref<320x8xf32, #tpu.memory_space<hbm>>
      tpu.enqueue_dma source(%dma_start3A_244 : memref<320x8xf32, #tpu.memory_space<hbm>>) target(%dma_start3A_241 : memref<320x8xf32, #tpu.memory_space<vmem_shared>>) target_semaphore(%run_scoped3A : memref<!tpu.dma_semaphore, #tpu.memory_space<semaphore_mem>>)
      %dma_wait3A_245 = arith.constant 0 : i32
      %dma_wait3A_246 = tpu.memref_slice %arg11[%mul3A_15, %dma_wait3A_245] : memref<5120x8xf32, #tpu.memory_space<vmem_shared>> -> memref<320x8xf32, #tpu.memory_space<vmem_shared>>
      %dma_wait3A_247 = arith.constant 0 : i32
      %dma_wait3A_248 = arith.constant 0 : i32
      %dma_wait3A_249 = tpu.memref_slice %arg5[%dma_wait3A_247, %dma_wait3A_248] : memref<640x8xf32, #tpu.memory_space<hbm>> -> memref<320x8xf32, #tpu.memory_space<hbm>>
      tpu.wait_dma2 semaphore(%run_scoped3A : memref<!tpu.dma_semaphore, #tpu.memory_space<semaphore_mem>>) src(%dma_wait3A_249 : memref<320x8xf32, #tpu.memory_space<hbm>>) dst(%dma_wait3A_246 : memref<320x8xf32, #tpu.memory_space<vmem_shared>>)
      tpu.yield
    }) : () -> ()
    %barrier3A = arith.constant 0 : index
    tpu.barrier barrier_id(%barrier3A)
    %dma_start3A = arith.constant 0 : i32
    %dma_start3A_16 = arith.constant 0 : i32
    %dma_start3A_17 = arith.constant 0 : i32
    %dma_start3A_18 = arith.constant 0 : i32
    %dma_start3A_19 = tpu.memref_slice %arg9[%dma_start3A_16, %dma_start3A_17, %dma_start3A_18] : memref<8x128x8xf32, #tpu.memory_space<vmem>> -> memref<1x128x8xf32, #tpu.memory_space<vmem>>
    %dma_start3A_20 = tpu.memref_squeeze %dma_start3A_19 : memref<1x128x8xf32, #tpu.memory_space<vmem>> -> memref<128x8xf32, #tpu.memory_space<vmem>>
    %dma_start3A_21 = arith.constant 0 : i32
    %dma_start3A_22 = tpu.memref_slice %arg7[%dma_start3A, %dma_start3A_21] : memref<79x128xi32, #tpu.memory_space<vmem>> -> memref<1x128xi32, #tpu.memory_space<vmem>>
    %dma_start3A_23 = tpu.memref_squeeze %dma_start3A_22 : memref<1x128xi32, #tpu.memory_space<vmem>> -> memref<128xi32, #tpu.memory_space<vmem>>
    %dma_start3A_24 = arith.constant 0 : i32
    %dma_start3A_25 = arith.constant 0 : i32
    %dma_start3A_26 = tpu.memref_slice %arg10[%dma_start3A_24, %dma_start3A_25] : memref<10000x8xf32, #tpu.memory_space<vmem_shared>> -> memref<10000x8xf32, #tpu.memory_space<vmem_shared>>
    tpu.enqueue_indirect_dma source(%dma_start3A_26 : memref<10000x8xf32, #tpu.memory_space<vmem_shared>>) target(%dma_start3A_20 : memref<128x8xf32, #tpu.memory_space<vmem>>) offsets(%dma_start3A_23 : memref<128xi32, #tpu.memory_space<vmem>>) semaphore(%arg12 : memref<!tpu.dma_semaphore, #tpu.memory_space<semaphore_mem>>)
    %dma_start3A_27 = arith.constant 1 : i32
    %dma_start3A_28 = arith.constant 1 : i32
    %dma_start3A_29 = arith.constant 0 : i32
    %dma_start3A_30 = arith.constant 0 : i32
    %dma_start3A_31 = tpu.memref_slice %arg9[%dma_start3A_28, %dma_start3A_29, %dma_start3A_30] : memref<8x128x8xf32, #tpu.memory_space<vmem>> -> memref<1x128x8xf32, #tpu.memory_space<vmem>>
    %dma_start3A_32 = tpu.memref_squeeze %dma_start3A_31 : memref<1x128x8xf32, #tpu.memory_space<vmem>> -> memref<128x8xf32, #tpu.memory_space<vmem>>
    %dma_start3A_33 = arith.constant 0 : i32
    %dma_start3A_34 = tpu.memref_slice %arg7[%dma_start3A_27, %dma_start3A_33] : memref<79x128xi32, #tpu.memory_space<vmem>> -> memref<1x128xi32, #tpu.memory_space<vmem>>
    %dma_start3A_35 = tpu.memref_squeeze %dma_start3A_34 : memref<1x128xi32, #tpu.memory_space<vmem>> -> memref<128xi32, #tpu.memory_space<vmem>>
    %dma_start3A_36 = arith.constant 0 : i32
    %dma_start3A_37 = arith.constant 0 : i32
    %dma_start3A_38 = tpu.memref_slice %arg10[%dma_start3A_36, %dma_start3A_37] : memref<10000x8xf32, #tpu.memory_space<vmem_shared>> -> memref<10000x8xf32, #tpu.memory_space<vmem_shared>>
    tpu.enqueue_indirect_dma source(%dma_start3A_38 : memref<10000x8xf32, #tpu.memory_space<vmem_shared>>) target(%dma_start3A_32 : memref<128x8xf32, #tpu.memory_space<vmem>>) offsets(%dma_start3A_35 : memref<128xi32, #tpu.memory_space<vmem>>) semaphore(%arg13 : memref<!tpu.dma_semaphore, #tpu.memory_space<semaphore_mem>>)
    %dma_start3A_39 = arith.constant 2 : i32
    %dma_start3A_40 = arith.constant 2 : i32
    %dma_start3A_41 = arith.constant 0 : i32
    %dma_start3A_42 = arith.constant 0 : i32
    %dma_start3A_43 = tpu.memref_slice %arg9[%dma_start3A_40, %dma_start3A_41, %dma_start3A_42] : memref<8x128x8xf32, #tpu.memory_space<vmem>> -> memref<1x128x8xf32, #tpu.memory_space<vmem>>
    %dma_start3A_44 = tpu.memref_squeeze %dma_start3A_43 : memref<1x128x8xf32, #tpu.memory_space<vmem>> -> memref<128x8xf32, #tpu.memory_space<vmem>>
    %dma_start3A_45 = arith.constant 0 : i32
    %dma_start3A_46 = tpu.memref_slice %arg7[%dma_start3A_39, %dma_start3A_45] : memref<79x128xi32, #tpu.memory_space<vmem>> -> memref<1x128xi32, #tpu.memory_space<vmem>>
    %dma_start3A_47 = tpu.memref_squeeze %dma_start3A_46 : memref<1x128xi32, #tpu.memory_space<vmem>> -> memref<128xi32, #tpu.memory_space<vmem>>
    %dma_start3A_48 = arith.constant 0 : i32
    %dma_start3A_49 = arith.constant 0 : i32
    %dma_start3A_50 = tpu.memref_slice %arg10[%dma_start3A_48, %dma_start3A_49] : memref<10000x8xf32, #tpu.memory_space<vmem_shared>> -> memref<10000x8xf32, #tpu.memory_space<vmem_shared>>
    tpu.enqueue_indirect_dma source(%dma_start3A_50 : memref<10000x8xf32, #tpu.memory_space<vmem_shared>>) target(%dma_start3A_44 : memref<128x8xf32, #tpu.memory_space<vmem>>) offsets(%dma_start3A_47 : memref<128xi32, #tpu.memory_space<vmem>>) semaphore(%arg14 : memref<!tpu.dma_semaphore, #tpu.memory_space<semaphore_mem>>)
    %dma_start3A_51 = arith.constant 3 : i32
    %dma_start3A_52 = arith.constant 3 : i32
    %dma_start3A_53 = arith.constant 0 : i32
    %dma_start3A_54 = arith.constant 0 : i32
    %dma_start3A_55 = tpu.memref_slice %arg9[%dma_start3A_52, %dma_start3A_53, %dma_start3A_54] : memref<8x128x8xf32, #tpu.memory_space<vmem>> -> memref<1x128x8xf32, #tpu.memory_space<vmem>>
    %dma_start3A_56 = tpu.memref_squeeze %dma_start3A_55 : memref<1x128x8xf32, #tpu.memory_space<vmem>> -> memref<128x8xf32, #tpu.memory_space<vmem>>
    %dma_start3A_57 = arith.constant 0 : i32
    %dma_start3A_58 = tpu.memref_slice %arg7[%dma_start3A_51, %dma_start3A_57] : memref<79x128xi32, #tpu.memory_space<vmem>> -> memref<1x128xi32, #tpu.memory_space<vmem>>
    %dma_start3A_59 = tpu.memref_squeeze %dma_start3A_58 : memref<1x128xi32, #tpu.memory_space<vmem>> -> memref<128xi32, #tpu.memory_space<vmem>>
    %dma_start3A_60 = arith.constant 0 : i32
    %dma_start3A_61 = arith.constant 0 : i32
    %dma_start3A_62 = tpu.memref_slice %arg10[%dma_start3A_60, %dma_start3A_61] : memref<10000x8xf32, #tpu.memory_space<vmem_shared>> -> memref<10000x8xf32, #tpu.memory_space<vmem_shared>>
    tpu.enqueue_indirect_dma source(%dma_start3A_62 : memref<10000x8xf32, #tpu.memory_space<vmem_shared>>) target(%dma_start3A_56 : memref<128x8xf32, #tpu.memory_space<vmem>>) offsets(%dma_start3A_59 : memref<128xi32, #tpu.memory_space<vmem>>) semaphore(%arg15 : memref<!tpu.dma_semaphore, #tpu.memory_space<semaphore_mem>>)
    %dma_start3A_63 = arith.constant 4 : i32
    %dma_start3A_64 = arith.constant 4 : i32
    %dma_start3A_65 = arith.constant 0 : i32
    %dma_start3A_66 = arith.constant 0 : i32
    %dma_start3A_67 = tpu.memref_slice %arg9[%dma_start3A_64, %dma_start3A_65, %dma_start3A_66] : memref<8x128x8xf32, #tpu.memory_space<vmem>> -> memref<1x128x8xf32, #tpu.memory_space<vmem>>
    %dma_start3A_68 = tpu.memref_squeeze %dma_start3A_67 : memref<1x128x8xf32, #tpu.memory_space<vmem>> -> memref<128x8xf32, #tpu.memory_space<vmem>>
    %dma_start3A_69 = arith.constant 0 : i32
    %dma_start3A_70 = tpu.memref_slice %arg7[%dma_start3A_63, %dma_start3A_69] : memref<79x128xi32, #tpu.memory_space<vmem>> -> memref<1x128xi32, #tpu.memory_space<vmem>>
    %dma_start3A_71 = tpu.memref_squeeze %dma_start3A_70 : memref<1x128xi32, #tpu.memory_space<vmem>> -> memref<128xi32, #tpu.memory_space<vmem>>
    %dma_start3A_72 = arith.constant 0 : i32
    %dma_start3A_73 = arith.constant 0 : i32
    %dma_start3A_74 = tpu.memref_slice %arg10[%dma_start3A_72, %dma_start3A_73] : memref<10000x8xf32, #tpu.memory_space<vmem_shared>> -> memref<10000x8xf32, #tpu.memory_space<vmem_shared>>
    tpu.enqueue_indirect_dma source(%dma_start3A_74 : memref<10000x8xf32, #tpu.memory_space<vmem_shared>>) target(%dma_start3A_68 : memref<128x8xf32, #tpu.memory_space<vmem>>) offsets(%dma_start3A_71 : memref<128xi32, #tpu.memory_space<vmem>>) semaphore(%arg16 : memref<!tpu.dma_semaphore, #tpu.memory_space<semaphore_mem>>)
    %dma_start3A_75 = arith.constant 5 : i32
    %dma_start3A_76 = arith.constant 5 : i32
    %dma_start3A_77 = arith.constant 0 : i32
    %dma_start3A_78 = arith.constant 0 : i32
    %dma_start3A_79 = tpu.memref_slice %arg9[%dma_start3A_76, %dma_start3A_77, %dma_start3A_78] : memref<8x128x8xf32, #tpu.memory_space<vmem>> -> memref<1x128x8xf32, #tpu.memory_space<vmem>>
    %dma_start3A_80 = tpu.memref_squeeze %dma_start3A_79 : memref<1x128x8xf32, #tpu.memory_space<vmem>> -> memref<128x8xf32, #tpu.memory_space<vmem>>
    %dma_start3A_81 = arith.constant 0 : i32
    %dma_start3A_82 = tpu.memref_slice %arg7[%dma_start3A_75, %dma_start3A_81] : memref<79x128xi32, #tpu.memory_space<vmem>> -> memref<1x128xi32, #tpu.memory_space<vmem>>
    %dma_start3A_83 = tpu.memref_squeeze %dma_start3A_82 : memref<1x128xi32, #tpu.memory_space<vmem>> -> memref<128xi32, #tpu.memory_space<vmem>>
    %dma_start3A_84 = arith.constant 0 : i32
    %dma_start3A_85 = arith.constant 0 : i32
    %dma_start3A_86 = tpu.memref_slice %arg10[%dma_start3A_84, %dma_start3A_85] : memref<10000x8xf32, #tpu.memory_space<vmem_shared>> -> memref<10000x8xf32, #tpu.memory_space<vmem_shared>>
    tpu.enqueue_indirect_dma source(%dma_start3A_86 : memref<10000x8xf32, #tpu.memory_space<vmem_shared>>) target(%dma_start3A_80 : memref<128x8xf32, #tpu.memory_space<vmem>>) offsets(%dma_start3A_83 : memref<128xi32, #tpu.memory_space<vmem>>) semaphore(%arg17 : memref<!tpu.dma_semaphore, #tpu.memory_space<semaphore_mem>>)
    %dma_start3A_87 = arith.constant 6 : i32
    %dma_start3A_88 = arith.constant 6 : i32
    %dma_start3A_89 = arith.constant 0 : i32
    %dma_start3A_90 = arith.constant 0 : i32
    %dma_start3A_91 = tpu.memref_slice %arg9[%dma_start3A_88, %dma_start3A_89, %dma_start3A_90] : memref<8x128x8xf32, #tpu.memory_space<vmem>> -> memref<1x128x8xf32, #tpu.memory_space<vmem>>
    %dma_start3A_92 = tpu.memref_squeeze %dma_start3A_91 : memref<1x128x8xf32, #tpu.memory_space<vmem>> -> memref<128x8xf32, #tpu.memory_space<vmem>>
    %dma_start3A_93 = arith.constant 0 : i32
    %dma_start3A_94 = tpu.memref_slice %arg7[%dma_start3A_87, %dma_start3A_93] : memref<79x128xi32, #tpu.memory_space<vmem>> -> memref<1x128xi32, #tpu.memory_space<vmem>>
    %dma_start3A_95 = tpu.memref_squeeze %dma_start3A_94 : memref<1x128xi32, #tpu.memory_space<vmem>> -> memref<128xi32, #tpu.memory_space<vmem>>
    %dma_start3A_96 = arith.constant 0 : i32
    %dma_start3A_97 = arith.constant 0 : i32
    %dma_start3A_98 = tpu.memref_slice %arg10[%dma_start3A_96, %dma_start3A_97] : memref<10000x8xf32, #tpu.memory_space<vmem_shared>> -> memref<10000x8xf32, #tpu.memory_space<vmem_shared>>
    tpu.enqueue_indirect_dma source(%dma_start3A_98 : memref<10000x8xf32, #tpu.memory_space<vmem_shared>>) target(%dma_start3A_92 : memref<128x8xf32, #tpu.memory_space<vmem>>) offsets(%dma_start3A_95 : memref<128xi32, #tpu.memory_space<vmem>>) semaphore(%arg18 : memref<!tpu.dma_semaphore, #tpu.memory_space<semaphore_mem>>)
    %dma_start3A_99 = arith.constant 7 : i32
    %dma_start3A_100 = arith.constant 7 : i32
    %dma_start3A_101 = arith.constant 0 : i32
    %dma_start3A_102 = arith.constant 0 : i32
    %dma_start3A_103 = tpu.memref_slice %arg9[%dma_start3A_100, %dma_start3A_101, %dma_start3A_102] : memref<8x128x8xf32, #tpu.memory_space<vmem>> -> memref<1x128x8xf32, #tpu.memory_space<vmem>>
    %dma_start3A_104 = tpu.memref_squeeze %dma_start3A_103 : memref<1x128x8xf32, #tpu.memory_space<vmem>> -> memref<128x8xf32, #tpu.memory_space<vmem>>
    %dma_start3A_105 = arith.constant 0 : i32
    %dma_start3A_106 = tpu.memref_slice %arg7[%dma_start3A_99, %dma_start3A_105] : memref<79x128xi32, #tpu.memory_space<vmem>> -> memref<1x128xi32, #tpu.memory_space<vmem>>
    %dma_start3A_107 = tpu.memref_squeeze %dma_start3A_106 : memref<1x128xi32, #tpu.memory_space<vmem>> -> memref<128xi32, #tpu.memory_space<vmem>>
    %dma_start3A_108 = arith.constant 0 : i32
    %dma_start3A_109 = arith.constant 0 : i32
    %dma_start3A_110 = tpu.memref_slice %arg10[%dma_start3A_108, %dma_start3A_109] : memref<10000x8xf32, #tpu.memory_space<vmem_shared>> -> memref<10000x8xf32, #tpu.memory_space<vmem_shared>>
    tpu.enqueue_indirect_dma source(%dma_start3A_110 : memref<10000x8xf32, #tpu.memory_space<vmem_shared>>) target(%dma_start3A_104 : memref<128x8xf32, #tpu.memory_space<vmem>>) offsets(%dma_start3A_107 : memref<128xi32, #tpu.memory_space<vmem>>) semaphore(%arg19 : memref<!tpu.dma_semaphore, #tpu.memory_space<semaphore_mem>>)
    %scan3A = arith.constant 0 : i32
    %scan3A_111 = arith.constant 0 : i32
    %scan3A_112 = arith.constant 10 : i32
    %scan3A_113 = arith.addi %scan3A_111, %scan3A_112 : i32
    %scan3A_114 = arith.constant 1 : i32
    scf.for %scan3A_240 = %scan3A_111 to %scan3A_113 step %scan3A_114  : i32 {
      %mul3A_241 = arith.constant 8 : i32
      %mul3A_242 = arith.muli %scan3A_240, %mul3A_241 : i32
      %add3A_243 = arith.constant 0 : i32
      %add3A_244 = arith.addi %mul3A_242, %add3A_243 : i32
      %lt3A_245 = arith.cmpi slt, %add3A_244, %select_n3A : i32
      %convert_element_type3A_246 = arith.extui %lt3A_245 : i1 to i32
      %cond3A_247 = arith.constant 0 : i32
      %cond3A_248 = arith.cmpi ne, %convert_element_type3A_246, %cond3A_247 : i32
      scf.if %cond3A_248 {
        %dma_wait3A_305 = arith.constant 0 : i32
        %dma_wait3A_306 = arith.constant 0 : i32
        %dma_wait3A_307 = arith.constant 0 : i32
        %dma_wait3A_308 = arith.constant 0 : i32
        %dma_wait3A_309 = tpu.memref_slice %arg9[%dma_wait3A_306, %dma_wait3A_307, %dma_wait3A_308] : memref<8x128x8xf32, #tpu.memory_space<vmem>> -> memref<1x128x8xf32, #tpu.memory_space<vmem>>
        %dma_wait3A_310 = tpu.memref_squeeze %dma_wait3A_309 : memref<1x128x8xf32, #tpu.memory_space<vmem>> -> memref<128x8xf32, #tpu.memory_space<vmem>>
        %dma_wait3A_311 = arith.constant 0 : i32
        %dma_wait3A_312 = tpu.memref_slice %arg7[%dma_wait3A_305, %dma_wait3A_311] : memref<79x128xi32, #tpu.memory_space<vmem>> -> memref<1x128xi32, #tpu.memory_space<vmem>>
        %dma_wait3A_313 = tpu.memref_squeeze %dma_wait3A_312 : memref<1x128xi32, #tpu.memory_space<vmem>> -> memref<128xi32, #tpu.memory_space<vmem>>
        %dma_wait3A_314 = arith.constant 0 : i32
        %dma_wait3A_315 = arith.constant 0 : i32
        %dma_wait3A_316 = tpu.memref_slice %arg10[%dma_wait3A_314, %dma_wait3A_315] : memref<10000x8xf32, #tpu.memory_space<vmem_shared>> -> memref<10000x8xf32, #tpu.memory_space<vmem_shared>>
        tpu.wait_indirect_dma semaphore(%arg12 : memref<!tpu.dma_semaphore, #tpu.memory_space<semaphore_mem>>) src(%dma_wait3A_316 : memref<10000x8xf32, #tpu.memory_space<vmem_shared>>) dst(%dma_wait3A_310 : memref<128x8xf32, #tpu.memory_space<vmem>>)
        %dma_start3A_317 = arith.constant 0 : i32
        %dma_start3A_318 = arith.constant 0 : i32
        %dma_start3A_319 = arith.constant 0 : i32
        %dma_start3A_320 = tpu.memref_slice %arg9[%dma_start3A_317, %dma_start3A_318, %dma_start3A_319] : memref<8x128x8xf32, #tpu.memory_space<vmem>> -> memref<1x128x8xf32, #tpu.memory_space<vmem>>
        %dma_start3A_321 = tpu.memref_squeeze %dma_start3A_320 : memref<1x128x8xf32, #tpu.memory_space<vmem>> -> memref<128x8xf32, #tpu.memory_space<vmem>>
        %dma_start3A_322 = arith.constant 0 : i32
        %dma_start3A_323 = tpu.memref_slice %arg8[%add3A_244, %dma_start3A_322] : memref<79x128xi32, #tpu.memory_space<vmem>> -> memref<1x128xi32, #tpu.memory_space<vmem>>
        %dma_start3A_324 = tpu.memref_squeeze %dma_start3A_323 : memref<1x128xi32, #tpu.memory_space<vmem>> -> memref<128xi32, #tpu.memory_space<vmem>>
        %dma_start3A_325 = arith.constant 0 : i32
        %dma_start3A_326 = arith.constant 0 : i32
        %dma_start3A_327 = tpu.memref_slice %arg11[%dma_start3A_325, %dma_start3A_326] : memref<5120x8xf32, #tpu.memory_space<vmem_shared>> -> memref<5120x8xf32, #tpu.memory_space<vmem_shared>>
        tpu.enqueue_indirect_dma source(%dma_start3A_321 : memref<128x8xf32, #tpu.memory_space<vmem>>) target(%dma_start3A_327 : memref<5120x8xf32, #tpu.memory_space<vmem_shared>>) offsets(%dma_start3A_324 : memref<128xi32, #tpu.memory_space<vmem>>) semaphore(%arg20 : memref<!tpu.dma_semaphore, #tpu.memory_space<semaphore_mem>>) {add = true}
        %ge3A = arith.constant 1 : i32
        %ge3A_328 = arith.cmpi sge, %add3A_244, %ge3A : i32
        %sub3A = arith.constant 8 : i32
        %sub3A_329 = arith.subi %select_n3A, %sub3A : i32
        %le3A = arith.cmpi sle, %add3A_244, %sub3A_329 : i32
        %and3A = arith.andi %ge3A_328, %le3A : i1
        %convert_element_type3A_330 = arith.extui %and3A : i1 to i32
        %cond3A_331 = arith.constant 0 : i32
        %cond3A_332 = arith.cmpi ne, %convert_element_type3A_330, %cond3A_331 : i32
        scf.if %cond3A_332 {
          %dma_wait3A_333 = arith.constant 7 : i32
          %dma_wait3A_334 = arith.constant 0 : i32
          %dma_wait3A_335 = arith.constant 0 : i32
          %dma_wait3A_336 = tpu.memref_slice %arg9[%dma_wait3A_333, %dma_wait3A_334, %dma_wait3A_335] : memref<8x128x8xf32, #tpu.memory_space<vmem>> -> memref<1x128x8xf32, #tpu.memory_space<vmem>>
          %dma_wait3A_337 = tpu.memref_squeeze %dma_wait3A_336 : memref<1x128x8xf32, #tpu.memory_space<vmem>> -> memref<128x8xf32, #tpu.memory_space<vmem>>
          %dma_wait3A_338 = arith.constant 0 : i32
          %dma_wait3A_339 = arith.constant 0 : i32
          %dma_wait3A_340 = tpu.memref_slice %arg5[%dma_wait3A_338, %dma_wait3A_339] : memref<640x8xf32, #tpu.memory_space<hbm>> -> memref<128x8xf32, #tpu.memory_space<hbm>>
          %dma_wait3A_341 = arith.constant 0 : i32
          %dma_wait3A_342 = arith.constant 0 : i32
          %dma_wait3A_343 = tpu.memref_slice %arg9[%dma_wait3A_333, %dma_wait3A_341, %dma_wait3A_342] : memref<8x128x8xf32, #tpu.memory_space<vmem>> -> memref<1x128x8xf32, #tpu.memory_space<vmem>>
          %dma_wait3A_344 = tpu.memref_squeeze %dma_wait3A_343 : memref<1x128x8xf32, #tpu.memory_space<vmem>> -> memref<128x8xf32, #tpu.memory_space<vmem>>
          %dma_wait3A_345 = arith.constant 0 : i32
          %dma_wait3A_346 = arith.constant 0 : i32
          %dma_wait3A_347 = tpu.memref_slice %arg5[%dma_wait3A_345, %dma_wait3A_346] : memref<640x8xf32, #tpu.memory_space<hbm>> -> memref<128x8xf32, #tpu.memory_space<hbm>>
          tpu.wait_dma2 semaphore(%arg27 : memref<!tpu.dma_semaphore, #tpu.memory_space<semaphore_mem>>) src(%dma_wait3A_347 : memref<128x8xf32, #tpu.memory_space<hbm>>) dst(%dma_wait3A_344 : memref<128x8xf32, #tpu.memory_space<vmem>>)
          %sub3A_348 = arith.constant 1 : i32
          %sub3A_349 = arith.subi %add3A_244, %sub3A_348 : i32
          %add3A_350 = arith.constant 8 : i32
          %add3A_351 = arith.addi %sub3A_349, %add3A_350 : i32
          %dma_start3A_352 = arith.constant 7 : i32
          %dma_start3A_353 = arith.constant 0 : i32
          %dma_start3A_354 = arith.constant 0 : i32
          %dma_start3A_355 = tpu.memref_slice %arg9[%dma_start3A_352, %dma_start3A_353, %dma_start3A_354] : memref<8x128x8xf32, #tpu.memory_space<vmem>> -> memref<1x128x8xf32, #tpu.memory_space<vmem>>
          %dma_start3A_356 = tpu.memref_squeeze %dma_start3A_355 : memref<1x128x8xf32, #tpu.memory_space<vmem>> -> memref<128x8xf32, #tpu.memory_space<vmem>>
          %dma_start3A_357 = arith.constant 0 : i32
          %dma_start3A_358 = tpu.memref_slice %arg7[%add3A_351, %dma_start3A_357] : memref<79x128xi32, #tpu.memory_space<vmem>> -> memref<1x128xi32, #tpu.memory_space<vmem>>
          %dma_start3A_359 = tpu.memref_squeeze %dma_start3A_358 : memref<1x128xi32, #tpu.memory_space<vmem>> -> memref<128xi32, #tpu.memory_space<vmem>>
          %dma_start3A_360 = arith.constant 0 : i32
          %dma_start3A_361 = arith.constant 0 : i32
          %dma_start3A_362 = tpu.memref_slice %arg10[%dma_start3A_360, %dma_start3A_361] : memref<10000x8xf32, #tpu.memory_space<vmem_shared>> -> memref<10000x8xf32, #tpu.memory_space<vmem_shared>>
          tpu.enqueue_indirect_dma source(%dma_start3A_362 : memref<10000x8xf32, #tpu.memory_space<vmem_shared>>) target(%dma_start3A_356 : memref<128x8xf32, #tpu.memory_space<vmem>>) offsets(%dma_start3A_359 : memref<128xi32, #tpu.memory_space<vmem>>) semaphore(%arg19 : memref<!tpu.dma_semaphore, #tpu.memory_space<semaphore_mem>>)
        } else {
        }
      } else {
      }
      %mul3A_249 = arith.constant 8 : i32
      %mul3A_250 = arith.muli %scan3A_240, %mul3A_249 : i32
      %add3A_251 = arith.constant 1 : i32
      %add3A_252 = arith.addi %mul3A_250, %add3A_251 : i32
      %lt3A_253 = arith.cmpi slt, %add3A_252, %select_n3A : i32
      %convert_element_type3A_254 = arith.extui %lt3A_253 : i1 to i32
      %cond3A_255 = arith.constant 0 : i32
      %cond3A_256 = arith.cmpi ne, %convert_element_type3A_254, %cond3A_255 : i32
      scf.if %cond3A_256 {
        %dma_wait3A_305 = arith.constant 1 : i32
        %dma_wait3A_306 = arith.constant 1 : i32
        %dma_wait3A_307 = arith.constant 0 : i32
        %dma_wait3A_308 = arith.constant 0 : i32
        %dma_wait3A_309 = tpu.memref_slice %arg9[%dma_wait3A_306, %dma_wait3A_307, %dma_wait3A_308] : memref<8x128x8xf32, #tpu.memory_space<vmem>> -> memref<1x128x8xf32, #tpu.memory_space<vmem>>
        %dma_wait3A_310 = tpu.memref_squeeze %dma_wait3A_309 : memref<1x128x8xf32, #tpu.memory_space<vmem>> -> memref<128x8xf32, #tpu.memory_space<vmem>>
        %dma_wait3A_311 = arith.constant 0 : i32
        %dma_wait3A_312 = tpu.memref_slice %arg7[%dma_wait3A_305, %dma_wait3A_311] : memref<79x128xi32, #tpu.memory_space<vmem>> -> memref<1x128xi32, #tpu.memory_space<vmem>>
        %dma_wait3A_313 = tpu.memref_squeeze %dma_wait3A_312 : memref<1x128xi32, #tpu.memory_space<vmem>> -> memref<128xi32, #tpu.memory_space<vmem>>
        %dma_wait3A_314 = arith.constant 0 : i32
        %dma_wait3A_315 = arith.constant 0 : i32
        %dma_wait3A_316 = tpu.memref_slice %arg10[%dma_wait3A_314, %dma_wait3A_315] : memref<10000x8xf32, #tpu.memory_space<vmem_shared>> -> memref<10000x8xf32, #tpu.memory_space<vmem_shared>>
        tpu.wait_indirect_dma semaphore(%arg13 : memref<!tpu.dma_semaphore, #tpu.memory_space<semaphore_mem>>) src(%dma_wait3A_316 : memref<10000x8xf32, #tpu.memory_space<vmem_shared>>) dst(%dma_wait3A_310 : memref<128x8xf32, #tpu.memory_space<vmem>>)
        %dma_start3A_317 = arith.constant 1 : i32
        %dma_start3A_318 = arith.constant 0 : i32
        %dma_start3A_319 = arith.constant 0 : i32
        %dma_start3A_320 = tpu.memref_slice %arg9[%dma_start3A_317, %dma_start3A_318, %dma_start3A_319] : memref<8x128x8xf32, #tpu.memory_space<vmem>> -> memref<1x128x8xf32, #tpu.memory_space<vmem>>
        %dma_start3A_321 = tpu.memref_squeeze %dma_start3A_320 : memref<1x128x8xf32, #tpu.memory_space<vmem>> -> memref<128x8xf32, #tpu.memory_space<vmem>>
        %dma_start3A_322 = arith.constant 0 : i32
        %dma_start3A_323 = tpu.memref_slice %arg8[%add3A_252, %dma_start3A_322] : memref<79x128xi32, #tpu.memory_space<vmem>> -> memref<1x128xi32, #tpu.memory_space<vmem>>
        %dma_start3A_324 = tpu.memref_squeeze %dma_start3A_323 : memref<1x128xi32, #tpu.memory_space<vmem>> -> memref<128xi32, #tpu.memory_space<vmem>>
        %dma_start3A_325 = arith.constant 0 : i32
        %dma_start3A_326 = arith.constant 0 : i32
        %dma_start3A_327 = tpu.memref_slice %arg11[%dma_start3A_325, %dma_start3A_326] : memref<5120x8xf32, #tpu.memory_space<vmem_shared>> -> memref<5120x8xf32, #tpu.memory_space<vmem_shared>>
        tpu.enqueue_indirect_dma source(%dma_start3A_321 : memref<128x8xf32, #tpu.memory_space<vmem>>) target(%dma_start3A_327 : memref<5120x8xf32, #tpu.memory_space<vmem_shared>>) offsets(%dma_start3A_324 : memref<128xi32, #tpu.memory_space<vmem>>) semaphore(%arg21 : memref<!tpu.dma_semaphore, #tpu.memory_space<semaphore_mem>>) {add = true}
        %ge3A = arith.constant 1 : i32
        %ge3A_328 = arith.cmpi sge, %add3A_252, %ge3A : i32
        %sub3A = arith.constant 8 : i32
        %sub3A_329 = arith.subi %select_n3A, %sub3A : i32
        %le3A = arith.cmpi sle, %add3A_252, %sub3A_329 : i32
        %and3A = arith.andi %ge3A_328, %le3A : i1
        %convert_element_type3A_330 = arith.extui %and3A : i1 to i32
        %cond3A_331 = arith.constant 0 : i32
        %cond3A_332 = arith.cmpi ne, %convert_element_type3A_330, %cond3A_331 : i32
        scf.if %cond3A_332 {
          %dma_wait3A_333 = arith.constant 0 : i32
          %dma_wait3A_334 = arith.constant 0 : i32
          %dma_wait3A_335 = arith.constant 0 : i32
          %dma_wait3A_336 = tpu.memref_slice %arg9[%dma_wait3A_333, %dma_wait3A_334, %dma_wait3A_335] : memref<8x128x8xf32, #tpu.memory_space<vmem>> -> memref<1x128x8xf32, #tpu.memory_space<vmem>>
          %dma_wait3A_337 = tpu.memref_squeeze %dma_wait3A_336 : memref<1x128x8xf32, #tpu.memory_space<vmem>> -> memref<128x8xf32, #tpu.memory_space<vmem>>
          %dma_wait3A_338 = arith.constant 0 : i32
          %dma_wait3A_339 = arith.constant 0 : i32
          %dma_wait3A_340 = tpu.memref_slice %arg5[%dma_wait3A_338, %dma_wait3A_339] : memref<640x8xf32, #tpu.memory_space<hbm>> -> memref<128x8xf32, #tpu.memory_space<hbm>>
          %dma_wait3A_341 = arith.constant 0 : i32
          %dma_wait3A_342 = arith.constant 0 : i32
          %dma_wait3A_343 = tpu.memref_slice %arg9[%dma_wait3A_333, %dma_wait3A_341, %dma_wait3A_342] : memref<8x128x8xf32, #tpu.memory_space<vmem>> -> memref<1x128x8xf32, #tpu.memory_space<vmem>>
          %dma_wait3A_344 = tpu.memref_squeeze %dma_wait3A_343 : memref<1x128x8xf32, #tpu.memory_space<vmem>> -> memref<128x8xf32, #tpu.memory_space<vmem>>
          %dma_wait3A_345 = arith.constant 0 : i32
          %dma_wait3A_346 = arith.constant 0 : i32
          %dma_wait3A_347 = tpu.memref_slice %arg5[%dma_wait3A_345, %dma_wait3A_346] : memref<640x8xf32, #tpu.memory_space<hbm>> -> memref<128x8xf32, #tpu.memory_space<hbm>>
          tpu.wait_dma2 semaphore(%arg20 : memref<!tpu.dma_semaphore, #tpu.memory_space<semaphore_mem>>) src(%dma_wait3A_347 : memref<128x8xf32, #tpu.memory_space<hbm>>) dst(%dma_wait3A_344 : memref<128x8xf32, #tpu.memory_space<vmem>>)
          %sub3A_348 = arith.constant 1 : i32
          %sub3A_349 = arith.subi %add3A_252, %sub3A_348 : i32
          %add3A_350 = arith.constant 8 : i32
          %add3A_351 = arith.addi %sub3A_349, %add3A_350 : i32
          %dma_start3A_352 = arith.constant 0 : i32
          %dma_start3A_353 = arith.constant 0 : i32
          %dma_start3A_354 = arith.constant 0 : i32
          %dma_start3A_355 = tpu.memref_slice %arg9[%dma_start3A_352, %dma_start3A_353, %dma_start3A_354] : memref<8x128x8xf32, #tpu.memory_space<vmem>> -> memref<1x128x8xf32, #tpu.memory_space<vmem>>
          %dma_start3A_356 = tpu.memref_squeeze %dma_start3A_355 : memref<1x128x8xf32, #tpu.memory_space<vmem>> -> memref<128x8xf32, #tpu.memory_space<vmem>>
          %dma_start3A_357 = arith.constant 0 : i32
          %dma_start3A_358 = tpu.memref_slice %arg7[%add3A_351, %dma_start3A_357] : memref<79x128xi32, #tpu.memory_space<vmem>> -> memref<1x128xi32, #tpu.memory_space<vmem>>
          %dma_start3A_359 = tpu.memref_squeeze %dma_start3A_358 : memref<1x128xi32, #tpu.memory_space<vmem>> -> memref<128xi32, #tpu.memory_space<vmem>>
          %dma_start3A_360 = arith.constant 0 : i32
          %dma_start3A_361 = arith.constant 0 : i32
          %dma_start3A_362 = tpu.memref_slice %arg10[%dma_start3A_360, %dma_start3A_361] : memref<10000x8xf32, #tpu.memory_space<vmem_shared>> -> memref<10000x8xf32, #tpu.memory_space<vmem_shared>>
          tpu.enqueue_indirect_dma source(%dma_start3A_362 : memref<10000x8xf32, #tpu.memory_space<vmem_shared>>) target(%dma_start3A_356 : memref<128x8xf32, #tpu.memory_space<vmem>>) offsets(%dma_start3A_359 : memref<128xi32, #tpu.memory_space<vmem>>) semaphore(%arg12 : memref<!tpu.dma_semaphore, #tpu.memory_space<semaphore_mem>>)
        } else {
        }
      } else {
      }
      %mul3A_257 = arith.constant 8 : i32
      %mul3A_258 = arith.muli %scan3A_240, %mul3A_257 : i32
      %add3A_259 = arith.constant 2 : i32
      %add3A_260 = arith.addi %mul3A_258, %add3A_259 : i32
      %lt3A_261 = arith.cmpi slt, %add3A_260, %select_n3A : i32
      %convert_element_type3A_262 = arith.extui %lt3A_261 : i1 to i32
      %cond3A_263 = arith.constant 0 : i32
      %cond3A_264 = arith.cmpi ne, %convert_element_type3A_262, %cond3A_263 : i32
      scf.if %cond3A_264 {
        %dma_wait3A_305 = arith.constant 2 : i32
        %dma_wait3A_306 = arith.constant 2 : i32
        %dma_wait3A_307 = arith.constant 0 : i32
        %dma_wait3A_308 = arith.constant 0 : i32
        %dma_wait3A_309 = tpu.memref_slice %arg9[%dma_wait3A_306, %dma_wait3A_307, %dma_wait3A_308] : memref<8x128x8xf32, #tpu.memory_space<vmem>> -> memref<1x128x8xf32, #tpu.memory_space<vmem>>
        %dma_wait3A_310 = tpu.memref_squeeze %dma_wait3A_309 : memref<1x128x8xf32, #tpu.memory_space<vmem>> -> memref<128x8xf32, #tpu.memory_space<vmem>>
        %dma_wait3A_311 = arith.constant 0 : i32
        %dma_wait3A_312 = tpu.memref_slice %arg7[%dma_wait3A_305, %dma_wait3A_311] : memref<79x128xi32, #tpu.memory_space<vmem>> -> memref<1x128xi32, #tpu.memory_space<vmem>>
        %dma_wait3A_313 = tpu.memref_squeeze %dma_wait3A_312 : memref<1x128xi32, #tpu.memory_space<vmem>> -> memref<128xi32, #tpu.memory_space<vmem>>
        %dma_wait3A_314 = arith.constant 0 : i32
        %dma_wait3A_315 = arith.constant 0 : i32
        %dma_wait3A_316 = tpu.memref_slice %arg10[%dma_wait3A_314, %dma_wait3A_315] : memref<10000x8xf32, #tpu.memory_space<vmem_shared>> -> memref<10000x8xf32, #tpu.memory_space<vmem_shared>>
        tpu.wait_indirect_dma semaphore(%arg14 : memref<!tpu.dma_semaphore, #tpu.memory_space<semaphore_mem>>) src(%dma_wait3A_316 : memref<10000x8xf32, #tpu.memory_space<vmem_shared>>) dst(%dma_wait3A_310 : memref<128x8xf32, #tpu.memory_space<vmem>>)
        %dma_start3A_317 = arith.constant 2 : i32
        %dma_start3A_318 = arith.constant 0 : i32
        %dma_start3A_319 = arith.constant 0 : i32
        %dma_start3A_320 = tpu.memref_slice %arg9[%dma_start3A_317, %dma_start3A_318, %dma_start3A_319] : memref<8x128x8xf32, #tpu.memory_space<vmem>> -> memref<1x128x8xf32, #tpu.memory_space<vmem>>
        %dma_start3A_321 = tpu.memref_squeeze %dma_start3A_320 : memref<1x128x8xf32, #tpu.memory_space<vmem>> -> memref<128x8xf32, #tpu.memory_space<vmem>>
        %dma_start3A_322 = arith.constant 0 : i32
        %dma_start3A_323 = tpu.memref_slice %arg8[%add3A_260, %dma_start3A_322] : memref<79x128xi32, #tpu.memory_space<vmem>> -> memref<1x128xi32, #tpu.memory_space<vmem>>
        %dma_start3A_324 = tpu.memref_squeeze %dma_start3A_323 : memref<1x128xi32, #tpu.memory_space<vmem>> -> memref<128xi32, #tpu.memory_space<vmem>>
        %dma_start3A_325 = arith.constant 0 : i32
        %dma_start3A_326 = arith.constant 0 : i32
        %dma_start3A_327 = tpu.memref_slice %arg11[%dma_start3A_325, %dma_start3A_326] : memref<5120x8xf32, #tpu.memory_space<vmem_shared>> -> memref<5120x8xf32, #tpu.memory_space<vmem_shared>>
        tpu.enqueue_indirect_dma source(%dma_start3A_321 : memref<128x8xf32, #tpu.memory_space<vmem>>) target(%dma_start3A_327 : memref<5120x8xf32, #tpu.memory_space<vmem_shared>>) offsets(%dma_start3A_324 : memref<128xi32, #tpu.memory_space<vmem>>) semaphore(%arg22 : memref<!tpu.dma_semaphore, #tpu.memory_space<semaphore_mem>>) {add = true}
        %ge3A = arith.constant 1 : i32
        %ge3A_328 = arith.cmpi sge, %add3A_260, %ge3A : i32
        %sub3A = arith.constant 8 : i32
        %sub3A_329 = arith.subi %select_n3A, %sub3A : i32
        %le3A = arith.cmpi sle, %add3A_260, %sub3A_329 : i32
        %and3A = arith.andi %ge3A_328, %le3A : i1
        %convert_element_type3A_330 = arith.extui %and3A : i1 to i32
        %cond3A_331 = arith.constant 0 : i32
        %cond3A_332 = arith.cmpi ne, %convert_element_type3A_330, %cond3A_331 : i32
        scf.if %cond3A_332 {
          %dma_wait3A_333 = arith.constant 1 : i32
          %dma_wait3A_334 = arith.constant 0 : i32
          %dma_wait3A_335 = arith.constant 0 : i32
          %dma_wait3A_336 = tpu.memref_slice %arg9[%dma_wait3A_333, %dma_wait3A_334, %dma_wait3A_335] : memref<8x128x8xf32, #tpu.memory_space<vmem>> -> memref<1x128x8xf32, #tpu.memory_space<vmem>>
          %dma_wait3A_337 = tpu.memref_squeeze %dma_wait3A_336 : memref<1x128x8xf32, #tpu.memory_space<vmem>> -> memref<128x8xf32, #tpu.memory_space<vmem>>
          %dma_wait3A_338 = arith.constant 0 : i32
          %dma_wait3A_339 = arith.constant 0 : i32
          %dma_wait3A_340 = tpu.memref_slice %arg5[%dma_wait3A_338, %dma_wait3A_339] : memref<640x8xf32, #tpu.memory_space<hbm>> -> memref<128x8xf32, #tpu.memory_space<hbm>>
          %dma_wait3A_341 = arith.constant 0 : i32
          %dma_wait3A_342 = arith.constant 0 : i32
          %dma_wait3A_343 = tpu.memref_slice %arg9[%dma_wait3A_333, %dma_wait3A_341, %dma_wait3A_342] : memref<8x128x8xf32, #tpu.memory_space<vmem>> -> memref<1x128x8xf32, #tpu.memory_space<vmem>>
          %dma_wait3A_344 = tpu.memref_squeeze %dma_wait3A_343 : memref<1x128x8xf32, #tpu.memory_space<vmem>> -> memref<128x8xf32, #tpu.memory_space<vmem>>
          %dma_wait3A_345 = arith.constant 0 : i32
          %dma_wait3A_346 = arith.constant 0 : i32
          %dma_wait3A_347 = tpu.memref_slice %arg5[%dma_wait3A_345, %dma_wait3A_346] : memref<640x8xf32, #tpu.memory_space<hbm>> -> memref<128x8xf32, #tpu.memory_space<hbm>>
          tpu.wait_dma2 semaphore(%arg21 : memref<!tpu.dma_semaphore, #tpu.memory_space<semaphore_mem>>) src(%dma_wait3A_347 : memref<128x8xf32, #tpu.memory_space<hbm>>) dst(%dma_wait3A_344 : memref<128x8xf32, #tpu.memory_space<vmem>>)
          %sub3A_348 = arith.constant 1 : i32
          %sub3A_349 = arith.subi %add3A_260, %sub3A_348 : i32
          %add3A_350 = arith.constant 8 : i32
          %add3A_351 = arith.addi %sub3A_349, %add3A_350 : i32
          %dma_start3A_352 = arith.constant 1 : i32
          %dma_start3A_353 = arith.constant 0 : i32
          %dma_start3A_354 = arith.constant 0 : i32
          %dma_start3A_355 = tpu.memref_slice %arg9[%dma_start3A_352, %dma_start3A_353, %dma_start3A_354] : memref<8x128x8xf32, #tpu.memory_space<vmem>> -> memref<1x128x8xf32, #tpu.memory_space<vmem>>
          %dma_start3A_356 = tpu.memref_squeeze %dma_start3A_355 : memref<1x128x8xf32, #tpu.memory_space<vmem>> -> memref<128x8xf32, #tpu.memory_space<vmem>>
          %dma_start3A_357 = arith.constant 0 : i32
          %dma_start3A_358 = tpu.memref_slice %arg7[%add3A_351, %dma_start3A_357] : memref<79x128xi32, #tpu.memory_space<vmem>> -> memref<1x128xi32, #tpu.memory_space<vmem>>
          %dma_start3A_359 = tpu.memref_squeeze %dma_start3A_358 : memref<1x128xi32, #tpu.memory_space<vmem>> -> memref<128xi32, #tpu.memory_space<vmem>>
          %dma_start3A_360 = arith.constant 0 : i32
          %dma_start3A_361 = arith.constant 0 : i32
          %dma_start3A_362 = tpu.memref_slice %arg10[%dma_start3A_360, %dma_start3A_361] : memref<10000x8xf32, #tpu.memory_space<vmem_shared>> -> memref<10000x8xf32, #tpu.memory_space<vmem_shared>>
          tpu.enqueue_indirect_dma source(%dma_start3A_362 : memref<10000x8xf32, #tpu.memory_space<vmem_shared>>) target(%dma_start3A_356 : memref<128x8xf32, #tpu.memory_space<vmem>>) offsets(%dma_start3A_359 : memref<128xi32, #tpu.memory_space<vmem>>) semaphore(%arg13 : memref<!tpu.dma_semaphore, #tpu.memory_space<semaphore_mem>>)
        } else {
        }
      } else {
      }
      %mul3A_265 = arith.constant 8 : i32
      %mul3A_266 = arith.muli %scan3A_240, %mul3A_265 : i32
      %add3A_267 = arith.constant 3 : i32
      %add3A_268 = arith.addi %mul3A_266, %add3A_267 : i32
      %lt3A_269 = arith.cmpi slt, %add3A_268, %select_n3A : i32
      %convert_element_type3A_270 = arith.extui %lt3A_269 : i1 to i32
      %cond3A_271 = arith.constant 0 : i32
      %cond3A_272 = arith.cmpi ne, %convert_element_type3A_270, %cond3A_271 : i32
      scf.if %cond3A_272 {
        %dma_wait3A_305 = arith.constant 3 : i32
        %dma_wait3A_306 = arith.constant 3 : i32
        %dma_wait3A_307 = arith.constant 0 : i32
        %dma_wait3A_308 = arith.constant 0 : i32
        %dma_wait3A_309 = tpu.memref_slice %arg9[%dma_wait3A_306, %dma_wait3A_307, %dma_wait3A_308] : memref<8x128x8xf32, #tpu.memory_space<vmem>> -> memref<1x128x8xf32, #tpu.memory_space<vmem>>
        %dma_wait3A_310 = tpu.memref_squeeze %dma_wait3A_309 : memref<1x128x8xf32, #tpu.memory_space<vmem>> -> memref<128x8xf32, #tpu.memory_space<vmem>>
        %dma_wait3A_311 = arith.constant 0 : i32
        %dma_wait3A_312 = tpu.memref_slice %arg7[%dma_wait3A_305, %dma_wait3A_311] : memref<79x128xi32, #tpu.memory_space<vmem>> -> memref<1x128xi32, #tpu.memory_space<vmem>>
        %dma_wait3A_313 = tpu.memref_squeeze %dma_wait3A_312 : memref<1x128xi32, #tpu.memory_space<vmem>> -> memref<128xi32, #tpu.memory_space<vmem>>
        %dma_wait3A_314 = arith.constant 0 : i32
        %dma_wait3A_315 = arith.constant 0 : i32
        %dma_wait3A_316 = tpu.memref_slice %arg10[%dma_wait3A_314, %dma_wait3A_315] : memref<10000x8xf32, #tpu.memory_space<vmem_shared>> -> memref<10000x8xf32, #tpu.memory_space<vmem_shared>>
        tpu.wait_indirect_dma semaphore(%arg15 : memref<!tpu.dma_semaphore, #tpu.memory_space<semaphore_mem>>) src(%dma_wait3A_316 : memref<10000x8xf32, #tpu.memory_space<vmem_shared>>) dst(%dma_wait3A_310 : memref<128x8xf32, #tpu.memory_space<vmem>>)
        %dma_start3A_317 = arith.constant 3 : i32
        %dma_start3A_318 = arith.constant 0 : i32
        %dma_start3A_319 = arith.constant 0 : i32
        %dma_start3A_320 = tpu.memref_slice %arg9[%dma_start3A_317, %dma_start3A_318, %dma_start3A_319] : memref<8x128x8xf32, #tpu.memory_space<vmem>> -> memref<1x128x8xf32, #tpu.memory_space<vmem>>
        %dma_start3A_321 = tpu.memref_squeeze %dma_start3A_320 : memref<1x128x8xf32, #tpu.memory_space<vmem>> -> memref<128x8xf32, #tpu.memory_space<vmem>>
        %dma_start3A_322 = arith.constant 0 : i32
        %dma_start3A_323 = tpu.memref_slice %arg8[%add3A_268, %dma_start3A_322] : memref<79x128xi32, #tpu.memory_space<vmem>> -> memref<1x128xi32, #tpu.memory_space<vmem>>
        %dma_start3A_324 = tpu.memref_squeeze %dma_start3A_323 : memref<1x128xi32, #tpu.memory_space<vmem>> -> memref<128xi32, #tpu.memory_space<vmem>>
        %dma_start3A_325 = arith.constant 0 : i32
        %dma_start3A_326 = arith.constant 0 : i32
        %dma_start3A_327 = tpu.memref_slice %arg11[%dma_start3A_325, %dma_start3A_326] : memref<5120x8xf32, #tpu.memory_space<vmem_shared>> -> memref<5120x8xf32, #tpu.memory_space<vmem_shared>>
        tpu.enqueue_indirect_dma source(%dma_start3A_321 : memref<128x8xf32, #tpu.memory_space<vmem>>) target(%dma_start3A_327 : memref<5120x8xf32, #tpu.memory_space<vmem_shared>>) offsets(%dma_start3A_324 : memref<128xi32, #tpu.memory_space<vmem>>) semaphore(%arg23 : memref<!tpu.dma_semaphore, #tpu.memory_space<semaphore_mem>>) {add = true}
        %ge3A = arith.constant 1 : i32
        %ge3A_328 = arith.cmpi sge, %add3A_268, %ge3A : i32
        %sub3A = arith.constant 8 : i32
        %sub3A_329 = arith.subi %select_n3A, %sub3A : i32
        %le3A = arith.cmpi sle, %add3A_268, %sub3A_329 : i32
        %and3A = arith.andi %ge3A_328, %le3A : i1
        %convert_element_type3A_330 = arith.extui %and3A : i1 to i32
        %cond3A_331 = arith.constant 0 : i32
        %cond3A_332 = arith.cmpi ne, %convert_element_type3A_330, %cond3A_331 : i32
        scf.if %cond3A_332 {
          %dma_wait3A_333 = arith.constant 2 : i32
          %dma_wait3A_334 = arith.constant 0 : i32
          %dma_wait3A_335 = arith.constant 0 : i32
          %dma_wait3A_336 = tpu.memref_slice %arg9[%dma_wait3A_333, %dma_wait3A_334, %dma_wait3A_335] : memref<8x128x8xf32, #tpu.memory_space<vmem>> -> memref<1x128x8xf32, #tpu.memory_space<vmem>>
          %dma_wait3A_337 = tpu.memref_squeeze %dma_wait3A_336 : memref<1x128x8xf32, #tpu.memory_space<vmem>> -> memref<128x8xf32, #tpu.memory_space<vmem>>
          %dma_wait3A_338 = arith.constant 0 : i32
          %dma_wait3A_339 = arith.constant 0 : i32
          %dma_wait3A_340 = tpu.memref_slice %arg5[%dma_wait3A_338, %dma_wait3A_339] : memref<640x8xf32, #tpu.memory_space<hbm>> -> memref<128x8xf32, #tpu.memory_space<hbm>>
          %dma_wait3A_341 = arith.constant 0 : i32
          %dma_wait3A_342 = arith.constant 0 : i32
          %dma_wait3A_343 = tpu.memref_slice %arg9[%dma_wait3A_333, %dma_wait3A_341, %dma_wait3A_342] : memref<8x128x8xf32, #tpu.memory_space<vmem>> -> memref<1x128x8xf32, #tpu.memory_space<vmem>>
          %dma_wait3A_344 = tpu.memref_squeeze %dma_wait3A_343 : memref<1x128x8xf32, #tpu.memory_space<vmem>> -> memref<128x8xf32, #tpu.memory_space<vmem>>
          %dma_wait3A_345 = arith.constant 0 : i32
          %dma_wait3A_346 = arith.constant 0 : i32
          %dma_wait3A_347 = tpu.memref_slice %arg5[%dma_wait3A_345, %dma_wait3A_346] : memref<640x8xf32, #tpu.memory_space<hbm>> -> memref<128x8xf32, #tpu.memory_space<hbm>>
          tpu.wait_dma2 semaphore(%arg22 : memref<!tpu.dma_semaphore, #tpu.memory_space<semaphore_mem>>) src(%dma_wait3A_347 : memref<128x8xf32, #tpu.memory_space<hbm>>) dst(%dma_wait3A_344 : memref<128x8xf32, #tpu.memory_space<vmem>>)
          %sub3A_348 = arith.constant 1 : i32
          %sub3A_349 = arith.subi %add3A_268, %sub3A_348 : i32
          %add3A_350 = arith.constant 8 : i32
          %add3A_351 = arith.addi %sub3A_349, %add3A_350 : i32
          %dma_start3A_352 = arith.constant 2 : i32
          %dma_start3A_353 = arith.constant 0 : i32
          %dma_start3A_354 = arith.constant 0 : i32
          %dma_start3A_355 = tpu.memref_slice %arg9[%dma_start3A_352, %dma_start3A_353, %dma_start3A_354] : memref<8x128x8xf32, #tpu.memory_space<vmem>> -> memref<1x128x8xf32, #tpu.memory_space<vmem>>
          %dma_start3A_356 = tpu.memref_squeeze %dma_start3A_355 : memref<1x128x8xf32, #tpu.memory_space<vmem>> -> memref<128x8xf32, #tpu.memory_space<vmem>>
          %dma_start3A_357 = arith.constant 0 : i32
          %dma_start3A_358 = tpu.memref_slice %arg7[%add3A_351, %dma_start3A_357] : memref<79x128xi32, #tpu.memory_space<vmem>> -> memref<1x128xi32, #tpu.memory_space<vmem>>
          %dma_start3A_359 = tpu.memref_squeeze %dma_start3A_358 : memref<1x128xi32, #tpu.memory_space<vmem>> -> memref<128xi32, #tpu.memory_space<vmem>>
          %dma_start3A_360 = arith.constant 0 : i32
          %dma_start3A_361 = arith.constant 0 : i32
          %dma_start3A_362 = tpu.memref_slice %arg10[%dma_start3A_360, %dma_start3A_361] : memref<10000x8xf32, #tpu.memory_space<vmem_shared>> -> memref<10000x8xf32, #tpu.memory_space<vmem_shared>>
          tpu.enqueue_indirect_dma source(%dma_start3A_362 : memref<10000x8xf32, #tpu.memory_space<vmem_shared>>) target(%dma_start3A_356 : memref<128x8xf32, #tpu.memory_space<vmem>>) offsets(%dma_start3A_359 : memref<128xi32, #tpu.memory_space<vmem>>) semaphore(%arg14 : memref<!tpu.dma_semaphore, #tpu.memory_space<semaphore_mem>>)
        } else {
        }
      } else {
      }
      %mul3A_273 = arith.constant 8 : i32
      %mul3A_274 = arith.muli %scan3A_240, %mul3A_273 : i32
      %add3A_275 = arith.constant 4 : i32
      %add3A_276 = arith.addi %mul3A_274, %add3A_275 : i32
      %lt3A_277 = arith.cmpi slt, %add3A_276, %select_n3A : i32
      %convert_element_type3A_278 = arith.extui %lt3A_277 : i1 to i32
      %cond3A_279 = arith.constant 0 : i32
      %cond3A_280 = arith.cmpi ne, %convert_element_type3A_278, %cond3A_279 : i32
      scf.if %cond3A_280 {
        %dma_wait3A_305 = arith.constant 4 : i32
        %dma_wait3A_306 = arith.constant 4 : i32
        %dma_wait3A_307 = arith.constant 0 : i32
        %dma_wait3A_308 = arith.constant 0 : i32
        %dma_wait3A_309 = tpu.memref_slice %arg9[%dma_wait3A_306, %dma_wait3A_307, %dma_wait3A_308] : memref<8x128x8xf32, #tpu.memory_space<vmem>> -> memref<1x128x8xf32, #tpu.memory_space<vmem>>
        %dma_wait3A_310 = tpu.memref_squeeze %dma_wait3A_309 : memref<1x128x8xf32, #tpu.memory_space<vmem>> -> memref<128x8xf32, #tpu.memory_space<vmem>>
        %dma_wait3A_311 = arith.constant 0 : i32
        %dma_wait3A_312 = tpu.memref_slice %arg7[%dma_wait3A_305, %dma_wait3A_311] : memref<79x128xi32, #tpu.memory_space<vmem>> -> memref<1x128xi32, #tpu.memory_space<vmem>>
        %dma_wait3A_313 = tpu.memref_squeeze %dma_wait3A_312 : memref<1x128xi32, #tpu.memory_space<vmem>> -> memref<128xi32, #tpu.memory_space<vmem>>
        %dma_wait3A_314 = arith.constant 0 : i32
        %dma_wait3A_315 = arith.constant 0 : i32
        %dma_wait3A_316 = tpu.memref_slice %arg10[%dma_wait3A_314, %dma_wait3A_315] : memref<10000x8xf32, #tpu.memory_space<vmem_shared>> -> memref<10000x8xf32, #tpu.memory_space<vmem_shared>>
        tpu.wait_indirect_dma semaphore(%arg16 : memref<!tpu.dma_semaphore, #tpu.memory_space<semaphore_mem>>) src(%dma_wait3A_316 : memref<10000x8xf32, #tpu.memory_space<vmem_shared>>) dst(%dma_wait3A_310 : memref<128x8xf32, #tpu.memory_space<vmem>>)
        %dma_start3A_317 = arith.constant 4 : i32
        %dma_start3A_318 = arith.constant 0 : i32
        %dma_start3A_319 = arith.constant 0 : i32
        %dma_start3A_320 = tpu.memref_slice %arg9[%dma_start3A_317, %dma_start3A_318, %dma_start3A_319] : memref<8x128x8xf32, #tpu.memory_space<vmem>> -> memref<1x128x8xf32, #tpu.memory_space<vmem>>
        %dma_start3A_321 = tpu.memref_squeeze %dma_start3A_320 : memref<1x128x8xf32, #tpu.memory_space<vmem>> -> memref<128x8xf32, #tpu.memory_space<vmem>>
        %dma_start3A_322 = arith.constant 0 : i32
        %dma_start3A_323 = tpu.memref_slice %arg8[%add3A_276, %dma_start3A_322] : memref<79x128xi32, #tpu.memory_space<vmem>> -> memref<1x128xi32, #tpu.memory_space<vmem>>
        %dma_start3A_324 = tpu.memref_squeeze %dma_start3A_323 : memref<1x128xi32, #tpu.memory_space<vmem>> -> memref<128xi32, #tpu.memory_space<vmem>>
        %dma_start3A_325 = arith.constant 0 : i32
        %dma_start3A_326 = arith.constant 0 : i32
        %dma_start3A_327 = tpu.memref_slice %arg11[%dma_start3A_325, %dma_start3A_326] : memref<5120x8xf32, #tpu.memory_space<vmem_shared>> -> memref<5120x8xf32, #tpu.memory_space<vmem_shared>>
        tpu.enqueue_indirect_dma source(%dma_start3A_321 : memref<128x8xf32, #tpu.memory_space<vmem>>) target(%dma_start3A_327 : memref<5120x8xf32, #tpu.memory_space<vmem_shared>>) offsets(%dma_start3A_324 : memref<128xi32, #tpu.memory_space<vmem>>) semaphore(%arg24 : memref<!tpu.dma_semaphore, #tpu.memory_space<semaphore_mem>>) {add = true}
        %ge3A = arith.constant 1 : i32
        %ge3A_328 = arith.cmpi sge, %add3A_276, %ge3A : i32
        %sub3A = arith.constant 8 : i32
        %sub3A_329 = arith.subi %select_n3A, %sub3A : i32
        %le3A = arith.cmpi sle, %add3A_276, %sub3A_329 : i32
        %and3A = arith.andi %ge3A_328, %le3A : i1
        %convert_element_type3A_330 = arith.extui %and3A : i1 to i32
        %cond3A_331 = arith.constant 0 : i32
        %cond3A_332 = arith.cmpi ne, %convert_element_type3A_330, %cond3A_331 : i32
        scf.if %cond3A_332 {
          %dma_wait3A_333 = arith.constant 3 : i32
          %dma_wait3A_334 = arith.constant 0 : i32
          %dma_wait3A_335 = arith.constant 0 : i32
          %dma_wait3A_336 = tpu.memref_slice %arg9[%dma_wait3A_333, %dma_wait3A_334, %dma_wait3A_335] : memref<8x128x8xf32, #tpu.memory_space<vmem>> -> memref<1x128x8xf32, #tpu.memory_space<vmem>>
          %dma_wait3A_337 = tpu.memref_squeeze %dma_wait3A_336 : memref<1x128x8xf32, #tpu.memory_space<vmem>> -> memref<128x8xf32, #tpu.memory_space<vmem>>
          %dma_wait3A_338 = arith.constant 0 : i32
          %dma_wait3A_339 = arith.constant 0 : i32
          %dma_wait3A_340 = tpu.memref_slice %arg5[%dma_wait3A_338, %dma_wait3A_339] : memref<640x8xf32, #tpu.memory_space<hbm>> -> memref<128x8xf32, #tpu.memory_space<hbm>>
          %dma_wait3A_341 = arith.constant 0 : i32
          %dma_wait3A_342 = arith.constant 0 : i32
          %dma_wait3A_343 = tpu.memref_slice %arg9[%dma_wait3A_333, %dma_wait3A_341, %dma_wait3A_342] : memref<8x128x8xf32, #tpu.memory_space<vmem>> -> memref<1x128x8xf32, #tpu.memory_space<vmem>>
          %dma_wait3A_344 = tpu.memref_squeeze %dma_wait3A_343 : memref<1x128x8xf32, #tpu.memory_space<vmem>> -> memref<128x8xf32, #tpu.memory_space<vmem>>
          %dma_wait3A_345 = arith.constant 0 : i32
          %dma_wait3A_346 = arith.constant 0 : i32
          %dma_wait3A_347 = tpu.memref_slice %arg5[%dma_wait3A_345, %dma_wait3A_346] : memref<640x8xf32, #tpu.memory_space<hbm>> -> memref<128x8xf32, #tpu.memory_space<hbm>>
          tpu.wait_dma2 semaphore(%arg23 : memref<!tpu.dma_semaphore, #tpu.memory_space<semaphore_mem>>) src(%dma_wait3A_347 : memref<128x8xf32, #tpu.memory_space<hbm>>) dst(%dma_wait3A_344 : memref<128x8xf32, #tpu.memory_space<vmem>>)
          %sub3A_348 = arith.constant 1 : i32
          %sub3A_349 = arith.subi %add3A_276, %sub3A_348 : i32
          %add3A_350 = arith.constant 8 : i32
          %add3A_351 = arith.addi %sub3A_349, %add3A_350 : i32
          %dma_start3A_352 = arith.constant 3 : i32
          %dma_start3A_353 = arith.constant 0 : i32
          %dma_start3A_354 = arith.constant 0 : i32
          %dma_start3A_355 = tpu.memref_slice %arg9[%dma_start3A_352, %dma_start3A_353, %dma_start3A_354] : memref<8x128x8xf32, #tpu.memory_space<vmem>> -> memref<1x128x8xf32, #tpu.memory_space<vmem>>
          %dma_start3A_356 = tpu.memref_squeeze %dma_start3A_355 : memref<1x128x8xf32, #tpu.memory_space<vmem>> -> memref<128x8xf32, #tpu.memory_space<vmem>>
          %dma_start3A_357 = arith.constant 0 : i32
          %dma_start3A_358 = tpu.memref_slice %arg7[%add3A_351, %dma_start3A_357] : memref<79x128xi32, #tpu.memory_space<vmem>> -> memref<1x128xi32, #tpu.memory_space<vmem>>
          %dma_start3A_359 = tpu.memref_squeeze %dma_start3A_358 : memref<1x128xi32, #tpu.memory_space<vmem>> -> memref<128xi32, #tpu.memory_space<vmem>>
          %dma_start3A_360 = arith.constant 0 : i32
          %dma_start3A_361 = arith.constant 0 : i32
          %dma_start3A_362 = tpu.memref_slice %arg10[%dma_start3A_360, %dma_start3A_361] : memref<10000x8xf32, #tpu.memory_space<vmem_shared>> -> memref<10000x8xf32, #tpu.memory_space<vmem_shared>>
          tpu.enqueue_indirect_dma source(%dma_start3A_362 : memref<10000x8xf32, #tpu.memory_space<vmem_shared>>) target(%dma_start3A_356 : memref<128x8xf32, #tpu.memory_space<vmem>>) offsets(%dma_start3A_359 : memref<128xi32, #tpu.memory_space<vmem>>) semaphore(%arg15 : memref<!tpu.dma_semaphore, #tpu.memory_space<semaphore_mem>>)
        } else {
        }
      } else {
      }
      %mul3A_281 = arith.constant 8 : i32
      %mul3A_282 = arith.muli %scan3A_240, %mul3A_281 : i32
      %add3A_283 = arith.constant 5 : i32
      %add3A_284 = arith.addi %mul3A_282, %add3A_283 : i32
      %lt3A_285 = arith.cmpi slt, %add3A_284, %select_n3A : i32
      %convert_element_type3A_286 = arith.extui %lt3A_285 : i1 to i32
      %cond3A_287 = arith.constant 0 : i32
      %cond3A_288 = arith.cmpi ne, %convert_element_type3A_286, %cond3A_287 : i32
      scf.if %cond3A_288 {
        %dma_wait3A_305 = arith.constant 5 : i32
        %dma_wait3A_306 = arith.constant 5 : i32
        %dma_wait3A_307 = arith.constant 0 : i32
        %dma_wait3A_308 = arith.constant 0 : i32
        %dma_wait3A_309 = tpu.memref_slice %arg9[%dma_wait3A_306, %dma_wait3A_307, %dma_wait3A_308] : memref<8x128x8xf32, #tpu.memory_space<vmem>> -> memref<1x128x8xf32, #tpu.memory_space<vmem>>
        %dma_wait3A_310 = tpu.memref_squeeze %dma_wait3A_309 : memref<1x128x8xf32, #tpu.memory_space<vmem>> -> memref<128x8xf32, #tpu.memory_space<vmem>>
        %dma_wait3A_311 = arith.constant 0 : i32
        %dma_wait3A_312 = tpu.memref_slice %arg7[%dma_wait3A_305, %dma_wait3A_311] : memref<79x128xi32, #tpu.memory_space<vmem>> -> memref<1x128xi32, #tpu.memory_space<vmem>>
        %dma_wait3A_313 = tpu.memref_squeeze %dma_wait3A_312 : memref<1x128xi32, #tpu.memory_space<vmem>> -> memref<128xi32, #tpu.memory_space<vmem>>
        %dma_wait3A_314 = arith.constant 0 : i32
        %dma_wait3A_315 = arith.constant 0 : i32
        %dma_wait3A_316 = tpu.memref_slice %arg10[%dma_wait3A_314, %dma_wait3A_315] : memref<10000x8xf32, #tpu.memory_space<vmem_shared>> -> memref<10000x8xf32, #tpu.memory_space<vmem_shared>>
        tpu.wait_indirect_dma semaphore(%arg17 : memref<!tpu.dma_semaphore, #tpu.memory_space<semaphore_mem>>) src(%dma_wait3A_316 : memref<10000x8xf32, #tpu.memory_space<vmem_shared>>) dst(%dma_wait3A_310 : memref<128x8xf32, #tpu.memory_space<vmem>>)
        %dma_start3A_317 = arith.constant 5 : i32
        %dma_start3A_318 = arith.constant 0 : i32
        %dma_start3A_319 = arith.constant 0 : i32
        %dma_start3A_320 = tpu.memref_slice %arg9[%dma_start3A_317, %dma_start3A_318, %dma_start3A_319] : memref<8x128x8xf32, #tpu.memory_space<vmem>> -> memref<1x128x8xf32, #tpu.memory_space<vmem>>
        %dma_start3A_321 = tpu.memref_squeeze %dma_start3A_320 : memref<1x128x8xf32, #tpu.memory_space<vmem>> -> memref<128x8xf32, #tpu.memory_space<vmem>>
        %dma_start3A_322 = arith.constant 0 : i32
        %dma_start3A_323 = tpu.memref_slice %arg8[%add3A_284, %dma_start3A_322] : memref<79x128xi32, #tpu.memory_space<vmem>> -> memref<1x128xi32, #tpu.memory_space<vmem>>
        %dma_start3A_324 = tpu.memref_squeeze %dma_start3A_323 : memref<1x128xi32, #tpu.memory_space<vmem>> -> memref<128xi32, #tpu.memory_space<vmem>>
        %dma_start3A_325 = arith.constant 0 : i32
        %dma_start3A_326 = arith.constant 0 : i32
        %dma_start3A_327 = tpu.memref_slice %arg11[%dma_start3A_325, %dma_start3A_326] : memref<5120x8xf32, #tpu.memory_space<vmem_shared>> -> memref<5120x8xf32, #tpu.memory_space<vmem_shared>>
        tpu.enqueue_indirect_dma source(%dma_start3A_321 : memref<128x8xf32, #tpu.memory_space<vmem>>) target(%dma_start3A_327 : memref<5120x8xf32, #tpu.memory_space<vmem_shared>>) offsets(%dma_start3A_324 : memref<128xi32, #tpu.memory_space<vmem>>) semaphore(%arg25 : memref<!tpu.dma_semaphore, #tpu.memory_space<semaphore_mem>>) {add = true}
        %ge3A = arith.constant 1 : i32
        %ge3A_328 = arith.cmpi sge, %add3A_284, %ge3A : i32
        %sub3A = arith.constant 8 : i32
        %sub3A_329 = arith.subi %select_n3A, %sub3A : i32
        %le3A = arith.cmpi sle, %add3A_284, %sub3A_329 : i32
        %and3A = arith.andi %ge3A_328, %le3A : i1
        %convert_element_type3A_330 = arith.extui %and3A : i1 to i32
        %cond3A_331 = arith.constant 0 : i32
        %cond3A_332 = arith.cmpi ne, %convert_element_type3A_330, %cond3A_331 : i32
        scf.if %cond3A_332 {
          %dma_wait3A_333 = arith.constant 4 : i32
          %dma_wait3A_334 = arith.constant 0 : i32
          %dma_wait3A_335 = arith.constant 0 : i32
          %dma_wait3A_336 = tpu.memref_slice %arg9[%dma_wait3A_333, %dma_wait3A_334, %dma_wait3A_335] : memref<8x128x8xf32, #tpu.memory_space<vmem>> -> memref<1x128x8xf32, #tpu.memory_space<vmem>>
          %dma_wait3A_337 = tpu.memref_squeeze %dma_wait3A_336 : memref<1x128x8xf32, #tpu.memory_space<vmem>> -> memref<128x8xf32, #tpu.memory_space<vmem>>
          %dma_wait3A_338 = arith.constant 0 : i32
          %dma_wait3A_339 = arith.constant 0 : i32
          %dma_wait3A_340 = tpu.memref_slice %arg5[%dma_wait3A_338, %dma_wait3A_339] : memref<640x8xf32, #tpu.memory_space<hbm>> -> memref<128x8xf32, #tpu.memory_space<hbm>>
          %dma_wait3A_341 = arith.constant 0 : i32
          %dma_wait3A_342 = arith.constant 0 : i32
          %dma_wait3A_343 = tpu.memref_slice %arg9[%dma_wait3A_333, %dma_wait3A_341, %dma_wait3A_342] : memref<8x128x8xf32, #tpu.memory_space<vmem>> -> memref<1x128x8xf32, #tpu.memory_space<vmem>>
          %dma_wait3A_344 = tpu.memref_squeeze %dma_wait3A_343 : memref<1x128x8xf32, #tpu.memory_space<vmem>> -> memref<128x8xf32, #tpu.memory_space<vmem>>
          %dma_wait3A_345 = arith.constant 0 : i32
          %dma_wait3A_346 = arith.constant 0 : i32
          %dma_wait3A_347 = tpu.memref_slice %arg5[%dma_wait3A_345, %dma_wait3A_346] : memref<640x8xf32, #tpu.memory_space<hbm>> -> memref<128x8xf32, #tpu.memory_space<hbm>>
          tpu.wait_dma2 semaphore(%arg24 : memref<!tpu.dma_semaphore, #tpu.memory_space<semaphore_mem>>) src(%dma_wait3A_347 : memref<128x8xf32, #tpu.memory_space<hbm>>) dst(%dma_wait3A_344 : memref<128x8xf32, #tpu.memory_space<vmem>>)
          %sub3A_348 = arith.constant 1 : i32
          %sub3A_349 = arith.subi %add3A_284, %sub3A_348 : i32
          %add3A_350 = arith.constant 8 : i32
          %add3A_351 = arith.addi %sub3A_349, %add3A_350 : i32
          %dma_start3A_352 = arith.constant 4 : i32
          %dma_start3A_353 = arith.constant 0 : i32
          %dma_start3A_354 = arith.constant 0 : i32
          %dma_start3A_355 = tpu.memref_slice %arg9[%dma_start3A_352, %dma_start3A_353, %dma_start3A_354] : memref<8x128x8xf32, #tpu.memory_space<vmem>> -> memref<1x128x8xf32, #tpu.memory_space<vmem>>
          %dma_start3A_356 = tpu.memref_squeeze %dma_start3A_355 : memref<1x128x8xf32, #tpu.memory_space<vmem>> -> memref<128x8xf32, #tpu.memory_space<vmem>>
          %dma_start3A_357 = arith.constant 0 : i32
          %dma_start3A_358 = tpu.memref_slice %arg7[%add3A_351, %dma_start3A_357] : memref<79x128xi32, #tpu.memory_space<vmem>> -> memref<1x128xi32, #tpu.memory_space<vmem>>
          %dma_start3A_359 = tpu.memref_squeeze %dma_start3A_358 : memref<1x128xi32, #tpu.memory_space<vmem>> -> memref<128xi32, #tpu.memory_space<vmem>>
          %dma_start3A_360 = arith.constant 0 : i32
          %dma_start3A_361 = arith.constant 0 : i32
          %dma_start3A_362 = tpu.memref_slice %arg10[%dma_start3A_360, %dma_start3A_361] : memref<10000x8xf32, #tpu.memory_space<vmem_shared>> -> memref<10000x8xf32, #tpu.memory_space<vmem_shared>>
          tpu.enqueue_indirect_dma source(%dma_start3A_362 : memref<10000x8xf32, #tpu.memory_space<vmem_shared>>) target(%dma_start3A_356 : memref<128x8xf32, #tpu.memory_space<vmem>>) offsets(%dma_start3A_359 : memref<128xi32, #tpu.memory_space<vmem>>) semaphore(%arg16 : memref<!tpu.dma_semaphore, #tpu.memory_space<semaphore_mem>>)
        } else {
        }
      } else {
      }
      %mul3A_289 = arith.constant 8 : i32
      %mul3A_290 = arith.muli %scan3A_240, %mul3A_289 : i32
      %add3A_291 = arith.constant 6 : i32
      %add3A_292 = arith.addi %mul3A_290, %add3A_291 : i32
      %lt3A_293 = arith.cmpi slt, %add3A_292, %select_n3A : i32
      %convert_element_type3A_294 = arith.extui %lt3A_293 : i1 to i32
      %cond3A_295 = arith.constant 0 : i32
      %cond3A_296 = arith.cmpi ne, %convert_element_type3A_294, %cond3A_295 : i32
      scf.if %cond3A_296 {
        %dma_wait3A_305 = arith.constant 6 : i32
        %dma_wait3A_306 = arith.constant 6 : i32
        %dma_wait3A_307 = arith.constant 0 : i32
        %dma_wait3A_308 = arith.constant 0 : i32
        %dma_wait3A_309 = tpu.memref_slice %arg9[%dma_wait3A_306, %dma_wait3A_307, %dma_wait3A_308] : memref<8x128x8xf32, #tpu.memory_space<vmem>> -> memref<1x128x8xf32, #tpu.memory_space<vmem>>
        %dma_wait3A_310 = tpu.memref_squeeze %dma_wait3A_309 : memref<1x128x8xf32, #tpu.memory_space<vmem>> -> memref<128x8xf32, #tpu.memory_space<vmem>>
        %dma_wait3A_311 = arith.constant 0 : i32
        %dma_wait3A_312 = tpu.memref_slice %arg7[%dma_wait3A_305, %dma_wait3A_311] : memref<79x128xi32, #tpu.memory_space<vmem>> -> memref<1x128xi32, #tpu.memory_space<vmem>>
        %dma_wait3A_313 = tpu.memref_squeeze %dma_wait3A_312 : memref<1x128xi32, #tpu.memory_space<vmem>> -> memref<128xi32, #tpu.memory_space<vmem>>
        %dma_wait3A_314 = arith.constant 0 : i32
        %dma_wait3A_315 = arith.constant 0 : i32
        %dma_wait3A_316 = tpu.memref_slice %arg10[%dma_wait3A_314, %dma_wait3A_315] : memref<10000x8xf32, #tpu.memory_space<vmem_shared>> -> memref<10000x8xf32, #tpu.memory_space<vmem_shared>>
        tpu.wait_indirect_dma semaphore(%arg18 : memref<!tpu.dma_semaphore, #tpu.memory_space<semaphore_mem>>) src(%dma_wait3A_316 : memref<10000x8xf32, #tpu.memory_space<vmem_shared>>) dst(%dma_wait3A_310 : memref<128x8xf32, #tpu.memory_space<vmem>>)
        %dma_start3A_317 = arith.constant 6 : i32
        %dma_start3A_318 = arith.constant 0 : i32
        %dma_start3A_319 = arith.constant 0 : i32
        %dma_start3A_320 = tpu.memref_slice %arg9[%dma_start3A_317, %dma_start3A_318, %dma_start3A_319] : memref<8x128x8xf32, #tpu.memory_space<vmem>> -> memref<1x128x8xf32, #tpu.memory_space<vmem>>
        %dma_start3A_321 = tpu.memref_squeeze %dma_start3A_320 : memref<1x128x8xf32, #tpu.memory_space<vmem>> -> memref<128x8xf32, #tpu.memory_space<vmem>>
        %dma_start3A_322 = arith.constant 0 : i32
        %dma_start3A_323 = tpu.memref_slice %arg8[%add3A_292, %dma_start3A_322] : memref<79x128xi32, #tpu.memory_space<vmem>> -> memref<1x128xi32, #tpu.memory_space<vmem>>
        %dma_start3A_324 = tpu.memref_squeeze %dma_start3A_323 : memref<1x128xi32, #tpu.memory_space<vmem>> -> memref<128xi32, #tpu.memory_space<vmem>>
        %dma_start3A_325 = arith.constant 0 : i32
        %dma_start3A_326 = arith.constant 0 : i32
        %dma_start3A_327 = tpu.memref_slice %arg11[%dma_start3A_325, %dma_start3A_326] : memref<5120x8xf32, #tpu.memory_space<vmem_shared>> -> memref<5120x8xf32, #tpu.memory_space<vmem_shared>>
        tpu.enqueue_indirect_dma source(%dma_start3A_321 : memref<128x8xf32, #tpu.memory_space<vmem>>) target(%dma_start3A_327 : memref<5120x8xf32, #tpu.memory_space<vmem_shared>>) offsets(%dma_start3A_324 : memref<128xi32, #tpu.memory_space<vmem>>) semaphore(%arg26 : memref<!tpu.dma_semaphore, #tpu.memory_space<semaphore_mem>>) {add = true}
        %ge3A = arith.constant 1 : i32
        %ge3A_328 = arith.cmpi sge, %add3A_292, %ge3A : i32
        %sub3A = arith.constant 8 : i32
        %sub3A_329 = arith.subi %select_n3A, %sub3A : i32
        %le3A = arith.cmpi sle, %add3A_292, %sub3A_329 : i32
        %and3A = arith.andi %ge3A_328, %le3A : i1
        %convert_element_type3A_330 = arith.extui %and3A : i1 to i32
        %cond3A_331 = arith.constant 0 : i32
        %cond3A_332 = arith.cmpi ne, %convert_element_type3A_330, %cond3A_331 : i32
        scf.if %cond3A_332 {
          %dma_wait3A_333 = arith.constant 5 : i32
          %dma_wait3A_334 = arith.constant 0 : i32
          %dma_wait3A_335 = arith.constant 0 : i32
          %dma_wait3A_336 = tpu.memref_slice %arg9[%dma_wait3A_333, %dma_wait3A_334, %dma_wait3A_335] : memref<8x128x8xf32, #tpu.memory_space<vmem>> -> memref<1x128x8xf32, #tpu.memory_space<vmem>>
          %dma_wait3A_337 = tpu.memref_squeeze %dma_wait3A_336 : memref<1x128x8xf32, #tpu.memory_space<vmem>> -> memref<128x8xf32, #tpu.memory_space<vmem>>
          %dma_wait3A_338 = arith.constant 0 : i32
          %dma_wait3A_339 = arith.constant 0 : i32
          %dma_wait3A_340 = tpu.memref_slice %arg5[%dma_wait3A_338, %dma_wait3A_339] : memref<640x8xf32, #tpu.memory_space<hbm>> -> memref<128x8xf32, #tpu.memory_space<hbm>>
          %dma_wait3A_341 = arith.constant 0 : i32
          %dma_wait3A_342 = arith.constant 0 : i32
          %dma_wait3A_343 = tpu.memref_slice %arg9[%dma_wait3A_333, %dma_wait3A_341, %dma_wait3A_342] : memref<8x128x8xf32, #tpu.memory_space<vmem>> -> memref<1x128x8xf32, #tpu.memory_space<vmem>>
          %dma_wait3A_344 = tpu.memref_squeeze %dma_wait3A_343 : memref<1x128x8xf32, #tpu.memory_space<vmem>> -> memref<128x8xf32, #tpu.memory_space<vmem>>
          %dma_wait3A_345 = arith.constant 0 : i32
          %dma_wait3A_346 = arith.constant 0 : i32
          %dma_wait3A_347 = tpu.memref_slice %arg5[%dma_wait3A_345, %dma_wait3A_346] : memref<640x8xf32, #tpu.memory_space<hbm>> -> memref<128x8xf32, #tpu.memory_space<hbm>>
          tpu.wait_dma2 semaphore(%arg25 : memref<!tpu.dma_semaphore, #tpu.memory_space<semaphore_mem>>) src(%dma_wait3A_347 : memref<128x8xf32, #tpu.memory_space<hbm>>) dst(%dma_wait3A_344 : memref<128x8xf32, #tpu.memory_space<vmem>>)
          %sub3A_348 = arith.constant 1 : i32
          %sub3A_349 = arith.subi %add3A_292, %sub3A_348 : i32
          %add3A_350 = arith.constant 8 : i32
          %add3A_351 = arith.addi %sub3A_349, %add3A_350 : i32
          %dma_start3A_352 = arith.constant 5 : i32
          %dma_start3A_353 = arith.constant 0 : i32
          %dma_start3A_354 = arith.constant 0 : i32
          %dma_start3A_355 = tpu.memref_slice %arg9[%dma_start3A_352, %dma_start3A_353, %dma_start3A_354] : memref<8x128x8xf32, #tpu.memory_space<vmem>> -> memref<1x128x8xf32, #tpu.memory_space<vmem>>
          %dma_start3A_356 = tpu.memref_squeeze %dma_start3A_355 : memref<1x128x8xf32, #tpu.memory_space<vmem>> -> memref<128x8xf32, #tpu.memory_space<vmem>>
          %dma_start3A_357 = arith.constant 0 : i32
          %dma_start3A_358 = tpu.memref_slice %arg7[%add3A_351, %dma_start3A_357] : memref<79x128xi32, #tpu.memory_space<vmem>> -> memref<1x128xi32, #tpu.memory_space<vmem>>
          %dma_start3A_359 = tpu.memref_squeeze %dma_start3A_358 : memref<1x128xi32, #tpu.memory_space<vmem>> -> memref<128xi32, #tpu.memory_space<vmem>>
          %dma_start3A_360 = arith.constant 0 : i32
          %dma_start3A_361 = arith.constant 0 : i32
          %dma_start3A_362 = tpu.memref_slice %arg10[%dma_start3A_360, %dma_start3A_361] : memref<10000x8xf32, #tpu.memory_space<vmem_shared>> -> memref<10000x8xf32, #tpu.memory_space<vmem_shared>>
          tpu.enqueue_indirect_dma source(%dma_start3A_362 : memref<10000x8xf32, #tpu.memory_space<vmem_shared>>) target(%dma_start3A_356 : memref<128x8xf32, #tpu.memory_space<vmem>>) offsets(%dma_start3A_359 : memref<128xi32, #tpu.memory_space<vmem>>) semaphore(%arg17 : memref<!tpu.dma_semaphore, #tpu.memory_space<semaphore_mem>>)
        } else {
        }
      } else {
      }
      %mul3A_297 = arith.constant 8 : i32
      %mul3A_298 = arith.muli %scan3A_240, %mul3A_297 : i32
      %add3A_299 = arith.constant 7 : i32
      %add3A_300 = arith.addi %mul3A_298, %add3A_299 : i32
      %lt3A_301 = arith.cmpi slt, %add3A_300, %select_n3A : i32
      %convert_element_type3A_302 = arith.extui %lt3A_301 : i1 to i32
      %cond3A_303 = arith.constant 0 : i32
      %cond3A_304 = arith.cmpi ne, %convert_element_type3A_302, %cond3A_303 : i32
      scf.if %cond3A_304 {
        %dma_wait3A_305 = arith.constant 7 : i32
        %dma_wait3A_306 = arith.constant 7 : i32
        %dma_wait3A_307 = arith.constant 0 : i32
        %dma_wait3A_308 = arith.constant 0 : i32
        %dma_wait3A_309 = tpu.memref_slice %arg9[%dma_wait3A_306, %dma_wait3A_307, %dma_wait3A_308] : memref<8x128x8xf32, #tpu.memory_space<vmem>> -> memref<1x128x8xf32, #tpu.memory_space<vmem>>
        %dma_wait3A_310 = tpu.memref_squeeze %dma_wait3A_309 : memref<1x128x8xf32, #tpu.memory_space<vmem>> -> memref<128x8xf32, #tpu.memory_space<vmem>>
        %dma_wait3A_311 = arith.constant 0 : i32
        %dma_wait3A_312 = tpu.memref_slice %arg7[%dma_wait3A_305, %dma_wait3A_311] : memref<79x128xi32, #tpu.memory_space<vmem>> -> memref<1x128xi32, #tpu.memory_space<vmem>>
        %dma_wait3A_313 = tpu.memref_squeeze %dma_wait3A_312 : memref<1x128xi32, #tpu.memory_space<vmem>> -> memref<128xi32, #tpu.memory_space<vmem>>
        %dma_wait3A_314 = arith.constant 0 : i32
        %dma_wait3A_315 = arith.constant 0 : i32
        %dma_wait3A_316 = tpu.memref_slice %arg10[%dma_wait3A_314, %dma_wait3A_315] : memref<10000x8xf32, #tpu.memory_space<vmem_shared>> -> memref<10000x8xf32, #tpu.memory_space<vmem_shared>>
        tpu.wait_indirect_dma semaphore(%arg19 : memref<!tpu.dma_semaphore, #tpu.memory_space<semaphore_mem>>) src(%dma_wait3A_316 : memref<10000x8xf32, #tpu.memory_space<vmem_shared>>) dst(%dma_wait3A_310 : memref<128x8xf32, #tpu.memory_space<vmem>>)
        %dma_start3A_317 = arith.constant 7 : i32
        %dma_start3A_318 = arith.constant 0 : i32
        %dma_start3A_319 = arith.constant 0 : i32
        %dma_start3A_320 = tpu.memref_slice %arg9[%dma_start3A_317, %dma_start3A_318, %dma_start3A_319] : memref<8x128x8xf32, #tpu.memory_space<vmem>> -> memref<1x128x8xf32, #tpu.memory_space<vmem>>
        %dma_start3A_321 = tpu.memref_squeeze %dma_start3A_320 : memref<1x128x8xf32, #tpu.memory_space<vmem>> -> memref<128x8xf32, #tpu.memory_space<vmem>>
        %dma_start3A_322 = arith.constant 0 : i32
        %dma_start3A_323 = tpu.memref_slice %arg8[%add3A_300, %dma_start3A_322] : memref<79x128xi32, #tpu.memory_space<vmem>> -> memref<1x128xi32, #tpu.memory_space<vmem>>
        %dma_start3A_324 = tpu.memref_squeeze %dma_start3A_323 : memref<1x128xi32, #tpu.memory_space<vmem>> -> memref<128xi32, #tpu.memory_space<vmem>>
        %dma_start3A_325 = arith.constant 0 : i32
        %dma_start3A_326 = arith.constant 0 : i32
        %dma_start3A_327 = tpu.memref_slice %arg11[%dma_start3A_325, %dma_start3A_326] : memref<5120x8xf32, #tpu.memory_space<vmem_shared>> -> memref<5120x8xf32, #tpu.memory_space<vmem_shared>>
        tpu.enqueue_indirect_dma source(%dma_start3A_321 : memref<128x8xf32, #tpu.memory_space<vmem>>) target(%dma_start3A_327 : memref<5120x8xf32, #tpu.memory_space<vmem_shared>>) offsets(%dma_start3A_324 : memref<128xi32, #tpu.memory_space<vmem>>) semaphore(%arg27 : memref<!tpu.dma_semaphore, #tpu.memory_space<semaphore_mem>>) {add = true}
        %ge3A = arith.constant 1 : i32
        %ge3A_328 = arith.cmpi sge, %add3A_300, %ge3A : i32
        %sub3A = arith.constant 8 : i32
        %sub3A_329 = arith.subi %select_n3A, %sub3A : i32
        %le3A = arith.cmpi sle, %add3A_300, %sub3A_329 : i32
        %and3A = arith.andi %ge3A_328, %le3A : i1
        %convert_element_type3A_330 = arith.extui %and3A : i1 to i32
        %cond3A_331 = arith.constant 0 : i32
        %cond3A_332 = arith.cmpi ne, %convert_element_type3A_330, %cond3A_331 : i32
        scf.if %cond3A_332 {
          %dma_wait3A_333 = arith.constant 6 : i32
          %dma_wait3A_334 = arith.constant 0 : i32
          %dma_wait3A_335 = arith.constant 0 : i32
          %dma_wait3A_336 = tpu.memref_slice %arg9[%dma_wait3A_333, %dma_wait3A_334, %dma_wait3A_335] : memref<8x128x8xf32, #tpu.memory_space<vmem>> -> memref<1x128x8xf32, #tpu.memory_space<vmem>>
          %dma_wait3A_337 = tpu.memref_squeeze %dma_wait3A_336 : memref<1x128x8xf32, #tpu.memory_space<vmem>> -> memref<128x8xf32, #tpu.memory_space<vmem>>
          %dma_wait3A_338 = arith.constant 0 : i32
          %dma_wait3A_339 = arith.constant 0 : i32
          %dma_wait3A_340 = tpu.memref_slice %arg5[%dma_wait3A_338, %dma_wait3A_339] : memref<640x8xf32, #tpu.memory_space<hbm>> -> memref<128x8xf32, #tpu.memory_space<hbm>>
          %dma_wait3A_341 = arith.constant 0 : i32
          %dma_wait3A_342 = arith.constant 0 : i32
          %dma_wait3A_343 = tpu.memref_slice %arg9[%dma_wait3A_333, %dma_wait3A_341, %dma_wait3A_342] : memref<8x128x8xf32, #tpu.memory_space<vmem>> -> memref<1x128x8xf32, #tpu.memory_space<vmem>>
          %dma_wait3A_344 = tpu.memref_squeeze %dma_wait3A_343 : memref<1x128x8xf32, #tpu.memory_space<vmem>> -> memref<128x8xf32, #tpu.memory_space<vmem>>
          %dma_wait3A_345 = arith.constant 0 : i32
          %dma_wait3A_346 = arith.constant 0 : i32
          %dma_wait3A_347 = tpu.memref_slice %arg5[%dma_wait3A_345, %dma_wait3A_346] : memref<640x8xf32, #tpu.memory_space<hbm>> -> memref<128x8xf32, #tpu.memory_space<hbm>>
          tpu.wait_dma2 semaphore(%arg26 : memref<!tpu.dma_semaphore, #tpu.memory_space<semaphore_mem>>) src(%dma_wait3A_347 : memref<128x8xf32, #tpu.memory_space<hbm>>) dst(%dma_wait3A_344 : memref<128x8xf32, #tpu.memory_space<vmem>>)
          %sub3A_348 = arith.constant 1 : i32
          %sub3A_349 = arith.subi %add3A_300, %sub3A_348 : i32
          %add3A_350 = arith.constant 8 : i32
          %add3A_351 = arith.addi %sub3A_349, %add3A_350 : i32
          %dma_start3A_352 = arith.constant 6 : i32
          %dma_start3A_353 = arith.constant 0 : i32
          %dma_start3A_354 = arith.constant 0 : i32
          %dma_start3A_355 = tpu.memref_slice %arg9[%dma_start3A_352, %dma_start3A_353, %dma_start3A_354] : memref<8x128x8xf32, #tpu.memory_space<vmem>> -> memref<1x128x8xf32, #tpu.memory_space<vmem>>
          %dma_start3A_356 = tpu.memref_squeeze %dma_start3A_355 : memref<1x128x8xf32, #tpu.memory_space<vmem>> -> memref<128x8xf32, #tpu.memory_space<vmem>>
          %dma_start3A_357 = arith.constant 0 : i32
          %dma_start3A_358 = tpu.memref_slice %arg7[%add3A_351, %dma_start3A_357] : memref<79x128xi32, #tpu.memory_space<vmem>> -> memref<1x128xi32, #tpu.memory_space<vmem>>
          %dma_start3A_359 = tpu.memref_squeeze %dma_start3A_358 : memref<1x128xi32, #tpu.memory_space<vmem>> -> memref<128xi32, #tpu.memory_space<vmem>>
          %dma_start3A_360 = arith.constant 0 : i32
          %dma_start3A_361 = arith.constant 0 : i32
          %dma_start3A_362 = tpu.memref_slice %arg10[%dma_start3A_360, %dma_start3A_361] : memref<10000x8xf32, #tpu.memory_space<vmem_shared>> -> memref<10000x8xf32, #tpu.memory_space<vmem_shared>>
          tpu.enqueue_indirect_dma source(%dma_start3A_362 : memref<10000x8xf32, #tpu.memory_space<vmem_shared>>) target(%dma_start3A_356 : memref<128x8xf32, #tpu.memory_space<vmem>>) offsets(%dma_start3A_359 : memref<128xi32, #tpu.memory_space<vmem>>) semaphore(%arg18 : memref<!tpu.dma_semaphore, #tpu.memory_space<semaphore_mem>>)
        } else {
        }
      } else {
      }
    }
    %scan3A_115 = arith.constant 10 : i32
    %dma_wait3A = arith.constant 0 : i32
    %dma_wait3A_116 = arith.constant 0 : i32
    %dma_wait3A_117 = arith.constant 0 : i32
    %dma_wait3A_118 = tpu.memref_slice %arg9[%dma_wait3A, %dma_wait3A_116, %dma_wait3A_117] : memref<8x128x8xf32, #tpu.memory_space<vmem>> -> memref<1x128x8xf32, #tpu.memory_space<vmem>>
    %dma_wait3A_119 = tpu.memref_squeeze %dma_wait3A_118 : memref<1x128x8xf32, #tpu.memory_space<vmem>> -> memref<128x8xf32, #tpu.memory_space<vmem>>
    %dma_wait3A_120 = arith.constant 0 : i32
    %dma_wait3A_121 = arith.constant 0 : i32
    %dma_wait3A_122 = tpu.memref_slice %arg5[%dma_wait3A_120, %dma_wait3A_121] : memref<640x8xf32, #tpu.memory_space<hbm>> -> memref<128x8xf32, #tpu.memory_space<hbm>>
    %dma_wait3A_123 = arith.constant 0 : i32
    %dma_wait3A_124 = arith.constant 0 : i32
    %dma_wait3A_125 = tpu.memref_slice %arg9[%dma_wait3A, %dma_wait3A_123, %dma_wait3A_124] : memref<8x128x8xf32, #tpu.memory_space<vmem>> -> memref<1x128x8xf32, #tpu.memory_space<vmem>>
    %dma_wait3A_126 = tpu.memref_squeeze %dma_wait3A_125 : memref<1x128x8xf32, #tpu.memory_space<vmem>> -> memref<128x8xf32, #tpu.memory_space<vmem>>
    %dma_wait3A_127 = arith.constant 0 : i32
    %dma_wait3A_128 = arith.constant 0 : i32
    %dma_wait3A_129 = tpu.memref_slice %arg5[%dma_wait3A_127, %dma_wait3A_128] : memref<640x8xf32, #tpu.memory_space<hbm>> -> memref<128x8xf32, #tpu.memory_space<hbm>>
    tpu.wait_dma2 semaphore(%arg20 : memref<!tpu.dma_semaphore, #tpu.memory_space<semaphore_mem>>) src(%dma_wait3A_129 : memref<128x8xf32, #tpu.memory_space<hbm>>) dst(%dma_wait3A_126 : memref<128x8xf32, #tpu.memory_space<vmem>>)
    %dma_wait3A_130 = arith.constant 1 : i32
    %dma_wait3A_131 = arith.constant 0 : i32
    %dma_wait3A_132 = arith.constant 0 : i32
    %dma_wait3A_133 = tpu.memref_slice %arg9[%dma_wait3A_130, %dma_wait3A_131, %dma_wait3A_132] : memref<8x128x8xf32, #tpu.memory_space<vmem>> -> memref<1x128x8xf32, #tpu.memory_space<vmem>>
    %dma_wait3A_134 = tpu.memref_squeeze %dma_wait3A_133 : memref<1x128x8xf32, #tpu.memory_space<vmem>> -> memref<128x8xf32, #tpu.memory_space<vmem>>
    %dma_wait3A_135 = arith.constant 0 : i32
    %dma_wait3A_136 = arith.constant 0 : i32
    %dma_wait3A_137 = tpu.memref_slice %arg5[%dma_wait3A_135, %dma_wait3A_136] : memref<640x8xf32, #tpu.memory_space<hbm>> -> memref<128x8xf32, #tpu.memory_space<hbm>>
    %dma_wait3A_138 = arith.constant 0 : i32
    %dma_wait3A_139 = arith.constant 0 : i32
    %dma_wait3A_140 = tpu.memref_slice %arg9[%dma_wait3A_130, %dma_wait3A_138, %dma_wait3A_139] : memref<8x128x8xf32, #tpu.memory_space<vmem>> -> memref<1x128x8xf32, #tpu.memory_space<vmem>>
    %dma_wait3A_141 = tpu.memref_squeeze %dma_wait3A_140 : memref<1x128x8xf32, #tpu.memory_space<vmem>> -> memref<128x8xf32, #tpu.memory_space<vmem>>
    %dma_wait3A_142 = arith.constant 0 : i32
    %dma_wait3A_143 = arith.constant 0 : i32
    %dma_wait3A_144 = tpu.memref_slice %arg5[%dma_wait3A_142, %dma_wait3A_143] : memref<640x8xf32, #tpu.memory_space<hbm>> -> memref<128x8xf32, #tpu.memory_space<hbm>>
    tpu.wait_dma2 semaphore(%arg21 : memref<!tpu.dma_semaphore, #tpu.memory_space<semaphore_mem>>) src(%dma_wait3A_144 : memref<128x8xf32, #tpu.memory_space<hbm>>) dst(%dma_wait3A_141 : memref<128x8xf32, #tpu.memory_space<vmem>>)
    %dma_wait3A_145 = arith.constant 2 : i32
    %dma_wait3A_146 = arith.constant 0 : i32
    %dma_wait3A_147 = arith.constant 0 : i32
    %dma_wait3A_148 = tpu.memref_slice %arg9[%dma_wait3A_145, %dma_wait3A_146, %dma_wait3A_147] : memref<8x128x8xf32, #tpu.memory_space<vmem>> -> memref<1x128x8xf32, #tpu.memory_space<vmem>>
    %dma_wait3A_149 = tpu.memref_squeeze %dma_wait3A_148 : memref<1x128x8xf32, #tpu.memory_space<vmem>> -> memref<128x8xf32, #tpu.memory_space<vmem>>
    %dma_wait3A_150 = arith.constant 0 : i32
    %dma_wait3A_151 = arith.constant 0 : i32
    %dma_wait3A_152 = tpu.memref_slice %arg5[%dma_wait3A_150, %dma_wait3A_151] : memref<640x8xf32, #tpu.memory_space<hbm>> -> memref<128x8xf32, #tpu.memory_space<hbm>>
    %dma_wait3A_153 = arith.constant 0 : i32
    %dma_wait3A_154 = arith.constant 0 : i32
    %dma_wait3A_155 = tpu.memref_slice %arg9[%dma_wait3A_145, %dma_wait3A_153, %dma_wait3A_154] : memref<8x128x8xf32, #tpu.memory_space<vmem>> -> memref<1x128x8xf32, #tpu.memory_space<vmem>>
    %dma_wait3A_156 = tpu.memref_squeeze %dma_wait3A_155 : memref<1x128x8xf32, #tpu.memory_space<vmem>> -> memref<128x8xf32, #tpu.memory_space<vmem>>
    %dma_wait3A_157 = arith.constant 0 : i32
    %dma_wait3A_158 = arith.constant 0 : i32
    %dma_wait3A_159 = tpu.memref_slice %arg5[%dma_wait3A_157, %dma_wait3A_158] : memref<640x8xf32, #tpu.memory_space<hbm>> -> memref<128x8xf32, #tpu.memory_space<hbm>>
    tpu.wait_dma2 semaphore(%arg22 : memref<!tpu.dma_semaphore, #tpu.memory_space<semaphore_mem>>) src(%dma_wait3A_159 : memref<128x8xf32, #tpu.memory_space<hbm>>) dst(%dma_wait3A_156 : memref<128x8xf32, #tpu.memory_space<vmem>>)
    %dma_wait3A_160 = arith.constant 3 : i32
    %dma_wait3A_161 = arith.constant 0 : i32
    %dma_wait3A_162 = arith.constant 0 : i32
    %dma_wait3A_163 = tpu.memref_slice %arg9[%dma_wait3A_160, %dma_wait3A_161, %dma_wait3A_162] : memref<8x128x8xf32, #tpu.memory_space<vmem>> -> memref<1x128x8xf32, #tpu.memory_space<vmem>>
    %dma_wait3A_164 = tpu.memref_squeeze %dma_wait3A_163 : memref<1x128x8xf32, #tpu.memory_space<vmem>> -> memref<128x8xf32, #tpu.memory_space<vmem>>
    %dma_wait3A_165 = arith.constant 0 : i32
    %dma_wait3A_166 = arith.constant 0 : i32
    %dma_wait3A_167 = tpu.memref_slice %arg5[%dma_wait3A_165, %dma_wait3A_166] : memref<640x8xf32, #tpu.memory_space<hbm>> -> memref<128x8xf32, #tpu.memory_space<hbm>>
    %dma_wait3A_168 = arith.constant 0 : i32
    %dma_wait3A_169 = arith.constant 0 : i32
    %dma_wait3A_170 = tpu.memref_slice %arg9[%dma_wait3A_160, %dma_wait3A_168, %dma_wait3A_169] : memref<8x128x8xf32, #tpu.memory_space<vmem>> -> memref<1x128x8xf32, #tpu.memory_space<vmem>>
    %dma_wait3A_171 = tpu.memref_squeeze %dma_wait3A_170 : memref<1x128x8xf32, #tpu.memory_space<vmem>> -> memref<128x8xf32, #tpu.memory_space<vmem>>
    %dma_wait3A_172 = arith.constant 0 : i32
    %dma_wait3A_173 = arith.constant 0 : i32
    %dma_wait3A_174 = tpu.memref_slice %arg5[%dma_wait3A_172, %dma_wait3A_173] : memref<640x8xf32, #tpu.memory_space<hbm>> -> memref<128x8xf32, #tpu.memory_space<hbm>>
    tpu.wait_dma2 semaphore(%arg23 : memref<!tpu.dma_semaphore, #tpu.memory_space<semaphore_mem>>) src(%dma_wait3A_174 : memref<128x8xf32, #tpu.memory_space<hbm>>) dst(%dma_wait3A_171 : memref<128x8xf32, #tpu.memory_space<vmem>>)
    %dma_wait3A_175 = arith.constant 4 : i32
    %dma_wait3A_176 = arith.constant 0 : i32
    %dma_wait3A_177 = arith.constant 0 : i32
    %dma_wait3A_178 = tpu.memref_slice %arg9[%dma_wait3A_175, %dma_wait3A_176, %dma_wait3A_177] : memref<8x128x8xf32, #tpu.memory_space<vmem>> -> memref<1x128x8xf32, #tpu.memory_space<vmem>>
    %dma_wait3A_179 = tpu.memref_squeeze %dma_wait3A_178 : memref<1x128x8xf32, #tpu.memory_space<vmem>> -> memref<128x8xf32, #tpu.memory_space<vmem>>
    %dma_wait3A_180 = arith.constant 0 : i32
    %dma_wait3A_181 = arith.constant 0 : i32
    %dma_wait3A_182 = tpu.memref_slice %arg5[%dma_wait3A_180, %dma_wait3A_181] : memref<640x8xf32, #tpu.memory_space<hbm>> -> memref<128x8xf32, #tpu.memory_space<hbm>>
    %dma_wait3A_183 = arith.constant 0 : i32
    %dma_wait3A_184 = arith.constant 0 : i32
    %dma_wait3A_185 = tpu.memref_slice %arg9[%dma_wait3A_175, %dma_wait3A_183, %dma_wait3A_184] : memref<8x128x8xf32, #tpu.memory_space<vmem>> -> memref<1x128x8xf32, #tpu.memory_space<vmem>>
    %dma_wait3A_186 = tpu.memref_squeeze %dma_wait3A_185 : memref<1x128x8xf32, #tpu.memory_space<vmem>> -> memref<128x8xf32, #tpu.memory_space<vmem>>
    %dma_wait3A_187 = arith.constant 0 : i32
    %dma_wait3A_188 = arith.constant 0 : i32
    %dma_wait3A_189 = tpu.memref_slice %arg5[%dma_wait3A_187, %dma_wait3A_188] : memref<640x8xf32, #tpu.memory_space<hbm>> -> memref<128x8xf32, #tpu.memory_space<hbm>>
    tpu.wait_dma2 semaphore(%arg24 : memref<!tpu.dma_semaphore, #tpu.memory_space<semaphore_mem>>) src(%dma_wait3A_189 : memref<128x8xf32, #tpu.memory_space<hbm>>) dst(%dma_wait3A_186 : memref<128x8xf32, #tpu.memory_space<vmem>>)
    %dma_wait3A_190 = arith.constant 5 : i32
    %dma_wait3A_191 = arith.constant 0 : i32
    %dma_wait3A_192 = arith.constant 0 : i32
    %dma_wait3A_193 = tpu.memref_slice %arg9[%dma_wait3A_190, %dma_wait3A_191, %dma_wait3A_192] : memref<8x128x8xf32, #tpu.memory_space<vmem>> -> memref<1x128x8xf32, #tpu.memory_space<vmem>>
    %dma_wait3A_194 = tpu.memref_squeeze %dma_wait3A_193 : memref<1x128x8xf32, #tpu.memory_space<vmem>> -> memref<128x8xf32, #tpu.memory_space<vmem>>
    %dma_wait3A_195 = arith.constant 0 : i32
    %dma_wait3A_196 = arith.constant 0 : i32
    %dma_wait3A_197 = tpu.memref_slice %arg5[%dma_wait3A_195, %dma_wait3A_196] : memref<640x8xf32, #tpu.memory_space<hbm>> -> memref<128x8xf32, #tpu.memory_space<hbm>>
    %dma_wait3A_198 = arith.constant 0 : i32
    %dma_wait3A_199 = arith.constant 0 : i32
    %dma_wait3A_200 = tpu.memref_slice %arg9[%dma_wait3A_190, %dma_wait3A_198, %dma_wait3A_199] : memref<8x128x8xf32, #tpu.memory_space<vmem>> -> memref<1x128x8xf32, #tpu.memory_space<vmem>>
    %dma_wait3A_201 = tpu.memref_squeeze %dma_wait3A_200 : memref<1x128x8xf32, #tpu.memory_space<vmem>> -> memref<128x8xf32, #tpu.memory_space<vmem>>
    %dma_wait3A_202 = arith.constant 0 : i32
    %dma_wait3A_203 = arith.constant 0 : i32
    %dma_wait3A_204 = tpu.memref_slice %arg5[%dma_wait3A_202, %dma_wait3A_203] : memref<640x8xf32, #tpu.memory_space<hbm>> -> memref<128x8xf32, #tpu.memory_space<hbm>>
    tpu.wait_dma2 semaphore(%arg25 : memref<!tpu.dma_semaphore, #tpu.memory_space<semaphore_mem>>) src(%dma_wait3A_204 : memref<128x8xf32, #tpu.memory_space<hbm>>) dst(%dma_wait3A_201 : memref<128x8xf32, #tpu.memory_space<vmem>>)
    %dma_wait3A_205 = arith.constant 6 : i32
    %dma_wait3A_206 = arith.constant 0 : i32
    %dma_wait3A_207 = arith.constant 0 : i32
    %dma_wait3A_208 = tpu.memref_slice %arg9[%dma_wait3A_205, %dma_wait3A_206, %dma_wait3A_207] : memref<8x128x8xf32, #tpu.memory_space<vmem>> -> memref<1x128x8xf32, #tpu.memory_space<vmem>>
    %dma_wait3A_209 = tpu.memref_squeeze %dma_wait3A_208 : memref<1x128x8xf32, #tpu.memory_space<vmem>> -> memref<128x8xf32, #tpu.memory_space<vmem>>
    %dma_wait3A_210 = arith.constant 0 : i32
    %dma_wait3A_211 = arith.constant 0 : i32
    %dma_wait3A_212 = tpu.memref_slice %arg5[%dma_wait3A_210, %dma_wait3A_211] : memref<640x8xf32, #tpu.memory_space<hbm>> -> memref<128x8xf32, #tpu.memory_space<hbm>>
    %dma_wait3A_213 = arith.constant 0 : i32
    %dma_wait3A_214 = arith.constant 0 : i32
    %dma_wait3A_215 = tpu.memref_slice %arg9[%dma_wait3A_205, %dma_wait3A_213, %dma_wait3A_214] : memref<8x128x8xf32, #tpu.memory_space<vmem>> -> memref<1x128x8xf32, #tpu.memory_space<vmem>>
    %dma_wait3A_216 = tpu.memref_squeeze %dma_wait3A_215 : memref<1x128x8xf32, #tpu.memory_space<vmem>> -> memref<128x8xf32, #tpu.memory_space<vmem>>
    %dma_wait3A_217 = arith.constant 0 : i32
    %dma_wait3A_218 = arith.constant 0 : i32
    %dma_wait3A_219 = tpu.memref_slice %arg5[%dma_wait3A_217, %dma_wait3A_218] : memref<640x8xf32, #tpu.memory_space<hbm>> -> memref<128x8xf32, #tpu.memory_space<hbm>>
    tpu.wait_dma2 semaphore(%arg26 : memref<!tpu.dma_semaphore, #tpu.memory_space<semaphore_mem>>) src(%dma_wait3A_219 : memref<128x8xf32, #tpu.memory_space<hbm>>) dst(%dma_wait3A_216 : memref<128x8xf32, #tpu.memory_space<vmem>>)
    %dma_wait3A_220 = arith.constant 7 : i32
    %dma_wait3A_221 = arith.constant 0 : i32
    %dma_wait3A_222 = arith.constant 0 : i32
    %dma_wait3A_223 = tpu.memref_slice %arg9[%dma_wait3A_220, %dma_wait3A_221, %dma_wait3A_222] : memref<8x128x8xf32, #tpu.memory_space<vmem>> -> memref<1x128x8xf32, #tpu.memory_space<vmem>>
    %dma_wait3A_224 = tpu.memref_squeeze %dma_wait3A_223 : memref<1x128x8xf32, #tpu.memory_space<vmem>> -> memref<128x8xf32, #tpu.memory_space<vmem>>
    %dma_wait3A_225 = arith.constant 0 : i32
    %dma_wait3A_226 = arith.constant 0 : i32
    %dma_wait3A_227 = tpu.memref_slice %arg5[%dma_wait3A_225, %dma_wait3A_226] : memref<640x8xf32, #tpu.memory_space<hbm>> -> memref<128x8xf32, #tpu.memory_space<hbm>>
    %dma_wait3A_228 = arith.constant 0 : i32
    %dma_wait3A_229 = arith.constant 0 : i32
    %dma_wait3A_230 = tpu.memref_slice %arg9[%dma_wait3A_220, %dma_wait3A_228, %dma_wait3A_229] : memref<8x128x8xf32, #tpu.memory_space<vmem>> -> memref<1x128x8xf32, #tpu.memory_space<vmem>>
    %dma_wait3A_231 = tpu.memref_squeeze %dma_wait3A_230 : memref<1x128x8xf32, #tpu.memory_space<vmem>> -> memref<128x8xf32, #tpu.memory_space<vmem>>
    %dma_wait3A_232 = arith.constant 0 : i32
    %dma_wait3A_233 = arith.constant 0 : i32
    %dma_wait3A_234 = tpu.memref_slice %arg5[%dma_wait3A_232, %dma_wait3A_233] : memref<640x8xf32, #tpu.memory_space<hbm>> -> memref<128x8xf32, #tpu.memory_space<hbm>>
    tpu.wait_dma2 semaphore(%arg27 : memref<!tpu.dma_semaphore, #tpu.memory_space<semaphore_mem>>) src(%dma_wait3A_234 : memref<128x8xf32, #tpu.memory_space<hbm>>) dst(%dma_wait3A_231 : memref<128x8xf32, #tpu.memory_space<vmem>>)
    %barrier3A_235 = arith.constant 0 : index
    tpu.barrier barrier_id(%barrier3A_235)
    %mul3A_236 = arith.constant 320 : i32
    %mul3A_237 = arith.muli %arg1, %mul3A_236 : i32
    %mul3A_238 = arith.constant 320 : i32
    %mul3A_239 = arith.muli %arg1, %mul3A_238 : i32
    "tpu.region"() ({
      %run_scoped3A = tpu.sem_alloc : memref<!tpu.dma_semaphore, #tpu.memory_space<semaphore_mem>>
      %dma_start3A_240 = arith.constant 0 : i32
      %dma_start3A_241 = tpu.memref_slice %arg6[%arg0, %mul3A_239, %dma_start3A_240] : memref<2x5120x8xf32, #tpu.memory_space<hbm>> -> memref<1x320x8xf32, #tpu.memory_space<hbm>>
      %dma_start3A_242 = tpu.memref_squeeze %dma_start3A_241 : memref<1x320x8xf32, #tpu.memory_space<hbm>> -> memref<320x8xf32, #tpu.memory_space<hbm>>
      %dma_start3A_243 = arith.constant 0 : i32
      %dma_start3A_244 = tpu.memref_slice %arg11[%mul3A_237, %dma_start3A_243] : memref<5120x8xf32, #tpu.memory_space<vmem_shared>> -> memref<320x8xf32, #tpu.memory_space<vmem_shared>>
      tpu.enqueue_dma source(%dma_start3A_244 : memref<320x8xf32, #tpu.memory_space<vmem_shared>>) target(%dma_start3A_242 : memref<320x8xf32, #tpu.memory_space<hbm>>) target_semaphore(%run_scoped3A : memref<!tpu.dma_semaphore, #tpu.memory_space<semaphore_mem>>)
      %dma_wait3A_245 = arith.constant 0 : i32
      %dma_wait3A_246 = tpu.memref_slice %arg6[%arg0, %mul3A_239, %dma_wait3A_245] : memref<2x5120x8xf32, #tpu.memory_space<hbm>> -> memref<1x320x8xf32, #tpu.memory_space<hbm>>
      %dma_wait3A_247 = tpu.memref_squeeze %dma_wait3A_246 : memref<1x320x8xf32, #tpu.memory_space<hbm>> -> memref<320x8xf32, #tpu.memory_space<hbm>>
      %dma_wait3A_248 = arith.constant 0 : i32
      %dma_wait3A_249 = tpu.memref_slice %arg11[%mul3A_237, %dma_wait3A_248] : memref<5120x8xf32, #tpu.memory_space<vmem_shared>> -> memref<320x8xf32, #tpu.memory_space<vmem_shared>>
      tpu.wait_dma2 semaphore(%run_scoped3A : memref<!tpu.dma_semaphore, #tpu.memory_space<semaphore_mem>>) src(%dma_wait3A_249 : memref<320x8xf32, #tpu.memory_space<vmem_shared>>) dst(%dma_wait3A_247 : memref<320x8xf32, #tpu.memory_space<hbm>>)
      tpu.yield
    }) : () -> ()
    return
  }
}

#map = affine_map<(d0, d1) -> (0, 0)>
#map1 = affine_map<(d0, d1) -> (0, 0, 0)>
module attributes {stable_mosaic.version = 14 : i64} {
  func.func @body(%arg0: i32, %arg1: i32, %arg2: memref<5120x8xf32, #tpu.memory_space<hbm>>, %arg3: memref<2500x128xi32, #tpu.memory_space<hbm>>, %arg4: memref<2500x128xi32, #tpu.memory_space<hbm>>, %arg5: memref<640x8xf32, #tpu.memory_space<hbm>>, %arg6: memref<2x10240x8xf32, #tpu.memory_space<hbm>>, %arg7: memref<79x128xi32, #tpu.memory_space<vmem>>, %arg8: memref<79x128xi32, #tpu.memory_space<vmem>>, %arg9: memref<8x128x8xf32, #tpu.memory_space<vmem>>, %arg10: memref<5120x8xf32, #tpu.memory_space<vmem_shared>>, %arg11: memref<10240x8xf32, #tpu.memory_space<vmem_shared>>, %arg12: memref<!tpu.dma_semaphore, #tpu.memory_space<semaphore_mem>>, %arg13: memref<!tpu.dma_semaphore, #tpu.memory_space<semaphore_mem>>, %arg14: memref<!tpu.dma_semaphore, #tpu.memory_space<semaphore_mem>>, %arg15: memref<!tpu.dma_semaphore, #tpu.memory_space<semaphore_mem>>, %arg16: memref<!tpu.dma_semaphore, #tpu.memory_space<semaphore_mem>>, %arg17: memref<!tpu.dma_semaphore, #tpu.memory_space<semaphore_mem>>, %arg18: memref<!tpu.dma_semaphore, #tpu.memory_space<semaphore_mem>>, %arg19: memref<!tpu.dma_semaphore, #tpu.memory_space<semaphore_mem>>, %arg20: memref<!tpu.dma_semaphore, #tpu.memory_space<semaphore_mem>>, %arg21: memref<!tpu.dma_semaphore, #tpu.memory_space<semaphore_mem>>, %arg22: memref<!tpu.dma_semaphore, #tpu.memory_space<semaphore_mem>>, %arg23: memref<!tpu.dma_semaphore, #tpu.memory_space<semaphore_mem>>, %arg24: memref<!tpu.dma_semaphore, #tpu.memory_space<semaphore_mem>>, %arg25: memref<!tpu.dma_semaphore, #tpu.memory_space<semaphore_mem>>, %arg26: memref<!tpu.dma_semaphore, #tpu.memory_space<semaphore_mem>>, %arg27: memref<!tpu.dma_semaphore, #tpu.memory_space<semaphore_mem>>) attributes {dimension_semantics = [#tpu.dimension_semantics<core_parallel>, #tpu.dimension_semantics<subcore_parallel>], iteration_bounds = array<i64: 2, 16>, scalar_prefetch = 0 : i64, scratch_operands = 21 : i64, tpu.core_type = #tpu.core_type<sc_vector_subcore>, window_params = [{transform_indices = #map}, {transform_indices = #map}, {transform_indices = #map}, {transform_indices = #map}, {transform_indices = #map1}]} {
    %mul3A = arith.constant 16 : i32
    %mul3A_0 = arith.muli %arg0, %mul3A : i32
    %add3A = arith.addi %mul3A_0, %arg1 : i32
    %lt3A = arith.constant 4 : i32
    %lt3A_1 = arith.cmpi slt, %add3A, %lt3A : i32
    %jit3A = arith.constant 79 : i32
    %jit3A_2 = arith.constant 78 : i32
    %select_n3A = arith.select %lt3A_1, %jit3A, %jit3A_2 : i32
    %mul3A_3 = arith.constant 78 : i32
    %mul3A_4 = arith.muli %add3A, %mul3A_3 : i32
    %min3A = arith.constant 4 : i32
    %min3A_5 = arith.minsi %add3A, %min3A : i32
    %add3A_6 = arith.addi %mul3A_4, %min3A_5 : i32
    "tpu.region"() ({
      %run_scoped3A = tpu.sem_alloc : memref<!tpu.dma_semaphore, #tpu.memory_space<semaphore_mem>>
      %dma_start3A_240 = arith.constant 0 : i32
      %dma_start3A_241 = arith.constant 0 : i32
      %dma_start3A_242 = tpu.memref_slice %arg7[%dma_start3A_240, %dma_start3A_241] : memref<79x128xi32, #tpu.memory_space<vmem>> -> memref<78x128xi32, #tpu.memory_space<vmem>>
      %dma_start3A_243 = arith.constant 0 : i32
      %dma_start3A_244 = tpu.memref_slice %arg3[%add3A_6, %dma_start3A_243] : memref<2500x128xi32, #tpu.memory_space<hbm>> -> memref<78x128xi32, #tpu.memory_space<hbm>>
      %dma_start3A_245 = arith.constant 0 : i32
      %dma_start3A_246 = arith.constant 0 : i32
      %dma_start3A_247 = tpu.memref_slice %arg7[%dma_start3A_245, %dma_start3A_246] : memref<79x128xi32, #tpu.memory_space<vmem>> -> memref<78x128xi32, #tpu.memory_space<vmem>>
      %dma_start3A_248 = arith.constant 0 : i32
      %dma_start3A_249 = tpu.memref_slice %arg3[%add3A_6, %dma_start3A_248] : memref<2500x128xi32, #tpu.memory_space<hbm>> -> memref<78x128xi32, #tpu.memory_space<hbm>>
      tpu.enqueue_dma source(%dma_start3A_249 : memref<78x128xi32, #tpu.memory_space<hbm>>) target(%dma_start3A_247 : memref<78x128xi32, #tpu.memory_space<vmem>>) target_semaphore(%run_scoped3A : memref<!tpu.dma_semaphore, #tpu.memory_space<semaphore_mem>>)
      %dma_wait3A_250 = arith.constant 0 : i32
      %dma_wait3A_251 = arith.constant 0 : i32
      %dma_wait3A_252 = tpu.memref_slice %arg7[%dma_wait3A_250, %dma_wait3A_251] : memref<79x128xi32, #tpu.memory_space<vmem>> -> memref<78x128xi32, #tpu.memory_space<vmem>>
      %dma_wait3A_253 = arith.constant 0 : i32
      %dma_wait3A_254 = tpu.memref_slice %arg3[%add3A_6, %dma_wait3A_253] : memref<2500x128xi32, #tpu.memory_space<hbm>> -> memref<78x128xi32, #tpu.memory_space<hbm>>
      %dma_wait3A_255 = arith.constant 0 : i32
      %dma_wait3A_256 = arith.constant 0 : i32
      %dma_wait3A_257 = tpu.memref_slice %arg7[%dma_wait3A_255, %dma_wait3A_256] : memref<79x128xi32, #tpu.memory_space<vmem>> -> memref<78x128xi32, #tpu.memory_space<vmem>>
      %dma_wait3A_258 = arith.constant 0 : i32
      %dma_wait3A_259 = tpu.memref_slice %arg3[%add3A_6, %dma_wait3A_258] : memref<2500x128xi32, #tpu.memory_space<hbm>> -> memref<78x128xi32, #tpu.memory_space<hbm>>
      tpu.wait_dma2 semaphore(%run_scoped3A : memref<!tpu.dma_semaphore, #tpu.memory_space<semaphore_mem>>) src(%dma_wait3A_259 : memref<78x128xi32, #tpu.memory_space<hbm>>) dst(%dma_wait3A_257 : memref<78x128xi32, #tpu.memory_space<vmem>>)
      tpu.yield
    }) : () -> ()
    "tpu.region"() ({
      %run_scoped3A = tpu.sem_alloc : memref<!tpu.dma_semaphore, #tpu.memory_space<semaphore_mem>>
      %dma_start3A_240 = arith.constant 0 : i32
      %dma_start3A_241 = arith.constant 0 : i32
      %dma_start3A_242 = tpu.memref_slice %arg8[%dma_start3A_240, %dma_start3A_241] : memref<79x128xi32, #tpu.memory_space<vmem>> -> memref<78x128xi32, #tpu.memory_space<vmem>>
      %dma_start3A_243 = arith.constant 0 : i32
      %dma_start3A_244 = tpu.memref_slice %arg4[%add3A_6, %dma_start3A_243] : memref<2500x128xi32, #tpu.memory_space<hbm>> -> memref<78x128xi32, #tpu.memory_space<hbm>>
      %dma_start3A_245 = arith.constant 0 : i32
      %dma_start3A_246 = arith.constant 0 : i32
      %dma_start3A_247 = tpu.memref_slice %arg8[%dma_start3A_245, %dma_start3A_246] : memref<79x128xi32, #tpu.memory_space<vmem>> -> memref<78x128xi32, #tpu.memory_space<vmem>>
      %dma_start3A_248 = arith.constant 0 : i32
      %dma_start3A_249 = tpu.memref_slice %arg4[%add3A_6, %dma_start3A_248] : memref<2500x128xi32, #tpu.memory_space<hbm>> -> memref<78x128xi32, #tpu.memory_space<hbm>>
      tpu.enqueue_dma source(%dma_start3A_249 : memref<78x128xi32, #tpu.memory_space<hbm>>) target(%dma_start3A_247 : memref<78x128xi32, #tpu.memory_space<vmem>>) target_semaphore(%run_scoped3A : memref<!tpu.dma_semaphore, #tpu.memory_space<semaphore_mem>>)
      %dma_wait3A_250 = arith.constant 0 : i32
      %dma_wait3A_251 = arith.constant 0 : i32
      %dma_wait3A_252 = tpu.memref_slice %arg8[%dma_wait3A_250, %dma_wait3A_251] : memref<79x128xi32, #tpu.memory_space<vmem>> -> memref<78x128xi32, #tpu.memory_space<vmem>>
      %dma_wait3A_253 = arith.constant 0 : i32
      %dma_wait3A_254 = tpu.memref_slice %arg4[%add3A_6, %dma_wait3A_253] : memref<2500x128xi32, #tpu.memory_space<hbm>> -> memref<78x128xi32, #tpu.memory_space<hbm>>
      %dma_wait3A_255 = arith.constant 0 : i32
      %dma_wait3A_256 = arith.constant 0 : i32
      %dma_wait3A_257 = tpu.memref_slice %arg8[%dma_wait3A_255, %dma_wait3A_256] : memref<79x128xi32, #tpu.memory_space<vmem>> -> memref<78x128xi32, #tpu.memory_space<vmem>>
      %dma_wait3A_258 = arith.constant 0 : i32
      %dma_wait3A_259 = tpu.memref_slice %arg4[%add3A_6, %dma_wait3A_258] : memref<2500x128xi32, #tpu.memory_space<hbm>> -> memref<78x128xi32, #tpu.memory_space<hbm>>
      tpu.wait_dma2 semaphore(%run_scoped3A : memref<!tpu.dma_semaphore, #tpu.memory_space<semaphore_mem>>) src(%dma_wait3A_259 : memref<78x128xi32, #tpu.memory_space<hbm>>) dst(%dma_wait3A_257 : memref<78x128xi32, #tpu.memory_space<vmem>>)
      tpu.yield
    }) : () -> ()
    %lt3A_7 = arith.constant 4 : i32
    %lt3A_8 = arith.cmpi slt, %add3A, %lt3A_7 : i32
    %convert_element_type3A = arith.extui %lt3A_8 : i1 to i32
    %cond3A = arith.constant 0 : i32
    %cond3A_9 = arith.cmpi ne, %convert_element_type3A, %cond3A : i32
    scf.if %cond3A_9 {
      %add3A_240 = arith.constant 78 : i32
      %add3A_241 = arith.addi %add3A_6, %add3A_240 : i32
      "tpu.region"() ({
        %run_scoped3A = tpu.sem_alloc : memref<!tpu.dma_semaphore, #tpu.memory_space<semaphore_mem>>
        %dma_start3A_244 = arith.constant 78 : i32
        %dma_start3A_245 = arith.constant 0 : i32
        %dma_start3A_246 = tpu.memref_slice %arg7[%dma_start3A_244, %dma_start3A_245] : memref<79x128xi32, #tpu.memory_space<vmem>> -> memref<1x128xi32, #tpu.memory_space<vmem>>
        %dma_start3A_247 = arith.constant 0 : i32
        %dma_start3A_248 = tpu.memref_slice %arg3[%add3A_241, %dma_start3A_247] : memref<2500x128xi32, #tpu.memory_space<hbm>> -> memref<1x128xi32, #tpu.memory_space<hbm>>
        %dma_start3A_249 = arith.constant 78 : i32
        %dma_start3A_250 = arith.constant 0 : i32
        %dma_start3A_251 = tpu.memref_slice %arg7[%dma_start3A_249, %dma_start3A_250] : memref<79x128xi32, #tpu.memory_space<vmem>> -> memref<1x128xi32, #tpu.memory_space<vmem>>
        %dma_start3A_252 = arith.constant 0 : i32
        %dma_start3A_253 = tpu.memref_slice %arg3[%add3A_241, %dma_start3A_252] : memref<2500x128xi32, #tpu.memory_space<hbm>> -> memref<1x128xi32, #tpu.memory_space<hbm>>
        tpu.enqueue_dma source(%dma_start3A_253 : memref<1x128xi32, #tpu.memory_space<hbm>>) target(%dma_start3A_251 : memref<1x128xi32, #tpu.memory_space<vmem>>) target_semaphore(%run_scoped3A : memref<!tpu.dma_semaphore, #tpu.memory_space<semaphore_mem>>)
        %dma_wait3A_254 = arith.constant 78 : i32
        %dma_wait3A_255 = arith.constant 0 : i32
        %dma_wait3A_256 = tpu.memref_slice %arg7[%dma_wait3A_254, %dma_wait3A_255] : memref<79x128xi32, #tpu.memory_space<vmem>> -> memref<1x128xi32, #tpu.memory_space<vmem>>
        %dma_wait3A_257 = arith.constant 0 : i32
        %dma_wait3A_258 = tpu.memref_slice %arg3[%add3A_241, %dma_wait3A_257] : memref<2500x128xi32, #tpu.memory_space<hbm>> -> memref<1x128xi32, #tpu.memory_space<hbm>>
        %dma_wait3A_259 = arith.constant 78 : i32
        %dma_wait3A_260 = arith.constant 0 : i32
        %dma_wait3A_261 = tpu.memref_slice %arg7[%dma_wait3A_259, %dma_wait3A_260] : memref<79x128xi32, #tpu.memory_space<vmem>> -> memref<1x128xi32, #tpu.memory_space<vmem>>
        %dma_wait3A_262 = arith.constant 0 : i32
        %dma_wait3A_263 = tpu.memref_slice %arg3[%add3A_241, %dma_wait3A_262] : memref<2500x128xi32, #tpu.memory_space<hbm>> -> memref<1x128xi32, #tpu.memory_space<hbm>>
        tpu.wait_dma2 semaphore(%run_scoped3A : memref<!tpu.dma_semaphore, #tpu.memory_space<semaphore_mem>>) src(%dma_wait3A_263 : memref<1x128xi32, #tpu.memory_space<hbm>>) dst(%dma_wait3A_261 : memref<1x128xi32, #tpu.memory_space<vmem>>)
        tpu.yield
      }) : () -> ()
      %add3A_242 = arith.constant 78 : i32
      %add3A_243 = arith.addi %add3A_6, %add3A_242 : i32
      "tpu.region"() ({
        %run_scoped3A = tpu.sem_alloc : memref<!tpu.dma_semaphore, #tpu.memory_space<semaphore_mem>>
        %dma_start3A_244 = arith.constant 78 : i32
        %dma_start3A_245 = arith.constant 0 : i32
        %dma_start3A_246 = tpu.memref_slice %arg8[%dma_start3A_244, %dma_start3A_245] : memref<79x128xi32, #tpu.memory_space<vmem>> -> memref<1x128xi32, #tpu.memory_space<vmem>>
        %dma_start3A_247 = arith.constant 0 : i32
        %dma_start3A_248 = tpu.memref_slice %arg4[%add3A_243, %dma_start3A_247] : memref<2500x128xi32, #tpu.memory_space<hbm>> -> memref<1x128xi32, #tpu.memory_space<hbm>>
        %dma_start3A_249 = arith.constant 78 : i32
        %dma_start3A_250 = arith.constant 0 : i32
        %dma_start3A_251 = tpu.memref_slice %arg8[%dma_start3A_249, %dma_start3A_250] : memref<79x128xi32, #tpu.memory_space<vmem>> -> memref<1x128xi32, #tpu.memory_space<vmem>>
        %dma_start3A_252 = arith.constant 0 : i32
        %dma_start3A_253 = tpu.memref_slice %arg4[%add3A_243, %dma_start3A_252] : memref<2500x128xi32, #tpu.memory_space<hbm>> -> memref<1x128xi32, #tpu.memory_space<hbm>>
        tpu.enqueue_dma source(%dma_start3A_253 : memref<1x128xi32, #tpu.memory_space<hbm>>) target(%dma_start3A_251 : memref<1x128xi32, #tpu.memory_space<vmem>>) target_semaphore(%run_scoped3A : memref<!tpu.dma_semaphore, #tpu.memory_space<semaphore_mem>>)
        %dma_wait3A_254 = arith.constant 78 : i32
        %dma_wait3A_255 = arith.constant 0 : i32
        %dma_wait3A_256 = tpu.memref_slice %arg8[%dma_wait3A_254, %dma_wait3A_255] : memref<79x128xi32, #tpu.memory_space<vmem>> -> memref<1x128xi32, #tpu.memory_space<vmem>>
        %dma_wait3A_257 = arith.constant 0 : i32
        %dma_wait3A_258 = tpu.memref_slice %arg4[%add3A_243, %dma_wait3A_257] : memref<2500x128xi32, #tpu.memory_space<hbm>> -> memref<1x128xi32, #tpu.memory_space<hbm>>
        %dma_wait3A_259 = arith.constant 78 : i32
        %dma_wait3A_260 = arith.constant 0 : i32
        %dma_wait3A_261 = tpu.memref_slice %arg8[%dma_wait3A_259, %dma_wait3A_260] : memref<79x128xi32, #tpu.memory_space<vmem>> -> memref<1x128xi32, #tpu.memory_space<vmem>>
        %dma_wait3A_262 = arith.constant 0 : i32
        %dma_wait3A_263 = tpu.memref_slice %arg4[%add3A_243, %dma_wait3A_262] : memref<2500x128xi32, #tpu.memory_space<hbm>> -> memref<1x128xi32, #tpu.memory_space<hbm>>
        tpu.wait_dma2 semaphore(%run_scoped3A : memref<!tpu.dma_semaphore, #tpu.memory_space<semaphore_mem>>) src(%dma_wait3A_263 : memref<1x128xi32, #tpu.memory_space<hbm>>) dst(%dma_wait3A_261 : memref<1x128xi32, #tpu.memory_space<vmem>>)
        tpu.yield
      }) : () -> ()
    } else {
    }
    %mul3A_10 = arith.constant 320 : i32
    %mul3A_11 = arith.muli %arg1, %mul3A_10 : i32
    %mul3A_12 = arith.constant 320 : i32
    %mul3A_13 = arith.muli %arg1, %mul3A_12 : i32
    "tpu.region"() ({
      %run_scoped3A = tpu.sem_alloc : memref<!tpu.dma_semaphore, #tpu.memory_space<semaphore_mem>>
      %dma_start3A_240 = arith.constant 0 : i32
      %dma_start3A_241 = tpu.memref_slice %arg10[%mul3A_13, %dma_start3A_240] : memref<5120x8xf32, #tpu.memory_space<vmem_shared>> -> memref<320x8xf32, #tpu.memory_space<vmem_shared>>
      %dma_start3A_242 = arith.constant 0 : i32
      %dma_start3A_243 = tpu.memref_slice %arg2[%mul3A_11, %dma_start3A_242] : memref<5120x8xf32, #tpu.memory_space<hbm>> -> memref<320x8xf32, #tpu.memory_space<hbm>>
      tpu.enqueue_dma source(%dma_start3A_243 : memref<320x8xf32, #tpu.memory_space<hbm>>) target(%dma_start3A_241 : memref<320x8xf32, #tpu.memory_space<vmem_shared>>) target_semaphore(%run_scoped3A : memref<!tpu.dma_semaphore, #tpu.memory_space<semaphore_mem>>)
      %dma_wait3A_244 = arith.constant 0 : i32
      %dma_wait3A_245 = tpu.memref_slice %arg10[%mul3A_13, %dma_wait3A_244] : memref<5120x8xf32, #tpu.memory_space<vmem_shared>> -> memref<320x8xf32, #tpu.memory_space<vmem_shared>>
      %dma_wait3A_246 = arith.constant 0 : i32
      %dma_wait3A_247 = tpu.memref_slice %arg2[%mul3A_11, %dma_wait3A_246] : memref<5120x8xf32, #tpu.memory_space<hbm>> -> memref<320x8xf32, #tpu.memory_space<hbm>>
      tpu.wait_dma2 semaphore(%run_scoped3A : memref<!tpu.dma_semaphore, #tpu.memory_space<semaphore_mem>>) src(%dma_wait3A_247 : memref<320x8xf32, #tpu.memory_space<hbm>>) dst(%dma_wait3A_245 : memref<320x8xf32, #tpu.memory_space<vmem_shared>>)
      tpu.yield
    }) : () -> ()
    %mul3A_14 = arith.constant 640 : i32
    %mul3A_15 = arith.muli %arg1, %mul3A_14 : i32
    "tpu.region"() ({
      %run_scoped3A = tpu.sem_alloc : memref<!tpu.dma_semaphore, #tpu.memory_space<semaphore_mem>>
      %dma_start3A_240 = arith.constant 0 : i32
      %dma_start3A_241 = tpu.memref_slice %arg11[%mul3A_15, %dma_start3A_240] : memref<10240x8xf32, #tpu.memory_space<vmem_shared>> -> memref<640x8xf32, #tpu.memory_space<vmem_shared>>
      %dma_start3A_242 = arith.constant 0 : i32
      %dma_start3A_243 = arith.constant 0 : i32
      %dma_start3A_244 = tpu.memref_slice %arg5[%dma_start3A_242, %dma_start3A_243] : memref<640x8xf32, #tpu.memory_space<hbm>> -> memref<640x8xf32, #tpu.memory_space<hbm>>
      tpu.enqueue_dma source(%dma_start3A_244 : memref<640x8xf32, #tpu.memory_space<hbm>>) target(%dma_start3A_241 : memref<640x8xf32, #tpu.memory_space<vmem_shared>>) target_semaphore(%run_scoped3A : memref<!tpu.dma_semaphore, #tpu.memory_space<semaphore_mem>>)
      %dma_wait3A_245 = arith.constant 0 : i32
      %dma_wait3A_246 = tpu.memref_slice %arg11[%mul3A_15, %dma_wait3A_245] : memref<10240x8xf32, #tpu.memory_space<vmem_shared>> -> memref<640x8xf32, #tpu.memory_space<vmem_shared>>
      %dma_wait3A_247 = arith.constant 0 : i32
      %dma_wait3A_248 = arith.constant 0 : i32
      %dma_wait3A_249 = tpu.memref_slice %arg5[%dma_wait3A_247, %dma_wait3A_248] : memref<640x8xf32, #tpu.memory_space<hbm>> -> memref<640x8xf32, #tpu.memory_space<hbm>>
      tpu.wait_dma2 semaphore(%run_scoped3A : memref<!tpu.dma_semaphore, #tpu.memory_space<semaphore_mem>>) src(%dma_wait3A_249 : memref<640x8xf32, #tpu.memory_space<hbm>>) dst(%dma_wait3A_246 : memref<640x8xf32, #tpu.memory_space<vmem_shared>>)
      tpu.yield
    }) : () -> ()
    %barrier3A = arith.constant 0 : index
    tpu.barrier barrier_id(%barrier3A)
    %dma_start3A = arith.constant 0 : i32
    %dma_start3A_16 = arith.constant 0 : i32
    %dma_start3A_17 = arith.constant 0 : i32
    %dma_start3A_18 = arith.constant 0 : i32
    %dma_start3A_19 = tpu.memref_slice %arg9[%dma_start3A_16, %dma_start3A_17, %dma_start3A_18] : memref<8x128x8xf32, #tpu.memory_space<vmem>> -> memref<1x128x8xf32, #tpu.memory_space<vmem>>
    %dma_start3A_20 = tpu.memref_squeeze %dma_start3A_19 : memref<1x128x8xf32, #tpu.memory_space<vmem>> -> memref<128x8xf32, #tpu.memory_space<vmem>>
    %dma_start3A_21 = arith.constant 0 : i32
    %dma_start3A_22 = tpu.memref_slice %arg7[%dma_start3A, %dma_start3A_21] : memref<79x128xi32, #tpu.memory_space<vmem>> -> memref<1x128xi32, #tpu.memory_space<vmem>>
    %dma_start3A_23 = tpu.memref_squeeze %dma_start3A_22 : memref<1x128xi32, #tpu.memory_space<vmem>> -> memref<128xi32, #tpu.memory_space<vmem>>
    %dma_start3A_24 = arith.constant 0 : i32
    %dma_start3A_25 = arith.constant 0 : i32
    %dma_start3A_26 = tpu.memref_slice %arg10[%dma_start3A_24, %dma_start3A_25] : memref<5120x8xf32, #tpu.memory_space<vmem_shared>> -> memref<5120x8xf32, #tpu.memory_space<vmem_shared>>
    tpu.enqueue_indirect_dma source(%dma_start3A_26 : memref<5120x8xf32, #tpu.memory_space<vmem_shared>>) target(%dma_start3A_20 : memref<128x8xf32, #tpu.memory_space<vmem>>) offsets(%dma_start3A_23 : memref<128xi32, #tpu.memory_space<vmem>>) semaphore(%arg12 : memref<!tpu.dma_semaphore, #tpu.memory_space<semaphore_mem>>)
    %dma_start3A_27 = arith.constant 1 : i32
    %dma_start3A_28 = arith.constant 1 : i32
    %dma_start3A_29 = arith.constant 0 : i32
    %dma_start3A_30 = arith.constant 0 : i32
    %dma_start3A_31 = tpu.memref_slice %arg9[%dma_start3A_28, %dma_start3A_29, %dma_start3A_30] : memref<8x128x8xf32, #tpu.memory_space<vmem>> -> memref<1x128x8xf32, #tpu.memory_space<vmem>>
    %dma_start3A_32 = tpu.memref_squeeze %dma_start3A_31 : memref<1x128x8xf32, #tpu.memory_space<vmem>> -> memref<128x8xf32, #tpu.memory_space<vmem>>
    %dma_start3A_33 = arith.constant 0 : i32
    %dma_start3A_34 = tpu.memref_slice %arg7[%dma_start3A_27, %dma_start3A_33] : memref<79x128xi32, #tpu.memory_space<vmem>> -> memref<1x128xi32, #tpu.memory_space<vmem>>
    %dma_start3A_35 = tpu.memref_squeeze %dma_start3A_34 : memref<1x128xi32, #tpu.memory_space<vmem>> -> memref<128xi32, #tpu.memory_space<vmem>>
    %dma_start3A_36 = arith.constant 0 : i32
    %dma_start3A_37 = arith.constant 0 : i32
    %dma_start3A_38 = tpu.memref_slice %arg10[%dma_start3A_36, %dma_start3A_37] : memref<5120x8xf32, #tpu.memory_space<vmem_shared>> -> memref<5120x8xf32, #tpu.memory_space<vmem_shared>>
    tpu.enqueue_indirect_dma source(%dma_start3A_38 : memref<5120x8xf32, #tpu.memory_space<vmem_shared>>) target(%dma_start3A_32 : memref<128x8xf32, #tpu.memory_space<vmem>>) offsets(%dma_start3A_35 : memref<128xi32, #tpu.memory_space<vmem>>) semaphore(%arg13 : memref<!tpu.dma_semaphore, #tpu.memory_space<semaphore_mem>>)
    %dma_start3A_39 = arith.constant 2 : i32
    %dma_start3A_40 = arith.constant 2 : i32
    %dma_start3A_41 = arith.constant 0 : i32
    %dma_start3A_42 = arith.constant 0 : i32
    %dma_start3A_43 = tpu.memref_slice %arg9[%dma_start3A_40, %dma_start3A_41, %dma_start3A_42] : memref<8x128x8xf32, #tpu.memory_space<vmem>> -> memref<1x128x8xf32, #tpu.memory_space<vmem>>
    %dma_start3A_44 = tpu.memref_squeeze %dma_start3A_43 : memref<1x128x8xf32, #tpu.memory_space<vmem>> -> memref<128x8xf32, #tpu.memory_space<vmem>>
    %dma_start3A_45 = arith.constant 0 : i32
    %dma_start3A_46 = tpu.memref_slice %arg7[%dma_start3A_39, %dma_start3A_45] : memref<79x128xi32, #tpu.memory_space<vmem>> -> memref<1x128xi32, #tpu.memory_space<vmem>>
    %dma_start3A_47 = tpu.memref_squeeze %dma_start3A_46 : memref<1x128xi32, #tpu.memory_space<vmem>> -> memref<128xi32, #tpu.memory_space<vmem>>
    %dma_start3A_48 = arith.constant 0 : i32
    %dma_start3A_49 = arith.constant 0 : i32
    %dma_start3A_50 = tpu.memref_slice %arg10[%dma_start3A_48, %dma_start3A_49] : memref<5120x8xf32, #tpu.memory_space<vmem_shared>> -> memref<5120x8xf32, #tpu.memory_space<vmem_shared>>
    tpu.enqueue_indirect_dma source(%dma_start3A_50 : memref<5120x8xf32, #tpu.memory_space<vmem_shared>>) target(%dma_start3A_44 : memref<128x8xf32, #tpu.memory_space<vmem>>) offsets(%dma_start3A_47 : memref<128xi32, #tpu.memory_space<vmem>>) semaphore(%arg14 : memref<!tpu.dma_semaphore, #tpu.memory_space<semaphore_mem>>)
    %dma_start3A_51 = arith.constant 3 : i32
    %dma_start3A_52 = arith.constant 3 : i32
    %dma_start3A_53 = arith.constant 0 : i32
    %dma_start3A_54 = arith.constant 0 : i32
    %dma_start3A_55 = tpu.memref_slice %arg9[%dma_start3A_52, %dma_start3A_53, %dma_start3A_54] : memref<8x128x8xf32, #tpu.memory_space<vmem>> -> memref<1x128x8xf32, #tpu.memory_space<vmem>>
    %dma_start3A_56 = tpu.memref_squeeze %dma_start3A_55 : memref<1x128x8xf32, #tpu.memory_space<vmem>> -> memref<128x8xf32, #tpu.memory_space<vmem>>
    %dma_start3A_57 = arith.constant 0 : i32
    %dma_start3A_58 = tpu.memref_slice %arg7[%dma_start3A_51, %dma_start3A_57] : memref<79x128xi32, #tpu.memory_space<vmem>> -> memref<1x128xi32, #tpu.memory_space<vmem>>
    %dma_start3A_59 = tpu.memref_squeeze %dma_start3A_58 : memref<1x128xi32, #tpu.memory_space<vmem>> -> memref<128xi32, #tpu.memory_space<vmem>>
    %dma_start3A_60 = arith.constant 0 : i32
    %dma_start3A_61 = arith.constant 0 : i32
    %dma_start3A_62 = tpu.memref_slice %arg10[%dma_start3A_60, %dma_start3A_61] : memref<5120x8xf32, #tpu.memory_space<vmem_shared>> -> memref<5120x8xf32, #tpu.memory_space<vmem_shared>>
    tpu.enqueue_indirect_dma source(%dma_start3A_62 : memref<5120x8xf32, #tpu.memory_space<vmem_shared>>) target(%dma_start3A_56 : memref<128x8xf32, #tpu.memory_space<vmem>>) offsets(%dma_start3A_59 : memref<128xi32, #tpu.memory_space<vmem>>) semaphore(%arg15 : memref<!tpu.dma_semaphore, #tpu.memory_space<semaphore_mem>>)
    %dma_start3A_63 = arith.constant 4 : i32
    %dma_start3A_64 = arith.constant 4 : i32
    %dma_start3A_65 = arith.constant 0 : i32
    %dma_start3A_66 = arith.constant 0 : i32
    %dma_start3A_67 = tpu.memref_slice %arg9[%dma_start3A_64, %dma_start3A_65, %dma_start3A_66] : memref<8x128x8xf32, #tpu.memory_space<vmem>> -> memref<1x128x8xf32, #tpu.memory_space<vmem>>
    %dma_start3A_68 = tpu.memref_squeeze %dma_start3A_67 : memref<1x128x8xf32, #tpu.memory_space<vmem>> -> memref<128x8xf32, #tpu.memory_space<vmem>>
    %dma_start3A_69 = arith.constant 0 : i32
    %dma_start3A_70 = tpu.memref_slice %arg7[%dma_start3A_63, %dma_start3A_69] : memref<79x128xi32, #tpu.memory_space<vmem>> -> memref<1x128xi32, #tpu.memory_space<vmem>>
    %dma_start3A_71 = tpu.memref_squeeze %dma_start3A_70 : memref<1x128xi32, #tpu.memory_space<vmem>> -> memref<128xi32, #tpu.memory_space<vmem>>
    %dma_start3A_72 = arith.constant 0 : i32
    %dma_start3A_73 = arith.constant 0 : i32
    %dma_start3A_74 = tpu.memref_slice %arg10[%dma_start3A_72, %dma_start3A_73] : memref<5120x8xf32, #tpu.memory_space<vmem_shared>> -> memref<5120x8xf32, #tpu.memory_space<vmem_shared>>
    tpu.enqueue_indirect_dma source(%dma_start3A_74 : memref<5120x8xf32, #tpu.memory_space<vmem_shared>>) target(%dma_start3A_68 : memref<128x8xf32, #tpu.memory_space<vmem>>) offsets(%dma_start3A_71 : memref<128xi32, #tpu.memory_space<vmem>>) semaphore(%arg16 : memref<!tpu.dma_semaphore, #tpu.memory_space<semaphore_mem>>)
    %dma_start3A_75 = arith.constant 5 : i32
    %dma_start3A_76 = arith.constant 5 : i32
    %dma_start3A_77 = arith.constant 0 : i32
    %dma_start3A_78 = arith.constant 0 : i32
    %dma_start3A_79 = tpu.memref_slice %arg9[%dma_start3A_76, %dma_start3A_77, %dma_start3A_78] : memref<8x128x8xf32, #tpu.memory_space<vmem>> -> memref<1x128x8xf32, #tpu.memory_space<vmem>>
    %dma_start3A_80 = tpu.memref_squeeze %dma_start3A_79 : memref<1x128x8xf32, #tpu.memory_space<vmem>> -> memref<128x8xf32, #tpu.memory_space<vmem>>
    %dma_start3A_81 = arith.constant 0 : i32
    %dma_start3A_82 = tpu.memref_slice %arg7[%dma_start3A_75, %dma_start3A_81] : memref<79x128xi32, #tpu.memory_space<vmem>> -> memref<1x128xi32, #tpu.memory_space<vmem>>
    %dma_start3A_83 = tpu.memref_squeeze %dma_start3A_82 : memref<1x128xi32, #tpu.memory_space<vmem>> -> memref<128xi32, #tpu.memory_space<vmem>>
    %dma_start3A_84 = arith.constant 0 : i32
    %dma_start3A_85 = arith.constant 0 : i32
    %dma_start3A_86 = tpu.memref_slice %arg10[%dma_start3A_84, %dma_start3A_85] : memref<5120x8xf32, #tpu.memory_space<vmem_shared>> -> memref<5120x8xf32, #tpu.memory_space<vmem_shared>>
    tpu.enqueue_indirect_dma source(%dma_start3A_86 : memref<5120x8xf32, #tpu.memory_space<vmem_shared>>) target(%dma_start3A_80 : memref<128x8xf32, #tpu.memory_space<vmem>>) offsets(%dma_start3A_83 : memref<128xi32, #tpu.memory_space<vmem>>) semaphore(%arg17 : memref<!tpu.dma_semaphore, #tpu.memory_space<semaphore_mem>>)
    %dma_start3A_87 = arith.constant 6 : i32
    %dma_start3A_88 = arith.constant 6 : i32
    %dma_start3A_89 = arith.constant 0 : i32
    %dma_start3A_90 = arith.constant 0 : i32
    %dma_start3A_91 = tpu.memref_slice %arg9[%dma_start3A_88, %dma_start3A_89, %dma_start3A_90] : memref<8x128x8xf32, #tpu.memory_space<vmem>> -> memref<1x128x8xf32, #tpu.memory_space<vmem>>
    %dma_start3A_92 = tpu.memref_squeeze %dma_start3A_91 : memref<1x128x8xf32, #tpu.memory_space<vmem>> -> memref<128x8xf32, #tpu.memory_space<vmem>>
    %dma_start3A_93 = arith.constant 0 : i32
    %dma_start3A_94 = tpu.memref_slice %arg7[%dma_start3A_87, %dma_start3A_93] : memref<79x128xi32, #tpu.memory_space<vmem>> -> memref<1x128xi32, #tpu.memory_space<vmem>>
    %dma_start3A_95 = tpu.memref_squeeze %dma_start3A_94 : memref<1x128xi32, #tpu.memory_space<vmem>> -> memref<128xi32, #tpu.memory_space<vmem>>
    %dma_start3A_96 = arith.constant 0 : i32
    %dma_start3A_97 = arith.constant 0 : i32
    %dma_start3A_98 = tpu.memref_slice %arg10[%dma_start3A_96, %dma_start3A_97] : memref<5120x8xf32, #tpu.memory_space<vmem_shared>> -> memref<5120x8xf32, #tpu.memory_space<vmem_shared>>
    tpu.enqueue_indirect_dma source(%dma_start3A_98 : memref<5120x8xf32, #tpu.memory_space<vmem_shared>>) target(%dma_start3A_92 : memref<128x8xf32, #tpu.memory_space<vmem>>) offsets(%dma_start3A_95 : memref<128xi32, #tpu.memory_space<vmem>>) semaphore(%arg18 : memref<!tpu.dma_semaphore, #tpu.memory_space<semaphore_mem>>)
    %dma_start3A_99 = arith.constant 7 : i32
    %dma_start3A_100 = arith.constant 7 : i32
    %dma_start3A_101 = arith.constant 0 : i32
    %dma_start3A_102 = arith.constant 0 : i32
    %dma_start3A_103 = tpu.memref_slice %arg9[%dma_start3A_100, %dma_start3A_101, %dma_start3A_102] : memref<8x128x8xf32, #tpu.memory_space<vmem>> -> memref<1x128x8xf32, #tpu.memory_space<vmem>>
    %dma_start3A_104 = tpu.memref_squeeze %dma_start3A_103 : memref<1x128x8xf32, #tpu.memory_space<vmem>> -> memref<128x8xf32, #tpu.memory_space<vmem>>
    %dma_start3A_105 = arith.constant 0 : i32
    %dma_start3A_106 = tpu.memref_slice %arg7[%dma_start3A_99, %dma_start3A_105] : memref<79x128xi32, #tpu.memory_space<vmem>> -> memref<1x128xi32, #tpu.memory_space<vmem>>
    %dma_start3A_107 = tpu.memref_squeeze %dma_start3A_106 : memref<1x128xi32, #tpu.memory_space<vmem>> -> memref<128xi32, #tpu.memory_space<vmem>>
    %dma_start3A_108 = arith.constant 0 : i32
    %dma_start3A_109 = arith.constant 0 : i32
    %dma_start3A_110 = tpu.memref_slice %arg10[%dma_start3A_108, %dma_start3A_109] : memref<5120x8xf32, #tpu.memory_space<vmem_shared>> -> memref<5120x8xf32, #tpu.memory_space<vmem_shared>>
    tpu.enqueue_indirect_dma source(%dma_start3A_110 : memref<5120x8xf32, #tpu.memory_space<vmem_shared>>) target(%dma_start3A_104 : memref<128x8xf32, #tpu.memory_space<vmem>>) offsets(%dma_start3A_107 : memref<128xi32, #tpu.memory_space<vmem>>) semaphore(%arg19 : memref<!tpu.dma_semaphore, #tpu.memory_space<semaphore_mem>>)
    %scan3A = arith.constant 0 : i32
    %scan3A_111 = arith.constant 0 : i32
    %scan3A_112 = arith.constant 10 : i32
    %scan3A_113 = arith.addi %scan3A_111, %scan3A_112 : i32
    %scan3A_114 = arith.constant 1 : i32
    scf.for %scan3A_240 = %scan3A_111 to %scan3A_113 step %scan3A_114  : i32 {
      %mul3A_241 = arith.constant 8 : i32
      %mul3A_242 = arith.muli %scan3A_240, %mul3A_241 : i32
      %add3A_243 = arith.constant 0 : i32
      %add3A_244 = arith.addi %mul3A_242, %add3A_243 : i32
      %lt3A_245 = arith.cmpi slt, %add3A_244, %select_n3A : i32
      %convert_element_type3A_246 = arith.extui %lt3A_245 : i1 to i32
      %cond3A_247 = arith.constant 0 : i32
      %cond3A_248 = arith.cmpi ne, %convert_element_type3A_246, %cond3A_247 : i32
      scf.if %cond3A_248 {
        %dma_wait3A_305 = arith.constant 0 : i32
        %dma_wait3A_306 = arith.constant 0 : i32
        %dma_wait3A_307 = arith.constant 0 : i32
        %dma_wait3A_308 = arith.constant 0 : i32
        %dma_wait3A_309 = tpu.memref_slice %arg9[%dma_wait3A_306, %dma_wait3A_307, %dma_wait3A_308] : memref<8x128x8xf32, #tpu.memory_space<vmem>> -> memref<1x128x8xf32, #tpu.memory_space<vmem>>
        %dma_wait3A_310 = tpu.memref_squeeze %dma_wait3A_309 : memref<1x128x8xf32, #tpu.memory_space<vmem>> -> memref<128x8xf32, #tpu.memory_space<vmem>>
        %dma_wait3A_311 = arith.constant 0 : i32
        %dma_wait3A_312 = tpu.memref_slice %arg7[%dma_wait3A_305, %dma_wait3A_311] : memref<79x128xi32, #tpu.memory_space<vmem>> -> memref<1x128xi32, #tpu.memory_space<vmem>>
        %dma_wait3A_313 = tpu.memref_squeeze %dma_wait3A_312 : memref<1x128xi32, #tpu.memory_space<vmem>> -> memref<128xi32, #tpu.memory_space<vmem>>
        %dma_wait3A_314 = arith.constant 0 : i32
        %dma_wait3A_315 = arith.constant 0 : i32
        %dma_wait3A_316 = tpu.memref_slice %arg10[%dma_wait3A_314, %dma_wait3A_315] : memref<5120x8xf32, #tpu.memory_space<vmem_shared>> -> memref<5120x8xf32, #tpu.memory_space<vmem_shared>>
        tpu.wait_indirect_dma semaphore(%arg12 : memref<!tpu.dma_semaphore, #tpu.memory_space<semaphore_mem>>) src(%dma_wait3A_316 : memref<5120x8xf32, #tpu.memory_space<vmem_shared>>) dst(%dma_wait3A_310 : memref<128x8xf32, #tpu.memory_space<vmem>>)
        %dma_start3A_317 = arith.constant 0 : i32
        %dma_start3A_318 = arith.constant 0 : i32
        %dma_start3A_319 = arith.constant 0 : i32
        %dma_start3A_320 = tpu.memref_slice %arg9[%dma_start3A_317, %dma_start3A_318, %dma_start3A_319] : memref<8x128x8xf32, #tpu.memory_space<vmem>> -> memref<1x128x8xf32, #tpu.memory_space<vmem>>
        %dma_start3A_321 = tpu.memref_squeeze %dma_start3A_320 : memref<1x128x8xf32, #tpu.memory_space<vmem>> -> memref<128x8xf32, #tpu.memory_space<vmem>>
        %dma_start3A_322 = arith.constant 0 : i32
        %dma_start3A_323 = tpu.memref_slice %arg8[%add3A_244, %dma_start3A_322] : memref<79x128xi32, #tpu.memory_space<vmem>> -> memref<1x128xi32, #tpu.memory_space<vmem>>
        %dma_start3A_324 = tpu.memref_squeeze %dma_start3A_323 : memref<1x128xi32, #tpu.memory_space<vmem>> -> memref<128xi32, #tpu.memory_space<vmem>>
        %dma_start3A_325 = arith.constant 0 : i32
        %dma_start3A_326 = arith.constant 0 : i32
        %dma_start3A_327 = tpu.memref_slice %arg11[%dma_start3A_325, %dma_start3A_326] : memref<10240x8xf32, #tpu.memory_space<vmem_shared>> -> memref<10240x8xf32, #tpu.memory_space<vmem_shared>>
        tpu.enqueue_indirect_dma source(%dma_start3A_321 : memref<128x8xf32, #tpu.memory_space<vmem>>) target(%dma_start3A_327 : memref<10240x8xf32, #tpu.memory_space<vmem_shared>>) offsets(%dma_start3A_324 : memref<128xi32, #tpu.memory_space<vmem>>) semaphore(%arg20 : memref<!tpu.dma_semaphore, #tpu.memory_space<semaphore_mem>>) {add = true}
        %ge3A = arith.constant 1 : i32
        %ge3A_328 = arith.cmpi sge, %add3A_244, %ge3A : i32
        %sub3A = arith.constant 8 : i32
        %sub3A_329 = arith.subi %select_n3A, %sub3A : i32
        %le3A = arith.cmpi sle, %add3A_244, %sub3A_329 : i32
        %and3A = arith.andi %ge3A_328, %le3A : i1
        %convert_element_type3A_330 = arith.extui %and3A : i1 to i32
        %cond3A_331 = arith.constant 0 : i32
        %cond3A_332 = arith.cmpi ne, %convert_element_type3A_330, %cond3A_331 : i32
        scf.if %cond3A_332 {
          %dma_wait3A_333 = arith.constant 7 : i32
          %dma_wait3A_334 = arith.constant 0 : i32
          %dma_wait3A_335 = arith.constant 0 : i32
          %dma_wait3A_336 = tpu.memref_slice %arg9[%dma_wait3A_333, %dma_wait3A_334, %dma_wait3A_335] : memref<8x128x8xf32, #tpu.memory_space<vmem>> -> memref<1x128x8xf32, #tpu.memory_space<vmem>>
          %dma_wait3A_337 = tpu.memref_squeeze %dma_wait3A_336 : memref<1x128x8xf32, #tpu.memory_space<vmem>> -> memref<128x8xf32, #tpu.memory_space<vmem>>
          %dma_wait3A_338 = arith.constant 0 : i32
          %dma_wait3A_339 = arith.constant 0 : i32
          %dma_wait3A_340 = tpu.memref_slice %arg5[%dma_wait3A_338, %dma_wait3A_339] : memref<640x8xf32, #tpu.memory_space<hbm>> -> memref<128x8xf32, #tpu.memory_space<hbm>>
          %dma_wait3A_341 = arith.constant 0 : i32
          %dma_wait3A_342 = arith.constant 0 : i32
          %dma_wait3A_343 = tpu.memref_slice %arg9[%dma_wait3A_333, %dma_wait3A_341, %dma_wait3A_342] : memref<8x128x8xf32, #tpu.memory_space<vmem>> -> memref<1x128x8xf32, #tpu.memory_space<vmem>>
          %dma_wait3A_344 = tpu.memref_squeeze %dma_wait3A_343 : memref<1x128x8xf32, #tpu.memory_space<vmem>> -> memref<128x8xf32, #tpu.memory_space<vmem>>
          %dma_wait3A_345 = arith.constant 0 : i32
          %dma_wait3A_346 = arith.constant 0 : i32
          %dma_wait3A_347 = tpu.memref_slice %arg5[%dma_wait3A_345, %dma_wait3A_346] : memref<640x8xf32, #tpu.memory_space<hbm>> -> memref<128x8xf32, #tpu.memory_space<hbm>>
          tpu.wait_dma2 semaphore(%arg27 : memref<!tpu.dma_semaphore, #tpu.memory_space<semaphore_mem>>) src(%dma_wait3A_347 : memref<128x8xf32, #tpu.memory_space<hbm>>) dst(%dma_wait3A_344 : memref<128x8xf32, #tpu.memory_space<vmem>>)
          %sub3A_348 = arith.constant 1 : i32
          %sub3A_349 = arith.subi %add3A_244, %sub3A_348 : i32
          %add3A_350 = arith.constant 8 : i32
          %add3A_351 = arith.addi %sub3A_349, %add3A_350 : i32
          %dma_start3A_352 = arith.constant 7 : i32
          %dma_start3A_353 = arith.constant 0 : i32
          %dma_start3A_354 = arith.constant 0 : i32
          %dma_start3A_355 = tpu.memref_slice %arg9[%dma_start3A_352, %dma_start3A_353, %dma_start3A_354] : memref<8x128x8xf32, #tpu.memory_space<vmem>> -> memref<1x128x8xf32, #tpu.memory_space<vmem>>
          %dma_start3A_356 = tpu.memref_squeeze %dma_start3A_355 : memref<1x128x8xf32, #tpu.memory_space<vmem>> -> memref<128x8xf32, #tpu.memory_space<vmem>>
          %dma_start3A_357 = arith.constant 0 : i32
          %dma_start3A_358 = tpu.memref_slice %arg7[%add3A_351, %dma_start3A_357] : memref<79x128xi32, #tpu.memory_space<vmem>> -> memref<1x128xi32, #tpu.memory_space<vmem>>
          %dma_start3A_359 = tpu.memref_squeeze %dma_start3A_358 : memref<1x128xi32, #tpu.memory_space<vmem>> -> memref<128xi32, #tpu.memory_space<vmem>>
          %dma_start3A_360 = arith.constant 0 : i32
          %dma_start3A_361 = arith.constant 0 : i32
          %dma_start3A_362 = tpu.memref_slice %arg10[%dma_start3A_360, %dma_start3A_361] : memref<5120x8xf32, #tpu.memory_space<vmem_shared>> -> memref<5120x8xf32, #tpu.memory_space<vmem_shared>>
          tpu.enqueue_indirect_dma source(%dma_start3A_362 : memref<5120x8xf32, #tpu.memory_space<vmem_shared>>) target(%dma_start3A_356 : memref<128x8xf32, #tpu.memory_space<vmem>>) offsets(%dma_start3A_359 : memref<128xi32, #tpu.memory_space<vmem>>) semaphore(%arg19 : memref<!tpu.dma_semaphore, #tpu.memory_space<semaphore_mem>>)
        } else {
        }
      } else {
      }
      %mul3A_249 = arith.constant 8 : i32
      %mul3A_250 = arith.muli %scan3A_240, %mul3A_249 : i32
      %add3A_251 = arith.constant 1 : i32
      %add3A_252 = arith.addi %mul3A_250, %add3A_251 : i32
      %lt3A_253 = arith.cmpi slt, %add3A_252, %select_n3A : i32
      %convert_element_type3A_254 = arith.extui %lt3A_253 : i1 to i32
      %cond3A_255 = arith.constant 0 : i32
      %cond3A_256 = arith.cmpi ne, %convert_element_type3A_254, %cond3A_255 : i32
      scf.if %cond3A_256 {
        %dma_wait3A_305 = arith.constant 1 : i32
        %dma_wait3A_306 = arith.constant 1 : i32
        %dma_wait3A_307 = arith.constant 0 : i32
        %dma_wait3A_308 = arith.constant 0 : i32
        %dma_wait3A_309 = tpu.memref_slice %arg9[%dma_wait3A_306, %dma_wait3A_307, %dma_wait3A_308] : memref<8x128x8xf32, #tpu.memory_space<vmem>> -> memref<1x128x8xf32, #tpu.memory_space<vmem>>
        %dma_wait3A_310 = tpu.memref_squeeze %dma_wait3A_309 : memref<1x128x8xf32, #tpu.memory_space<vmem>> -> memref<128x8xf32, #tpu.memory_space<vmem>>
        %dma_wait3A_311 = arith.constant 0 : i32
        %dma_wait3A_312 = tpu.memref_slice %arg7[%dma_wait3A_305, %dma_wait3A_311] : memref<79x128xi32, #tpu.memory_space<vmem>> -> memref<1x128xi32, #tpu.memory_space<vmem>>
        %dma_wait3A_313 = tpu.memref_squeeze %dma_wait3A_312 : memref<1x128xi32, #tpu.memory_space<vmem>> -> memref<128xi32, #tpu.memory_space<vmem>>
        %dma_wait3A_314 = arith.constant 0 : i32
        %dma_wait3A_315 = arith.constant 0 : i32
        %dma_wait3A_316 = tpu.memref_slice %arg10[%dma_wait3A_314, %dma_wait3A_315] : memref<5120x8xf32, #tpu.memory_space<vmem_shared>> -> memref<5120x8xf32, #tpu.memory_space<vmem_shared>>
        tpu.wait_indirect_dma semaphore(%arg13 : memref<!tpu.dma_semaphore, #tpu.memory_space<semaphore_mem>>) src(%dma_wait3A_316 : memref<5120x8xf32, #tpu.memory_space<vmem_shared>>) dst(%dma_wait3A_310 : memref<128x8xf32, #tpu.memory_space<vmem>>)
        %dma_start3A_317 = arith.constant 1 : i32
        %dma_start3A_318 = arith.constant 0 : i32
        %dma_start3A_319 = arith.constant 0 : i32
        %dma_start3A_320 = tpu.memref_slice %arg9[%dma_start3A_317, %dma_start3A_318, %dma_start3A_319] : memref<8x128x8xf32, #tpu.memory_space<vmem>> -> memref<1x128x8xf32, #tpu.memory_space<vmem>>
        %dma_start3A_321 = tpu.memref_squeeze %dma_start3A_320 : memref<1x128x8xf32, #tpu.memory_space<vmem>> -> memref<128x8xf32, #tpu.memory_space<vmem>>
        %dma_start3A_322 = arith.constant 0 : i32
        %dma_start3A_323 = tpu.memref_slice %arg8[%add3A_252, %dma_start3A_322] : memref<79x128xi32, #tpu.memory_space<vmem>> -> memref<1x128xi32, #tpu.memory_space<vmem>>
        %dma_start3A_324 = tpu.memref_squeeze %dma_start3A_323 : memref<1x128xi32, #tpu.memory_space<vmem>> -> memref<128xi32, #tpu.memory_space<vmem>>
        %dma_start3A_325 = arith.constant 0 : i32
        %dma_start3A_326 = arith.constant 0 : i32
        %dma_start3A_327 = tpu.memref_slice %arg11[%dma_start3A_325, %dma_start3A_326] : memref<10240x8xf32, #tpu.memory_space<vmem_shared>> -> memref<10240x8xf32, #tpu.memory_space<vmem_shared>>
        tpu.enqueue_indirect_dma source(%dma_start3A_321 : memref<128x8xf32, #tpu.memory_space<vmem>>) target(%dma_start3A_327 : memref<10240x8xf32, #tpu.memory_space<vmem_shared>>) offsets(%dma_start3A_324 : memref<128xi32, #tpu.memory_space<vmem>>) semaphore(%arg21 : memref<!tpu.dma_semaphore, #tpu.memory_space<semaphore_mem>>) {add = true}
        %ge3A = arith.constant 1 : i32
        %ge3A_328 = arith.cmpi sge, %add3A_252, %ge3A : i32
        %sub3A = arith.constant 8 : i32
        %sub3A_329 = arith.subi %select_n3A, %sub3A : i32
        %le3A = arith.cmpi sle, %add3A_252, %sub3A_329 : i32
        %and3A = arith.andi %ge3A_328, %le3A : i1
        %convert_element_type3A_330 = arith.extui %and3A : i1 to i32
        %cond3A_331 = arith.constant 0 : i32
        %cond3A_332 = arith.cmpi ne, %convert_element_type3A_330, %cond3A_331 : i32
        scf.if %cond3A_332 {
          %dma_wait3A_333 = arith.constant 0 : i32
          %dma_wait3A_334 = arith.constant 0 : i32
          %dma_wait3A_335 = arith.constant 0 : i32
          %dma_wait3A_336 = tpu.memref_slice %arg9[%dma_wait3A_333, %dma_wait3A_334, %dma_wait3A_335] : memref<8x128x8xf32, #tpu.memory_space<vmem>> -> memref<1x128x8xf32, #tpu.memory_space<vmem>>
          %dma_wait3A_337 = tpu.memref_squeeze %dma_wait3A_336 : memref<1x128x8xf32, #tpu.memory_space<vmem>> -> memref<128x8xf32, #tpu.memory_space<vmem>>
          %dma_wait3A_338 = arith.constant 0 : i32
          %dma_wait3A_339 = arith.constant 0 : i32
          %dma_wait3A_340 = tpu.memref_slice %arg5[%dma_wait3A_338, %dma_wait3A_339] : memref<640x8xf32, #tpu.memory_space<hbm>> -> memref<128x8xf32, #tpu.memory_space<hbm>>
          %dma_wait3A_341 = arith.constant 0 : i32
          %dma_wait3A_342 = arith.constant 0 : i32
          %dma_wait3A_343 = tpu.memref_slice %arg9[%dma_wait3A_333, %dma_wait3A_341, %dma_wait3A_342] : memref<8x128x8xf32, #tpu.memory_space<vmem>> -> memref<1x128x8xf32, #tpu.memory_space<vmem>>
          %dma_wait3A_344 = tpu.memref_squeeze %dma_wait3A_343 : memref<1x128x8xf32, #tpu.memory_space<vmem>> -> memref<128x8xf32, #tpu.memory_space<vmem>>
          %dma_wait3A_345 = arith.constant 0 : i32
          %dma_wait3A_346 = arith.constant 0 : i32
          %dma_wait3A_347 = tpu.memref_slice %arg5[%dma_wait3A_345, %dma_wait3A_346] : memref<640x8xf32, #tpu.memory_space<hbm>> -> memref<128x8xf32, #tpu.memory_space<hbm>>
          tpu.wait_dma2 semaphore(%arg20 : memref<!tpu.dma_semaphore, #tpu.memory_space<semaphore_mem>>) src(%dma_wait3A_347 : memref<128x8xf32, #tpu.memory_space<hbm>>) dst(%dma_wait3A_344 : memref<128x8xf32, #tpu.memory_space<vmem>>)
          %sub3A_348 = arith.constant 1 : i32
          %sub3A_349 = arith.subi %add3A_252, %sub3A_348 : i32
          %add3A_350 = arith.constant 8 : i32
          %add3A_351 = arith.addi %sub3A_349, %add3A_350 : i32
          %dma_start3A_352 = arith.constant 0 : i32
          %dma_start3A_353 = arith.constant 0 : i32
          %dma_start3A_354 = arith.constant 0 : i32
          %dma_start3A_355 = tpu.memref_slice %arg9[%dma_start3A_352, %dma_start3A_353, %dma_start3A_354] : memref<8x128x8xf32, #tpu.memory_space<vmem>> -> memref<1x128x8xf32, #tpu.memory_space<vmem>>
          %dma_start3A_356 = tpu.memref_squeeze %dma_start3A_355 : memref<1x128x8xf32, #tpu.memory_space<vmem>> -> memref<128x8xf32, #tpu.memory_space<vmem>>
          %dma_start3A_357 = arith.constant 0 : i32
          %dma_start3A_358 = tpu.memref_slice %arg7[%add3A_351, %dma_start3A_357] : memref<79x128xi32, #tpu.memory_space<vmem>> -> memref<1x128xi32, #tpu.memory_space<vmem>>
          %dma_start3A_359 = tpu.memref_squeeze %dma_start3A_358 : memref<1x128xi32, #tpu.memory_space<vmem>> -> memref<128xi32, #tpu.memory_space<vmem>>
          %dma_start3A_360 = arith.constant 0 : i32
          %dma_start3A_361 = arith.constant 0 : i32
          %dma_start3A_362 = tpu.memref_slice %arg10[%dma_start3A_360, %dma_start3A_361] : memref<5120x8xf32, #tpu.memory_space<vmem_shared>> -> memref<5120x8xf32, #tpu.memory_space<vmem_shared>>
          tpu.enqueue_indirect_dma source(%dma_start3A_362 : memref<5120x8xf32, #tpu.memory_space<vmem_shared>>) target(%dma_start3A_356 : memref<128x8xf32, #tpu.memory_space<vmem>>) offsets(%dma_start3A_359 : memref<128xi32, #tpu.memory_space<vmem>>) semaphore(%arg12 : memref<!tpu.dma_semaphore, #tpu.memory_space<semaphore_mem>>)
        } else {
        }
      } else {
      }
      %mul3A_257 = arith.constant 8 : i32
      %mul3A_258 = arith.muli %scan3A_240, %mul3A_257 : i32
      %add3A_259 = arith.constant 2 : i32
      %add3A_260 = arith.addi %mul3A_258, %add3A_259 : i32
      %lt3A_261 = arith.cmpi slt, %add3A_260, %select_n3A : i32
      %convert_element_type3A_262 = arith.extui %lt3A_261 : i1 to i32
      %cond3A_263 = arith.constant 0 : i32
      %cond3A_264 = arith.cmpi ne, %convert_element_type3A_262, %cond3A_263 : i32
      scf.if %cond3A_264 {
        %dma_wait3A_305 = arith.constant 2 : i32
        %dma_wait3A_306 = arith.constant 2 : i32
        %dma_wait3A_307 = arith.constant 0 : i32
        %dma_wait3A_308 = arith.constant 0 : i32
        %dma_wait3A_309 = tpu.memref_slice %arg9[%dma_wait3A_306, %dma_wait3A_307, %dma_wait3A_308] : memref<8x128x8xf32, #tpu.memory_space<vmem>> -> memref<1x128x8xf32, #tpu.memory_space<vmem>>
        %dma_wait3A_310 = tpu.memref_squeeze %dma_wait3A_309 : memref<1x128x8xf32, #tpu.memory_space<vmem>> -> memref<128x8xf32, #tpu.memory_space<vmem>>
        %dma_wait3A_311 = arith.constant 0 : i32
        %dma_wait3A_312 = tpu.memref_slice %arg7[%dma_wait3A_305, %dma_wait3A_311] : memref<79x128xi32, #tpu.memory_space<vmem>> -> memref<1x128xi32, #tpu.memory_space<vmem>>
        %dma_wait3A_313 = tpu.memref_squeeze %dma_wait3A_312 : memref<1x128xi32, #tpu.memory_space<vmem>> -> memref<128xi32, #tpu.memory_space<vmem>>
        %dma_wait3A_314 = arith.constant 0 : i32
        %dma_wait3A_315 = arith.constant 0 : i32
        %dma_wait3A_316 = tpu.memref_slice %arg10[%dma_wait3A_314, %dma_wait3A_315] : memref<5120x8xf32, #tpu.memory_space<vmem_shared>> -> memref<5120x8xf32, #tpu.memory_space<vmem_shared>>
        tpu.wait_indirect_dma semaphore(%arg14 : memref<!tpu.dma_semaphore, #tpu.memory_space<semaphore_mem>>) src(%dma_wait3A_316 : memref<5120x8xf32, #tpu.memory_space<vmem_shared>>) dst(%dma_wait3A_310 : memref<128x8xf32, #tpu.memory_space<vmem>>)
        %dma_start3A_317 = arith.constant 2 : i32
        %dma_start3A_318 = arith.constant 0 : i32
        %dma_start3A_319 = arith.constant 0 : i32
        %dma_start3A_320 = tpu.memref_slice %arg9[%dma_start3A_317, %dma_start3A_318, %dma_start3A_319] : memref<8x128x8xf32, #tpu.memory_space<vmem>> -> memref<1x128x8xf32, #tpu.memory_space<vmem>>
        %dma_start3A_321 = tpu.memref_squeeze %dma_start3A_320 : memref<1x128x8xf32, #tpu.memory_space<vmem>> -> memref<128x8xf32, #tpu.memory_space<vmem>>
        %dma_start3A_322 = arith.constant 0 : i32
        %dma_start3A_323 = tpu.memref_slice %arg8[%add3A_260, %dma_start3A_322] : memref<79x128xi32, #tpu.memory_space<vmem>> -> memref<1x128xi32, #tpu.memory_space<vmem>>
        %dma_start3A_324 = tpu.memref_squeeze %dma_start3A_323 : memref<1x128xi32, #tpu.memory_space<vmem>> -> memref<128xi32, #tpu.memory_space<vmem>>
        %dma_start3A_325 = arith.constant 0 : i32
        %dma_start3A_326 = arith.constant 0 : i32
        %dma_start3A_327 = tpu.memref_slice %arg11[%dma_start3A_325, %dma_start3A_326] : memref<10240x8xf32, #tpu.memory_space<vmem_shared>> -> memref<10240x8xf32, #tpu.memory_space<vmem_shared>>
        tpu.enqueue_indirect_dma source(%dma_start3A_321 : memref<128x8xf32, #tpu.memory_space<vmem>>) target(%dma_start3A_327 : memref<10240x8xf32, #tpu.memory_space<vmem_shared>>) offsets(%dma_start3A_324 : memref<128xi32, #tpu.memory_space<vmem>>) semaphore(%arg22 : memref<!tpu.dma_semaphore, #tpu.memory_space<semaphore_mem>>) {add = true}
        %ge3A = arith.constant 1 : i32
        %ge3A_328 = arith.cmpi sge, %add3A_260, %ge3A : i32
        %sub3A = arith.constant 8 : i32
        %sub3A_329 = arith.subi %select_n3A, %sub3A : i32
        %le3A = arith.cmpi sle, %add3A_260, %sub3A_329 : i32
        %and3A = arith.andi %ge3A_328, %le3A : i1
        %convert_element_type3A_330 = arith.extui %and3A : i1 to i32
        %cond3A_331 = arith.constant 0 : i32
        %cond3A_332 = arith.cmpi ne, %convert_element_type3A_330, %cond3A_331 : i32
        scf.if %cond3A_332 {
          %dma_wait3A_333 = arith.constant 1 : i32
          %dma_wait3A_334 = arith.constant 0 : i32
          %dma_wait3A_335 = arith.constant 0 : i32
          %dma_wait3A_336 = tpu.memref_slice %arg9[%dma_wait3A_333, %dma_wait3A_334, %dma_wait3A_335] : memref<8x128x8xf32, #tpu.memory_space<vmem>> -> memref<1x128x8xf32, #tpu.memory_space<vmem>>
          %dma_wait3A_337 = tpu.memref_squeeze %dma_wait3A_336 : memref<1x128x8xf32, #tpu.memory_space<vmem>> -> memref<128x8xf32, #tpu.memory_space<vmem>>
          %dma_wait3A_338 = arith.constant 0 : i32
          %dma_wait3A_339 = arith.constant 0 : i32
          %dma_wait3A_340 = tpu.memref_slice %arg5[%dma_wait3A_338, %dma_wait3A_339] : memref<640x8xf32, #tpu.memory_space<hbm>> -> memref<128x8xf32, #tpu.memory_space<hbm>>
          %dma_wait3A_341 = arith.constant 0 : i32
          %dma_wait3A_342 = arith.constant 0 : i32
          %dma_wait3A_343 = tpu.memref_slice %arg9[%dma_wait3A_333, %dma_wait3A_341, %dma_wait3A_342] : memref<8x128x8xf32, #tpu.memory_space<vmem>> -> memref<1x128x8xf32, #tpu.memory_space<vmem>>
          %dma_wait3A_344 = tpu.memref_squeeze %dma_wait3A_343 : memref<1x128x8xf32, #tpu.memory_space<vmem>> -> memref<128x8xf32, #tpu.memory_space<vmem>>
          %dma_wait3A_345 = arith.constant 0 : i32
          %dma_wait3A_346 = arith.constant 0 : i32
          %dma_wait3A_347 = tpu.memref_slice %arg5[%dma_wait3A_345, %dma_wait3A_346] : memref<640x8xf32, #tpu.memory_space<hbm>> -> memref<128x8xf32, #tpu.memory_space<hbm>>
          tpu.wait_dma2 semaphore(%arg21 : memref<!tpu.dma_semaphore, #tpu.memory_space<semaphore_mem>>) src(%dma_wait3A_347 : memref<128x8xf32, #tpu.memory_space<hbm>>) dst(%dma_wait3A_344 : memref<128x8xf32, #tpu.memory_space<vmem>>)
          %sub3A_348 = arith.constant 1 : i32
          %sub3A_349 = arith.subi %add3A_260, %sub3A_348 : i32
          %add3A_350 = arith.constant 8 : i32
          %add3A_351 = arith.addi %sub3A_349, %add3A_350 : i32
          %dma_start3A_352 = arith.constant 1 : i32
          %dma_start3A_353 = arith.constant 0 : i32
          %dma_start3A_354 = arith.constant 0 : i32
          %dma_start3A_355 = tpu.memref_slice %arg9[%dma_start3A_352, %dma_start3A_353, %dma_start3A_354] : memref<8x128x8xf32, #tpu.memory_space<vmem>> -> memref<1x128x8xf32, #tpu.memory_space<vmem>>
          %dma_start3A_356 = tpu.memref_squeeze %dma_start3A_355 : memref<1x128x8xf32, #tpu.memory_space<vmem>> -> memref<128x8xf32, #tpu.memory_space<vmem>>
          %dma_start3A_357 = arith.constant 0 : i32
          %dma_start3A_358 = tpu.memref_slice %arg7[%add3A_351, %dma_start3A_357] : memref<79x128xi32, #tpu.memory_space<vmem>> -> memref<1x128xi32, #tpu.memory_space<vmem>>
          %dma_start3A_359 = tpu.memref_squeeze %dma_start3A_358 : memref<1x128xi32, #tpu.memory_space<vmem>> -> memref<128xi32, #tpu.memory_space<vmem>>
          %dma_start3A_360 = arith.constant 0 : i32
          %dma_start3A_361 = arith.constant 0 : i32
          %dma_start3A_362 = tpu.memref_slice %arg10[%dma_start3A_360, %dma_start3A_361] : memref<5120x8xf32, #tpu.memory_space<vmem_shared>> -> memref<5120x8xf32, #tpu.memory_space<vmem_shared>>
          tpu.enqueue_indirect_dma source(%dma_start3A_362 : memref<5120x8xf32, #tpu.memory_space<vmem_shared>>) target(%dma_start3A_356 : memref<128x8xf32, #tpu.memory_space<vmem>>) offsets(%dma_start3A_359 : memref<128xi32, #tpu.memory_space<vmem>>) semaphore(%arg13 : memref<!tpu.dma_semaphore, #tpu.memory_space<semaphore_mem>>)
        } else {
        }
      } else {
      }
      %mul3A_265 = arith.constant 8 : i32
      %mul3A_266 = arith.muli %scan3A_240, %mul3A_265 : i32
      %add3A_267 = arith.constant 3 : i32
      %add3A_268 = arith.addi %mul3A_266, %add3A_267 : i32
      %lt3A_269 = arith.cmpi slt, %add3A_268, %select_n3A : i32
      %convert_element_type3A_270 = arith.extui %lt3A_269 : i1 to i32
      %cond3A_271 = arith.constant 0 : i32
      %cond3A_272 = arith.cmpi ne, %convert_element_type3A_270, %cond3A_271 : i32
      scf.if %cond3A_272 {
        %dma_wait3A_305 = arith.constant 3 : i32
        %dma_wait3A_306 = arith.constant 3 : i32
        %dma_wait3A_307 = arith.constant 0 : i32
        %dma_wait3A_308 = arith.constant 0 : i32
        %dma_wait3A_309 = tpu.memref_slice %arg9[%dma_wait3A_306, %dma_wait3A_307, %dma_wait3A_308] : memref<8x128x8xf32, #tpu.memory_space<vmem>> -> memref<1x128x8xf32, #tpu.memory_space<vmem>>
        %dma_wait3A_310 = tpu.memref_squeeze %dma_wait3A_309 : memref<1x128x8xf32, #tpu.memory_space<vmem>> -> memref<128x8xf32, #tpu.memory_space<vmem>>
        %dma_wait3A_311 = arith.constant 0 : i32
        %dma_wait3A_312 = tpu.memref_slice %arg7[%dma_wait3A_305, %dma_wait3A_311] : memref<79x128xi32, #tpu.memory_space<vmem>> -> memref<1x128xi32, #tpu.memory_space<vmem>>
        %dma_wait3A_313 = tpu.memref_squeeze %dma_wait3A_312 : memref<1x128xi32, #tpu.memory_space<vmem>> -> memref<128xi32, #tpu.memory_space<vmem>>
        %dma_wait3A_314 = arith.constant 0 : i32
        %dma_wait3A_315 = arith.constant 0 : i32
        %dma_wait3A_316 = tpu.memref_slice %arg10[%dma_wait3A_314, %dma_wait3A_315] : memref<5120x8xf32, #tpu.memory_space<vmem_shared>> -> memref<5120x8xf32, #tpu.memory_space<vmem_shared>>
        tpu.wait_indirect_dma semaphore(%arg15 : memref<!tpu.dma_semaphore, #tpu.memory_space<semaphore_mem>>) src(%dma_wait3A_316 : memref<5120x8xf32, #tpu.memory_space<vmem_shared>>) dst(%dma_wait3A_310 : memref<128x8xf32, #tpu.memory_space<vmem>>)
        %dma_start3A_317 = arith.constant 3 : i32
        %dma_start3A_318 = arith.constant 0 : i32
        %dma_start3A_319 = arith.constant 0 : i32
        %dma_start3A_320 = tpu.memref_slice %arg9[%dma_start3A_317, %dma_start3A_318, %dma_start3A_319] : memref<8x128x8xf32, #tpu.memory_space<vmem>> -> memref<1x128x8xf32, #tpu.memory_space<vmem>>
        %dma_start3A_321 = tpu.memref_squeeze %dma_start3A_320 : memref<1x128x8xf32, #tpu.memory_space<vmem>> -> memref<128x8xf32, #tpu.memory_space<vmem>>
        %dma_start3A_322 = arith.constant 0 : i32
        %dma_start3A_323 = tpu.memref_slice %arg8[%add3A_268, %dma_start3A_322] : memref<79x128xi32, #tpu.memory_space<vmem>> -> memref<1x128xi32, #tpu.memory_space<vmem>>
        %dma_start3A_324 = tpu.memref_squeeze %dma_start3A_323 : memref<1x128xi32, #tpu.memory_space<vmem>> -> memref<128xi32, #tpu.memory_space<vmem>>
        %dma_start3A_325 = arith.constant 0 : i32
        %dma_start3A_326 = arith.constant 0 : i32
        %dma_start3A_327 = tpu.memref_slice %arg11[%dma_start3A_325, %dma_start3A_326] : memref<10240x8xf32, #tpu.memory_space<vmem_shared>> -> memref<10240x8xf32, #tpu.memory_space<vmem_shared>>
        tpu.enqueue_indirect_dma source(%dma_start3A_321 : memref<128x8xf32, #tpu.memory_space<vmem>>) target(%dma_start3A_327 : memref<10240x8xf32, #tpu.memory_space<vmem_shared>>) offsets(%dma_start3A_324 : memref<128xi32, #tpu.memory_space<vmem>>) semaphore(%arg23 : memref<!tpu.dma_semaphore, #tpu.memory_space<semaphore_mem>>) {add = true}
        %ge3A = arith.constant 1 : i32
        %ge3A_328 = arith.cmpi sge, %add3A_268, %ge3A : i32
        %sub3A = arith.constant 8 : i32
        %sub3A_329 = arith.subi %select_n3A, %sub3A : i32
        %le3A = arith.cmpi sle, %add3A_268, %sub3A_329 : i32
        %and3A = arith.andi %ge3A_328, %le3A : i1
        %convert_element_type3A_330 = arith.extui %and3A : i1 to i32
        %cond3A_331 = arith.constant 0 : i32
        %cond3A_332 = arith.cmpi ne, %convert_element_type3A_330, %cond3A_331 : i32
        scf.if %cond3A_332 {
          %dma_wait3A_333 = arith.constant 2 : i32
          %dma_wait3A_334 = arith.constant 0 : i32
          %dma_wait3A_335 = arith.constant 0 : i32
          %dma_wait3A_336 = tpu.memref_slice %arg9[%dma_wait3A_333, %dma_wait3A_334, %dma_wait3A_335] : memref<8x128x8xf32, #tpu.memory_space<vmem>> -> memref<1x128x8xf32, #tpu.memory_space<vmem>>
          %dma_wait3A_337 = tpu.memref_squeeze %dma_wait3A_336 : memref<1x128x8xf32, #tpu.memory_space<vmem>> -> memref<128x8xf32, #tpu.memory_space<vmem>>
          %dma_wait3A_338 = arith.constant 0 : i32
          %dma_wait3A_339 = arith.constant 0 : i32
          %dma_wait3A_340 = tpu.memref_slice %arg5[%dma_wait3A_338, %dma_wait3A_339] : memref<640x8xf32, #tpu.memory_space<hbm>> -> memref<128x8xf32, #tpu.memory_space<hbm>>
          %dma_wait3A_341 = arith.constant 0 : i32
          %dma_wait3A_342 = arith.constant 0 : i32
          %dma_wait3A_343 = tpu.memref_slice %arg9[%dma_wait3A_333, %dma_wait3A_341, %dma_wait3A_342] : memref<8x128x8xf32, #tpu.memory_space<vmem>> -> memref<1x128x8xf32, #tpu.memory_space<vmem>>
          %dma_wait3A_344 = tpu.memref_squeeze %dma_wait3A_343 : memref<1x128x8xf32, #tpu.memory_space<vmem>> -> memref<128x8xf32, #tpu.memory_space<vmem>>
          %dma_wait3A_345 = arith.constant 0 : i32
          %dma_wait3A_346 = arith.constant 0 : i32
          %dma_wait3A_347 = tpu.memref_slice %arg5[%dma_wait3A_345, %dma_wait3A_346] : memref<640x8xf32, #tpu.memory_space<hbm>> -> memref<128x8xf32, #tpu.memory_space<hbm>>
          tpu.wait_dma2 semaphore(%arg22 : memref<!tpu.dma_semaphore, #tpu.memory_space<semaphore_mem>>) src(%dma_wait3A_347 : memref<128x8xf32, #tpu.memory_space<hbm>>) dst(%dma_wait3A_344 : memref<128x8xf32, #tpu.memory_space<vmem>>)
          %sub3A_348 = arith.constant 1 : i32
          %sub3A_349 = arith.subi %add3A_268, %sub3A_348 : i32
          %add3A_350 = arith.constant 8 : i32
          %add3A_351 = arith.addi %sub3A_349, %add3A_350 : i32
          %dma_start3A_352 = arith.constant 2 : i32
          %dma_start3A_353 = arith.constant 0 : i32
          %dma_start3A_354 = arith.constant 0 : i32
          %dma_start3A_355 = tpu.memref_slice %arg9[%dma_start3A_352, %dma_start3A_353, %dma_start3A_354] : memref<8x128x8xf32, #tpu.memory_space<vmem>> -> memref<1x128x8xf32, #tpu.memory_space<vmem>>
          %dma_start3A_356 = tpu.memref_squeeze %dma_start3A_355 : memref<1x128x8xf32, #tpu.memory_space<vmem>> -> memref<128x8xf32, #tpu.memory_space<vmem>>
          %dma_start3A_357 = arith.constant 0 : i32
          %dma_start3A_358 = tpu.memref_slice %arg7[%add3A_351, %dma_start3A_357] : memref<79x128xi32, #tpu.memory_space<vmem>> -> memref<1x128xi32, #tpu.memory_space<vmem>>
          %dma_start3A_359 = tpu.memref_squeeze %dma_start3A_358 : memref<1x128xi32, #tpu.memory_space<vmem>> -> memref<128xi32, #tpu.memory_space<vmem>>
          %dma_start3A_360 = arith.constant 0 : i32
          %dma_start3A_361 = arith.constant 0 : i32
          %dma_start3A_362 = tpu.memref_slice %arg10[%dma_start3A_360, %dma_start3A_361] : memref<5120x8xf32, #tpu.memory_space<vmem_shared>> -> memref<5120x8xf32, #tpu.memory_space<vmem_shared>>
          tpu.enqueue_indirect_dma source(%dma_start3A_362 : memref<5120x8xf32, #tpu.memory_space<vmem_shared>>) target(%dma_start3A_356 : memref<128x8xf32, #tpu.memory_space<vmem>>) offsets(%dma_start3A_359 : memref<128xi32, #tpu.memory_space<vmem>>) semaphore(%arg14 : memref<!tpu.dma_semaphore, #tpu.memory_space<semaphore_mem>>)
        } else {
        }
      } else {
      }
      %mul3A_273 = arith.constant 8 : i32
      %mul3A_274 = arith.muli %scan3A_240, %mul3A_273 : i32
      %add3A_275 = arith.constant 4 : i32
      %add3A_276 = arith.addi %mul3A_274, %add3A_275 : i32
      %lt3A_277 = arith.cmpi slt, %add3A_276, %select_n3A : i32
      %convert_element_type3A_278 = arith.extui %lt3A_277 : i1 to i32
      %cond3A_279 = arith.constant 0 : i32
      %cond3A_280 = arith.cmpi ne, %convert_element_type3A_278, %cond3A_279 : i32
      scf.if %cond3A_280 {
        %dma_wait3A_305 = arith.constant 4 : i32
        %dma_wait3A_306 = arith.constant 4 : i32
        %dma_wait3A_307 = arith.constant 0 : i32
        %dma_wait3A_308 = arith.constant 0 : i32
        %dma_wait3A_309 = tpu.memref_slice %arg9[%dma_wait3A_306, %dma_wait3A_307, %dma_wait3A_308] : memref<8x128x8xf32, #tpu.memory_space<vmem>> -> memref<1x128x8xf32, #tpu.memory_space<vmem>>
        %dma_wait3A_310 = tpu.memref_squeeze %dma_wait3A_309 : memref<1x128x8xf32, #tpu.memory_space<vmem>> -> memref<128x8xf32, #tpu.memory_space<vmem>>
        %dma_wait3A_311 = arith.constant 0 : i32
        %dma_wait3A_312 = tpu.memref_slice %arg7[%dma_wait3A_305, %dma_wait3A_311] : memref<79x128xi32, #tpu.memory_space<vmem>> -> memref<1x128xi32, #tpu.memory_space<vmem>>
        %dma_wait3A_313 = tpu.memref_squeeze %dma_wait3A_312 : memref<1x128xi32, #tpu.memory_space<vmem>> -> memref<128xi32, #tpu.memory_space<vmem>>
        %dma_wait3A_314 = arith.constant 0 : i32
        %dma_wait3A_315 = arith.constant 0 : i32
        %dma_wait3A_316 = tpu.memref_slice %arg10[%dma_wait3A_314, %dma_wait3A_315] : memref<5120x8xf32, #tpu.memory_space<vmem_shared>> -> memref<5120x8xf32, #tpu.memory_space<vmem_shared>>
        tpu.wait_indirect_dma semaphore(%arg16 : memref<!tpu.dma_semaphore, #tpu.memory_space<semaphore_mem>>) src(%dma_wait3A_316 : memref<5120x8xf32, #tpu.memory_space<vmem_shared>>) dst(%dma_wait3A_310 : memref<128x8xf32, #tpu.memory_space<vmem>>)
        %dma_start3A_317 = arith.constant 4 : i32
        %dma_start3A_318 = arith.constant 0 : i32
        %dma_start3A_319 = arith.constant 0 : i32
        %dma_start3A_320 = tpu.memref_slice %arg9[%dma_start3A_317, %dma_start3A_318, %dma_start3A_319] : memref<8x128x8xf32, #tpu.memory_space<vmem>> -> memref<1x128x8xf32, #tpu.memory_space<vmem>>
        %dma_start3A_321 = tpu.memref_squeeze %dma_start3A_320 : memref<1x128x8xf32, #tpu.memory_space<vmem>> -> memref<128x8xf32, #tpu.memory_space<vmem>>
        %dma_start3A_322 = arith.constant 0 : i32
        %dma_start3A_323 = tpu.memref_slice %arg8[%add3A_276, %dma_start3A_322] : memref<79x128xi32, #tpu.memory_space<vmem>> -> memref<1x128xi32, #tpu.memory_space<vmem>>
        %dma_start3A_324 = tpu.memref_squeeze %dma_start3A_323 : memref<1x128xi32, #tpu.memory_space<vmem>> -> memref<128xi32, #tpu.memory_space<vmem>>
        %dma_start3A_325 = arith.constant 0 : i32
        %dma_start3A_326 = arith.constant 0 : i32
        %dma_start3A_327 = tpu.memref_slice %arg11[%dma_start3A_325, %dma_start3A_326] : memref<10240x8xf32, #tpu.memory_space<vmem_shared>> -> memref<10240x8xf32, #tpu.memory_space<vmem_shared>>
        tpu.enqueue_indirect_dma source(%dma_start3A_321 : memref<128x8xf32, #tpu.memory_space<vmem>>) target(%dma_start3A_327 : memref<10240x8xf32, #tpu.memory_space<vmem_shared>>) offsets(%dma_start3A_324 : memref<128xi32, #tpu.memory_space<vmem>>) semaphore(%arg24 : memref<!tpu.dma_semaphore, #tpu.memory_space<semaphore_mem>>) {add = true}
        %ge3A = arith.constant 1 : i32
        %ge3A_328 = arith.cmpi sge, %add3A_276, %ge3A : i32
        %sub3A = arith.constant 8 : i32
        %sub3A_329 = arith.subi %select_n3A, %sub3A : i32
        %le3A = arith.cmpi sle, %add3A_276, %sub3A_329 : i32
        %and3A = arith.andi %ge3A_328, %le3A : i1
        %convert_element_type3A_330 = arith.extui %and3A : i1 to i32
        %cond3A_331 = arith.constant 0 : i32
        %cond3A_332 = arith.cmpi ne, %convert_element_type3A_330, %cond3A_331 : i32
        scf.if %cond3A_332 {
          %dma_wait3A_333 = arith.constant 3 : i32
          %dma_wait3A_334 = arith.constant 0 : i32
          %dma_wait3A_335 = arith.constant 0 : i32
          %dma_wait3A_336 = tpu.memref_slice %arg9[%dma_wait3A_333, %dma_wait3A_334, %dma_wait3A_335] : memref<8x128x8xf32, #tpu.memory_space<vmem>> -> memref<1x128x8xf32, #tpu.memory_space<vmem>>
          %dma_wait3A_337 = tpu.memref_squeeze %dma_wait3A_336 : memref<1x128x8xf32, #tpu.memory_space<vmem>> -> memref<128x8xf32, #tpu.memory_space<vmem>>
          %dma_wait3A_338 = arith.constant 0 : i32
          %dma_wait3A_339 = arith.constant 0 : i32
          %dma_wait3A_340 = tpu.memref_slice %arg5[%dma_wait3A_338, %dma_wait3A_339] : memref<640x8xf32, #tpu.memory_space<hbm>> -> memref<128x8xf32, #tpu.memory_space<hbm>>
          %dma_wait3A_341 = arith.constant 0 : i32
          %dma_wait3A_342 = arith.constant 0 : i32
          %dma_wait3A_343 = tpu.memref_slice %arg9[%dma_wait3A_333, %dma_wait3A_341, %dma_wait3A_342] : memref<8x128x8xf32, #tpu.memory_space<vmem>> -> memref<1x128x8xf32, #tpu.memory_space<vmem>>
          %dma_wait3A_344 = tpu.memref_squeeze %dma_wait3A_343 : memref<1x128x8xf32, #tpu.memory_space<vmem>> -> memref<128x8xf32, #tpu.memory_space<vmem>>
          %dma_wait3A_345 = arith.constant 0 : i32
          %dma_wait3A_346 = arith.constant 0 : i32
          %dma_wait3A_347 = tpu.memref_slice %arg5[%dma_wait3A_345, %dma_wait3A_346] : memref<640x8xf32, #tpu.memory_space<hbm>> -> memref<128x8xf32, #tpu.memory_space<hbm>>
          tpu.wait_dma2 semaphore(%arg23 : memref<!tpu.dma_semaphore, #tpu.memory_space<semaphore_mem>>) src(%dma_wait3A_347 : memref<128x8xf32, #tpu.memory_space<hbm>>) dst(%dma_wait3A_344 : memref<128x8xf32, #tpu.memory_space<vmem>>)
          %sub3A_348 = arith.constant 1 : i32
          %sub3A_349 = arith.subi %add3A_276, %sub3A_348 : i32
          %add3A_350 = arith.constant 8 : i32
          %add3A_351 = arith.addi %sub3A_349, %add3A_350 : i32
          %dma_start3A_352 = arith.constant 3 : i32
          %dma_start3A_353 = arith.constant 0 : i32
          %dma_start3A_354 = arith.constant 0 : i32
          %dma_start3A_355 = tpu.memref_slice %arg9[%dma_start3A_352, %dma_start3A_353, %dma_start3A_354] : memref<8x128x8xf32, #tpu.memory_space<vmem>> -> memref<1x128x8xf32, #tpu.memory_space<vmem>>
          %dma_start3A_356 = tpu.memref_squeeze %dma_start3A_355 : memref<1x128x8xf32, #tpu.memory_space<vmem>> -> memref<128x8xf32, #tpu.memory_space<vmem>>
          %dma_start3A_357 = arith.constant 0 : i32
          %dma_start3A_358 = tpu.memref_slice %arg7[%add3A_351, %dma_start3A_357] : memref<79x128xi32, #tpu.memory_space<vmem>> -> memref<1x128xi32, #tpu.memory_space<vmem>>
          %dma_start3A_359 = tpu.memref_squeeze %dma_start3A_358 : memref<1x128xi32, #tpu.memory_space<vmem>> -> memref<128xi32, #tpu.memory_space<vmem>>
          %dma_start3A_360 = arith.constant 0 : i32
          %dma_start3A_361 = arith.constant 0 : i32
          %dma_start3A_362 = tpu.memref_slice %arg10[%dma_start3A_360, %dma_start3A_361] : memref<5120x8xf32, #tpu.memory_space<vmem_shared>> -> memref<5120x8xf32, #tpu.memory_space<vmem_shared>>
          tpu.enqueue_indirect_dma source(%dma_start3A_362 : memref<5120x8xf32, #tpu.memory_space<vmem_shared>>) target(%dma_start3A_356 : memref<128x8xf32, #tpu.memory_space<vmem>>) offsets(%dma_start3A_359 : memref<128xi32, #tpu.memory_space<vmem>>) semaphore(%arg15 : memref<!tpu.dma_semaphore, #tpu.memory_space<semaphore_mem>>)
        } else {
        }
      } else {
      }
      %mul3A_281 = arith.constant 8 : i32
      %mul3A_282 = arith.muli %scan3A_240, %mul3A_281 : i32
      %add3A_283 = arith.constant 5 : i32
      %add3A_284 = arith.addi %mul3A_282, %add3A_283 : i32
      %lt3A_285 = arith.cmpi slt, %add3A_284, %select_n3A : i32
      %convert_element_type3A_286 = arith.extui %lt3A_285 : i1 to i32
      %cond3A_287 = arith.constant 0 : i32
      %cond3A_288 = arith.cmpi ne, %convert_element_type3A_286, %cond3A_287 : i32
      scf.if %cond3A_288 {
        %dma_wait3A_305 = arith.constant 5 : i32
        %dma_wait3A_306 = arith.constant 5 : i32
        %dma_wait3A_307 = arith.constant 0 : i32
        %dma_wait3A_308 = arith.constant 0 : i32
        %dma_wait3A_309 = tpu.memref_slice %arg9[%dma_wait3A_306, %dma_wait3A_307, %dma_wait3A_308] : memref<8x128x8xf32, #tpu.memory_space<vmem>> -> memref<1x128x8xf32, #tpu.memory_space<vmem>>
        %dma_wait3A_310 = tpu.memref_squeeze %dma_wait3A_309 : memref<1x128x8xf32, #tpu.memory_space<vmem>> -> memref<128x8xf32, #tpu.memory_space<vmem>>
        %dma_wait3A_311 = arith.constant 0 : i32
        %dma_wait3A_312 = tpu.memref_slice %arg7[%dma_wait3A_305, %dma_wait3A_311] : memref<79x128xi32, #tpu.memory_space<vmem>> -> memref<1x128xi32, #tpu.memory_space<vmem>>
        %dma_wait3A_313 = tpu.memref_squeeze %dma_wait3A_312 : memref<1x128xi32, #tpu.memory_space<vmem>> -> memref<128xi32, #tpu.memory_space<vmem>>
        %dma_wait3A_314 = arith.constant 0 : i32
        %dma_wait3A_315 = arith.constant 0 : i32
        %dma_wait3A_316 = tpu.memref_slice %arg10[%dma_wait3A_314, %dma_wait3A_315] : memref<5120x8xf32, #tpu.memory_space<vmem_shared>> -> memref<5120x8xf32, #tpu.memory_space<vmem_shared>>
        tpu.wait_indirect_dma semaphore(%arg17 : memref<!tpu.dma_semaphore, #tpu.memory_space<semaphore_mem>>) src(%dma_wait3A_316 : memref<5120x8xf32, #tpu.memory_space<vmem_shared>>) dst(%dma_wait3A_310 : memref<128x8xf32, #tpu.memory_space<vmem>>)
        %dma_start3A_317 = arith.constant 5 : i32
        %dma_start3A_318 = arith.constant 0 : i32
        %dma_start3A_319 = arith.constant 0 : i32
        %dma_start3A_320 = tpu.memref_slice %arg9[%dma_start3A_317, %dma_start3A_318, %dma_start3A_319] : memref<8x128x8xf32, #tpu.memory_space<vmem>> -> memref<1x128x8xf32, #tpu.memory_space<vmem>>
        %dma_start3A_321 = tpu.memref_squeeze %dma_start3A_320 : memref<1x128x8xf32, #tpu.memory_space<vmem>> -> memref<128x8xf32, #tpu.memory_space<vmem>>
        %dma_start3A_322 = arith.constant 0 : i32
        %dma_start3A_323 = tpu.memref_slice %arg8[%add3A_284, %dma_start3A_322] : memref<79x128xi32, #tpu.memory_space<vmem>> -> memref<1x128xi32, #tpu.memory_space<vmem>>
        %dma_start3A_324 = tpu.memref_squeeze %dma_start3A_323 : memref<1x128xi32, #tpu.memory_space<vmem>> -> memref<128xi32, #tpu.memory_space<vmem>>
        %dma_start3A_325 = arith.constant 0 : i32
        %dma_start3A_326 = arith.constant 0 : i32
        %dma_start3A_327 = tpu.memref_slice %arg11[%dma_start3A_325, %dma_start3A_326] : memref<10240x8xf32, #tpu.memory_space<vmem_shared>> -> memref<10240x8xf32, #tpu.memory_space<vmem_shared>>
        tpu.enqueue_indirect_dma source(%dma_start3A_321 : memref<128x8xf32, #tpu.memory_space<vmem>>) target(%dma_start3A_327 : memref<10240x8xf32, #tpu.memory_space<vmem_shared>>) offsets(%dma_start3A_324 : memref<128xi32, #tpu.memory_space<vmem>>) semaphore(%arg25 : memref<!tpu.dma_semaphore, #tpu.memory_space<semaphore_mem>>) {add = true}
        %ge3A = arith.constant 1 : i32
        %ge3A_328 = arith.cmpi sge, %add3A_284, %ge3A : i32
        %sub3A = arith.constant 8 : i32
        %sub3A_329 = arith.subi %select_n3A, %sub3A : i32
        %le3A = arith.cmpi sle, %add3A_284, %sub3A_329 : i32
        %and3A = arith.andi %ge3A_328, %le3A : i1
        %convert_element_type3A_330 = arith.extui %and3A : i1 to i32
        %cond3A_331 = arith.constant 0 : i32
        %cond3A_332 = arith.cmpi ne, %convert_element_type3A_330, %cond3A_331 : i32
        scf.if %cond3A_332 {
          %dma_wait3A_333 = arith.constant 4 : i32
          %dma_wait3A_334 = arith.constant 0 : i32
          %dma_wait3A_335 = arith.constant 0 : i32
          %dma_wait3A_336 = tpu.memref_slice %arg9[%dma_wait3A_333, %dma_wait3A_334, %dma_wait3A_335] : memref<8x128x8xf32, #tpu.memory_space<vmem>> -> memref<1x128x8xf32, #tpu.memory_space<vmem>>
          %dma_wait3A_337 = tpu.memref_squeeze %dma_wait3A_336 : memref<1x128x8xf32, #tpu.memory_space<vmem>> -> memref<128x8xf32, #tpu.memory_space<vmem>>
          %dma_wait3A_338 = arith.constant 0 : i32
          %dma_wait3A_339 = arith.constant 0 : i32
          %dma_wait3A_340 = tpu.memref_slice %arg5[%dma_wait3A_338, %dma_wait3A_339] : memref<640x8xf32, #tpu.memory_space<hbm>> -> memref<128x8xf32, #tpu.memory_space<hbm>>
          %dma_wait3A_341 = arith.constant 0 : i32
          %dma_wait3A_342 = arith.constant 0 : i32
          %dma_wait3A_343 = tpu.memref_slice %arg9[%dma_wait3A_333, %dma_wait3A_341, %dma_wait3A_342] : memref<8x128x8xf32, #tpu.memory_space<vmem>> -> memref<1x128x8xf32, #tpu.memory_space<vmem>>
          %dma_wait3A_344 = tpu.memref_squeeze %dma_wait3A_343 : memref<1x128x8xf32, #tpu.memory_space<vmem>> -> memref<128x8xf32, #tpu.memory_space<vmem>>
          %dma_wait3A_345 = arith.constant 0 : i32
          %dma_wait3A_346 = arith.constant 0 : i32
          %dma_wait3A_347 = tpu.memref_slice %arg5[%dma_wait3A_345, %dma_wait3A_346] : memref<640x8xf32, #tpu.memory_space<hbm>> -> memref<128x8xf32, #tpu.memory_space<hbm>>
          tpu.wait_dma2 semaphore(%arg24 : memref<!tpu.dma_semaphore, #tpu.memory_space<semaphore_mem>>) src(%dma_wait3A_347 : memref<128x8xf32, #tpu.memory_space<hbm>>) dst(%dma_wait3A_344 : memref<128x8xf32, #tpu.memory_space<vmem>>)
          %sub3A_348 = arith.constant 1 : i32
          %sub3A_349 = arith.subi %add3A_284, %sub3A_348 : i32
          %add3A_350 = arith.constant 8 : i32
          %add3A_351 = arith.addi %sub3A_349, %add3A_350 : i32
          %dma_start3A_352 = arith.constant 4 : i32
          %dma_start3A_353 = arith.constant 0 : i32
          %dma_start3A_354 = arith.constant 0 : i32
          %dma_start3A_355 = tpu.memref_slice %arg9[%dma_start3A_352, %dma_start3A_353, %dma_start3A_354] : memref<8x128x8xf32, #tpu.memory_space<vmem>> -> memref<1x128x8xf32, #tpu.memory_space<vmem>>
          %dma_start3A_356 = tpu.memref_squeeze %dma_start3A_355 : memref<1x128x8xf32, #tpu.memory_space<vmem>> -> memref<128x8xf32, #tpu.memory_space<vmem>>
          %dma_start3A_357 = arith.constant 0 : i32
          %dma_start3A_358 = tpu.memref_slice %arg7[%add3A_351, %dma_start3A_357] : memref<79x128xi32, #tpu.memory_space<vmem>> -> memref<1x128xi32, #tpu.memory_space<vmem>>
          %dma_start3A_359 = tpu.memref_squeeze %dma_start3A_358 : memref<1x128xi32, #tpu.memory_space<vmem>> -> memref<128xi32, #tpu.memory_space<vmem>>
          %dma_start3A_360 = arith.constant 0 : i32
          %dma_start3A_361 = arith.constant 0 : i32
          %dma_start3A_362 = tpu.memref_slice %arg10[%dma_start3A_360, %dma_start3A_361] : memref<5120x8xf32, #tpu.memory_space<vmem_shared>> -> memref<5120x8xf32, #tpu.memory_space<vmem_shared>>
          tpu.enqueue_indirect_dma source(%dma_start3A_362 : memref<5120x8xf32, #tpu.memory_space<vmem_shared>>) target(%dma_start3A_356 : memref<128x8xf32, #tpu.memory_space<vmem>>) offsets(%dma_start3A_359 : memref<128xi32, #tpu.memory_space<vmem>>) semaphore(%arg16 : memref<!tpu.dma_semaphore, #tpu.memory_space<semaphore_mem>>)
        } else {
        }
      } else {
      }
      %mul3A_289 = arith.constant 8 : i32
      %mul3A_290 = arith.muli %scan3A_240, %mul3A_289 : i32
      %add3A_291 = arith.constant 6 : i32
      %add3A_292 = arith.addi %mul3A_290, %add3A_291 : i32
      %lt3A_293 = arith.cmpi slt, %add3A_292, %select_n3A : i32
      %convert_element_type3A_294 = arith.extui %lt3A_293 : i1 to i32
      %cond3A_295 = arith.constant 0 : i32
      %cond3A_296 = arith.cmpi ne, %convert_element_type3A_294, %cond3A_295 : i32
      scf.if %cond3A_296 {
        %dma_wait3A_305 = arith.constant 6 : i32
        %dma_wait3A_306 = arith.constant 6 : i32
        %dma_wait3A_307 = arith.constant 0 : i32
        %dma_wait3A_308 = arith.constant 0 : i32
        %dma_wait3A_309 = tpu.memref_slice %arg9[%dma_wait3A_306, %dma_wait3A_307, %dma_wait3A_308] : memref<8x128x8xf32, #tpu.memory_space<vmem>> -> memref<1x128x8xf32, #tpu.memory_space<vmem>>
        %dma_wait3A_310 = tpu.memref_squeeze %dma_wait3A_309 : memref<1x128x8xf32, #tpu.memory_space<vmem>> -> memref<128x8xf32, #tpu.memory_space<vmem>>
        %dma_wait3A_311 = arith.constant 0 : i32
        %dma_wait3A_312 = tpu.memref_slice %arg7[%dma_wait3A_305, %dma_wait3A_311] : memref<79x128xi32, #tpu.memory_space<vmem>> -> memref<1x128xi32, #tpu.memory_space<vmem>>
        %dma_wait3A_313 = tpu.memref_squeeze %dma_wait3A_312 : memref<1x128xi32, #tpu.memory_space<vmem>> -> memref<128xi32, #tpu.memory_space<vmem>>
        %dma_wait3A_314 = arith.constant 0 : i32
        %dma_wait3A_315 = arith.constant 0 : i32
        %dma_wait3A_316 = tpu.memref_slice %arg10[%dma_wait3A_314, %dma_wait3A_315] : memref<5120x8xf32, #tpu.memory_space<vmem_shared>> -> memref<5120x8xf32, #tpu.memory_space<vmem_shared>>
        tpu.wait_indirect_dma semaphore(%arg18 : memref<!tpu.dma_semaphore, #tpu.memory_space<semaphore_mem>>) src(%dma_wait3A_316 : memref<5120x8xf32, #tpu.memory_space<vmem_shared>>) dst(%dma_wait3A_310 : memref<128x8xf32, #tpu.memory_space<vmem>>)
        %dma_start3A_317 = arith.constant 6 : i32
        %dma_start3A_318 = arith.constant 0 : i32
        %dma_start3A_319 = arith.constant 0 : i32
        %dma_start3A_320 = tpu.memref_slice %arg9[%dma_start3A_317, %dma_start3A_318, %dma_start3A_319] : memref<8x128x8xf32, #tpu.memory_space<vmem>> -> memref<1x128x8xf32, #tpu.memory_space<vmem>>
        %dma_start3A_321 = tpu.memref_squeeze %dma_start3A_320 : memref<1x128x8xf32, #tpu.memory_space<vmem>> -> memref<128x8xf32, #tpu.memory_space<vmem>>
        %dma_start3A_322 = arith.constant 0 : i32
        %dma_start3A_323 = tpu.memref_slice %arg8[%add3A_292, %dma_start3A_322] : memref<79x128xi32, #tpu.memory_space<vmem>> -> memref<1x128xi32, #tpu.memory_space<vmem>>
        %dma_start3A_324 = tpu.memref_squeeze %dma_start3A_323 : memref<1x128xi32, #tpu.memory_space<vmem>> -> memref<128xi32, #tpu.memory_space<vmem>>
        %dma_start3A_325 = arith.constant 0 : i32
        %dma_start3A_326 = arith.constant 0 : i32
        %dma_start3A_327 = tpu.memref_slice %arg11[%dma_start3A_325, %dma_start3A_326] : memref<10240x8xf32, #tpu.memory_space<vmem_shared>> -> memref<10240x8xf32, #tpu.memory_space<vmem_shared>>
        tpu.enqueue_indirect_dma source(%dma_start3A_321 : memref<128x8xf32, #tpu.memory_space<vmem>>) target(%dma_start3A_327 : memref<10240x8xf32, #tpu.memory_space<vmem_shared>>) offsets(%dma_start3A_324 : memref<128xi32, #tpu.memory_space<vmem>>) semaphore(%arg26 : memref<!tpu.dma_semaphore, #tpu.memory_space<semaphore_mem>>) {add = true}
        %ge3A = arith.constant 1 : i32
        %ge3A_328 = arith.cmpi sge, %add3A_292, %ge3A : i32
        %sub3A = arith.constant 8 : i32
        %sub3A_329 = arith.subi %select_n3A, %sub3A : i32
        %le3A = arith.cmpi sle, %add3A_292, %sub3A_329 : i32
        %and3A = arith.andi %ge3A_328, %le3A : i1
        %convert_element_type3A_330 = arith.extui %and3A : i1 to i32
        %cond3A_331 = arith.constant 0 : i32
        %cond3A_332 = arith.cmpi ne, %convert_element_type3A_330, %cond3A_331 : i32
        scf.if %cond3A_332 {
          %dma_wait3A_333 = arith.constant 5 : i32
          %dma_wait3A_334 = arith.constant 0 : i32
          %dma_wait3A_335 = arith.constant 0 : i32
          %dma_wait3A_336 = tpu.memref_slice %arg9[%dma_wait3A_333, %dma_wait3A_334, %dma_wait3A_335] : memref<8x128x8xf32, #tpu.memory_space<vmem>> -> memref<1x128x8xf32, #tpu.memory_space<vmem>>
          %dma_wait3A_337 = tpu.memref_squeeze %dma_wait3A_336 : memref<1x128x8xf32, #tpu.memory_space<vmem>> -> memref<128x8xf32, #tpu.memory_space<vmem>>
          %dma_wait3A_338 = arith.constant 0 : i32
          %dma_wait3A_339 = arith.constant 0 : i32
          %dma_wait3A_340 = tpu.memref_slice %arg5[%dma_wait3A_338, %dma_wait3A_339] : memref<640x8xf32, #tpu.memory_space<hbm>> -> memref<128x8xf32, #tpu.memory_space<hbm>>
          %dma_wait3A_341 = arith.constant 0 : i32
          %dma_wait3A_342 = arith.constant 0 : i32
          %dma_wait3A_343 = tpu.memref_slice %arg9[%dma_wait3A_333, %dma_wait3A_341, %dma_wait3A_342] : memref<8x128x8xf32, #tpu.memory_space<vmem>> -> memref<1x128x8xf32, #tpu.memory_space<vmem>>
          %dma_wait3A_344 = tpu.memref_squeeze %dma_wait3A_343 : memref<1x128x8xf32, #tpu.memory_space<vmem>> -> memref<128x8xf32, #tpu.memory_space<vmem>>
          %dma_wait3A_345 = arith.constant 0 : i32
          %dma_wait3A_346 = arith.constant 0 : i32
          %dma_wait3A_347 = tpu.memref_slice %arg5[%dma_wait3A_345, %dma_wait3A_346] : memref<640x8xf32, #tpu.memory_space<hbm>> -> memref<128x8xf32, #tpu.memory_space<hbm>>
          tpu.wait_dma2 semaphore(%arg25 : memref<!tpu.dma_semaphore, #tpu.memory_space<semaphore_mem>>) src(%dma_wait3A_347 : memref<128x8xf32, #tpu.memory_space<hbm>>) dst(%dma_wait3A_344 : memref<128x8xf32, #tpu.memory_space<vmem>>)
          %sub3A_348 = arith.constant 1 : i32
          %sub3A_349 = arith.subi %add3A_292, %sub3A_348 : i32
          %add3A_350 = arith.constant 8 : i32
          %add3A_351 = arith.addi %sub3A_349, %add3A_350 : i32
          %dma_start3A_352 = arith.constant 5 : i32
          %dma_start3A_353 = arith.constant 0 : i32
          %dma_start3A_354 = arith.constant 0 : i32
          %dma_start3A_355 = tpu.memref_slice %arg9[%dma_start3A_352, %dma_start3A_353, %dma_start3A_354] : memref<8x128x8xf32, #tpu.memory_space<vmem>> -> memref<1x128x8xf32, #tpu.memory_space<vmem>>
          %dma_start3A_356 = tpu.memref_squeeze %dma_start3A_355 : memref<1x128x8xf32, #tpu.memory_space<vmem>> -> memref<128x8xf32, #tpu.memory_space<vmem>>
          %dma_start3A_357 = arith.constant 0 : i32
          %dma_start3A_358 = tpu.memref_slice %arg7[%add3A_351, %dma_start3A_357] : memref<79x128xi32, #tpu.memory_space<vmem>> -> memref<1x128xi32, #tpu.memory_space<vmem>>
          %dma_start3A_359 = tpu.memref_squeeze %dma_start3A_358 : memref<1x128xi32, #tpu.memory_space<vmem>> -> memref<128xi32, #tpu.memory_space<vmem>>
          %dma_start3A_360 = arith.constant 0 : i32
          %dma_start3A_361 = arith.constant 0 : i32
          %dma_start3A_362 = tpu.memref_slice %arg10[%dma_start3A_360, %dma_start3A_361] : memref<5120x8xf32, #tpu.memory_space<vmem_shared>> -> memref<5120x8xf32, #tpu.memory_space<vmem_shared>>
          tpu.enqueue_indirect_dma source(%dma_start3A_362 : memref<5120x8xf32, #tpu.memory_space<vmem_shared>>) target(%dma_start3A_356 : memref<128x8xf32, #tpu.memory_space<vmem>>) offsets(%dma_start3A_359 : memref<128xi32, #tpu.memory_space<vmem>>) semaphore(%arg17 : memref<!tpu.dma_semaphore, #tpu.memory_space<semaphore_mem>>)
        } else {
        }
      } else {
      }
      %mul3A_297 = arith.constant 8 : i32
      %mul3A_298 = arith.muli %scan3A_240, %mul3A_297 : i32
      %add3A_299 = arith.constant 7 : i32
      %add3A_300 = arith.addi %mul3A_298, %add3A_299 : i32
      %lt3A_301 = arith.cmpi slt, %add3A_300, %select_n3A : i32
      %convert_element_type3A_302 = arith.extui %lt3A_301 : i1 to i32
      %cond3A_303 = arith.constant 0 : i32
      %cond3A_304 = arith.cmpi ne, %convert_element_type3A_302, %cond3A_303 : i32
      scf.if %cond3A_304 {
        %dma_wait3A_305 = arith.constant 7 : i32
        %dma_wait3A_306 = arith.constant 7 : i32
        %dma_wait3A_307 = arith.constant 0 : i32
        %dma_wait3A_308 = arith.constant 0 : i32
        %dma_wait3A_309 = tpu.memref_slice %arg9[%dma_wait3A_306, %dma_wait3A_307, %dma_wait3A_308] : memref<8x128x8xf32, #tpu.memory_space<vmem>> -> memref<1x128x8xf32, #tpu.memory_space<vmem>>
        %dma_wait3A_310 = tpu.memref_squeeze %dma_wait3A_309 : memref<1x128x8xf32, #tpu.memory_space<vmem>> -> memref<128x8xf32, #tpu.memory_space<vmem>>
        %dma_wait3A_311 = arith.constant 0 : i32
        %dma_wait3A_312 = tpu.memref_slice %arg7[%dma_wait3A_305, %dma_wait3A_311] : memref<79x128xi32, #tpu.memory_space<vmem>> -> memref<1x128xi32, #tpu.memory_space<vmem>>
        %dma_wait3A_313 = tpu.memref_squeeze %dma_wait3A_312 : memref<1x128xi32, #tpu.memory_space<vmem>> -> memref<128xi32, #tpu.memory_space<vmem>>
        %dma_wait3A_314 = arith.constant 0 : i32
        %dma_wait3A_315 = arith.constant 0 : i32
        %dma_wait3A_316 = tpu.memref_slice %arg10[%dma_wait3A_314, %dma_wait3A_315] : memref<5120x8xf32, #tpu.memory_space<vmem_shared>> -> memref<5120x8xf32, #tpu.memory_space<vmem_shared>>
        tpu.wait_indirect_dma semaphore(%arg19 : memref<!tpu.dma_semaphore, #tpu.memory_space<semaphore_mem>>) src(%dma_wait3A_316 : memref<5120x8xf32, #tpu.memory_space<vmem_shared>>) dst(%dma_wait3A_310 : memref<128x8xf32, #tpu.memory_space<vmem>>)
        %dma_start3A_317 = arith.constant 7 : i32
        %dma_start3A_318 = arith.constant 0 : i32
        %dma_start3A_319 = arith.constant 0 : i32
        %dma_start3A_320 = tpu.memref_slice %arg9[%dma_start3A_317, %dma_start3A_318, %dma_start3A_319] : memref<8x128x8xf32, #tpu.memory_space<vmem>> -> memref<1x128x8xf32, #tpu.memory_space<vmem>>
        %dma_start3A_321 = tpu.memref_squeeze %dma_start3A_320 : memref<1x128x8xf32, #tpu.memory_space<vmem>> -> memref<128x8xf32, #tpu.memory_space<vmem>>
        %dma_start3A_322 = arith.constant 0 : i32
        %dma_start3A_323 = tpu.memref_slice %arg8[%add3A_300, %dma_start3A_322] : memref<79x128xi32, #tpu.memory_space<vmem>> -> memref<1x128xi32, #tpu.memory_space<vmem>>
        %dma_start3A_324 = tpu.memref_squeeze %dma_start3A_323 : memref<1x128xi32, #tpu.memory_space<vmem>> -> memref<128xi32, #tpu.memory_space<vmem>>
        %dma_start3A_325 = arith.constant 0 : i32
        %dma_start3A_326 = arith.constant 0 : i32
        %dma_start3A_327 = tpu.memref_slice %arg11[%dma_start3A_325, %dma_start3A_326] : memref<10240x8xf32, #tpu.memory_space<vmem_shared>> -> memref<10240x8xf32, #tpu.memory_space<vmem_shared>>
        tpu.enqueue_indirect_dma source(%dma_start3A_321 : memref<128x8xf32, #tpu.memory_space<vmem>>) target(%dma_start3A_327 : memref<10240x8xf32, #tpu.memory_space<vmem_shared>>) offsets(%dma_start3A_324 : memref<128xi32, #tpu.memory_space<vmem>>) semaphore(%arg27 : memref<!tpu.dma_semaphore, #tpu.memory_space<semaphore_mem>>) {add = true}
        %ge3A = arith.constant 1 : i32
        %ge3A_328 = arith.cmpi sge, %add3A_300, %ge3A : i32
        %sub3A = arith.constant 8 : i32
        %sub3A_329 = arith.subi %select_n3A, %sub3A : i32
        %le3A = arith.cmpi sle, %add3A_300, %sub3A_329 : i32
        %and3A = arith.andi %ge3A_328, %le3A : i1
        %convert_element_type3A_330 = arith.extui %and3A : i1 to i32
        %cond3A_331 = arith.constant 0 : i32
        %cond3A_332 = arith.cmpi ne, %convert_element_type3A_330, %cond3A_331 : i32
        scf.if %cond3A_332 {
          %dma_wait3A_333 = arith.constant 6 : i32
          %dma_wait3A_334 = arith.constant 0 : i32
          %dma_wait3A_335 = arith.constant 0 : i32
          %dma_wait3A_336 = tpu.memref_slice %arg9[%dma_wait3A_333, %dma_wait3A_334, %dma_wait3A_335] : memref<8x128x8xf32, #tpu.memory_space<vmem>> -> memref<1x128x8xf32, #tpu.memory_space<vmem>>
          %dma_wait3A_337 = tpu.memref_squeeze %dma_wait3A_336 : memref<1x128x8xf32, #tpu.memory_space<vmem>> -> memref<128x8xf32, #tpu.memory_space<vmem>>
          %dma_wait3A_338 = arith.constant 0 : i32
          %dma_wait3A_339 = arith.constant 0 : i32
          %dma_wait3A_340 = tpu.memref_slice %arg5[%dma_wait3A_338, %dma_wait3A_339] : memref<640x8xf32, #tpu.memory_space<hbm>> -> memref<128x8xf32, #tpu.memory_space<hbm>>
          %dma_wait3A_341 = arith.constant 0 : i32
          %dma_wait3A_342 = arith.constant 0 : i32
          %dma_wait3A_343 = tpu.memref_slice %arg9[%dma_wait3A_333, %dma_wait3A_341, %dma_wait3A_342] : memref<8x128x8xf32, #tpu.memory_space<vmem>> -> memref<1x128x8xf32, #tpu.memory_space<vmem>>
          %dma_wait3A_344 = tpu.memref_squeeze %dma_wait3A_343 : memref<1x128x8xf32, #tpu.memory_space<vmem>> -> memref<128x8xf32, #tpu.memory_space<vmem>>
          %dma_wait3A_345 = arith.constant 0 : i32
          %dma_wait3A_346 = arith.constant 0 : i32
          %dma_wait3A_347 = tpu.memref_slice %arg5[%dma_wait3A_345, %dma_wait3A_346] : memref<640x8xf32, #tpu.memory_space<hbm>> -> memref<128x8xf32, #tpu.memory_space<hbm>>
          tpu.wait_dma2 semaphore(%arg26 : memref<!tpu.dma_semaphore, #tpu.memory_space<semaphore_mem>>) src(%dma_wait3A_347 : memref<128x8xf32, #tpu.memory_space<hbm>>) dst(%dma_wait3A_344 : memref<128x8xf32, #tpu.memory_space<vmem>>)
          %sub3A_348 = arith.constant 1 : i32
          %sub3A_349 = arith.subi %add3A_300, %sub3A_348 : i32
          %add3A_350 = arith.constant 8 : i32
          %add3A_351 = arith.addi %sub3A_349, %add3A_350 : i32
          %dma_start3A_352 = arith.constant 6 : i32
          %dma_start3A_353 = arith.constant 0 : i32
          %dma_start3A_354 = arith.constant 0 : i32
          %dma_start3A_355 = tpu.memref_slice %arg9[%dma_start3A_352, %dma_start3A_353, %dma_start3A_354] : memref<8x128x8xf32, #tpu.memory_space<vmem>> -> memref<1x128x8xf32, #tpu.memory_space<vmem>>
          %dma_start3A_356 = tpu.memref_squeeze %dma_start3A_355 : memref<1x128x8xf32, #tpu.memory_space<vmem>> -> memref<128x8xf32, #tpu.memory_space<vmem>>
          %dma_start3A_357 = arith.constant 0 : i32
          %dma_start3A_358 = tpu.memref_slice %arg7[%add3A_351, %dma_start3A_357] : memref<79x128xi32, #tpu.memory_space<vmem>> -> memref<1x128xi32, #tpu.memory_space<vmem>>
          %dma_start3A_359 = tpu.memref_squeeze %dma_start3A_358 : memref<1x128xi32, #tpu.memory_space<vmem>> -> memref<128xi32, #tpu.memory_space<vmem>>
          %dma_start3A_360 = arith.constant 0 : i32
          %dma_start3A_361 = arith.constant 0 : i32
          %dma_start3A_362 = tpu.memref_slice %arg10[%dma_start3A_360, %dma_start3A_361] : memref<5120x8xf32, #tpu.memory_space<vmem_shared>> -> memref<5120x8xf32, #tpu.memory_space<vmem_shared>>
          tpu.enqueue_indirect_dma source(%dma_start3A_362 : memref<5120x8xf32, #tpu.memory_space<vmem_shared>>) target(%dma_start3A_356 : memref<128x8xf32, #tpu.memory_space<vmem>>) offsets(%dma_start3A_359 : memref<128xi32, #tpu.memory_space<vmem>>) semaphore(%arg18 : memref<!tpu.dma_semaphore, #tpu.memory_space<semaphore_mem>>)
        } else {
        }
      } else {
      }
    }
    %scan3A_115 = arith.constant 10 : i32
    %dma_wait3A = arith.constant 0 : i32
    %dma_wait3A_116 = arith.constant 0 : i32
    %dma_wait3A_117 = arith.constant 0 : i32
    %dma_wait3A_118 = tpu.memref_slice %arg9[%dma_wait3A, %dma_wait3A_116, %dma_wait3A_117] : memref<8x128x8xf32, #tpu.memory_space<vmem>> -> memref<1x128x8xf32, #tpu.memory_space<vmem>>
    %dma_wait3A_119 = tpu.memref_squeeze %dma_wait3A_118 : memref<1x128x8xf32, #tpu.memory_space<vmem>> -> memref<128x8xf32, #tpu.memory_space<vmem>>
    %dma_wait3A_120 = arith.constant 0 : i32
    %dma_wait3A_121 = arith.constant 0 : i32
    %dma_wait3A_122 = tpu.memref_slice %arg5[%dma_wait3A_120, %dma_wait3A_121] : memref<640x8xf32, #tpu.memory_space<hbm>> -> memref<128x8xf32, #tpu.memory_space<hbm>>
    %dma_wait3A_123 = arith.constant 0 : i32
    %dma_wait3A_124 = arith.constant 0 : i32
    %dma_wait3A_125 = tpu.memref_slice %arg9[%dma_wait3A, %dma_wait3A_123, %dma_wait3A_124] : memref<8x128x8xf32, #tpu.memory_space<vmem>> -> memref<1x128x8xf32, #tpu.memory_space<vmem>>
    %dma_wait3A_126 = tpu.memref_squeeze %dma_wait3A_125 : memref<1x128x8xf32, #tpu.memory_space<vmem>> -> memref<128x8xf32, #tpu.memory_space<vmem>>
    %dma_wait3A_127 = arith.constant 0 : i32
    %dma_wait3A_128 = arith.constant 0 : i32
    %dma_wait3A_129 = tpu.memref_slice %arg5[%dma_wait3A_127, %dma_wait3A_128] : memref<640x8xf32, #tpu.memory_space<hbm>> -> memref<128x8xf32, #tpu.memory_space<hbm>>
    tpu.wait_dma2 semaphore(%arg20 : memref<!tpu.dma_semaphore, #tpu.memory_space<semaphore_mem>>) src(%dma_wait3A_129 : memref<128x8xf32, #tpu.memory_space<hbm>>) dst(%dma_wait3A_126 : memref<128x8xf32, #tpu.memory_space<vmem>>)
    %dma_wait3A_130 = arith.constant 1 : i32
    %dma_wait3A_131 = arith.constant 0 : i32
    %dma_wait3A_132 = arith.constant 0 : i32
    %dma_wait3A_133 = tpu.memref_slice %arg9[%dma_wait3A_130, %dma_wait3A_131, %dma_wait3A_132] : memref<8x128x8xf32, #tpu.memory_space<vmem>> -> memref<1x128x8xf32, #tpu.memory_space<vmem>>
    %dma_wait3A_134 = tpu.memref_squeeze %dma_wait3A_133 : memref<1x128x8xf32, #tpu.memory_space<vmem>> -> memref<128x8xf32, #tpu.memory_space<vmem>>
    %dma_wait3A_135 = arith.constant 0 : i32
    %dma_wait3A_136 = arith.constant 0 : i32
    %dma_wait3A_137 = tpu.memref_slice %arg5[%dma_wait3A_135, %dma_wait3A_136] : memref<640x8xf32, #tpu.memory_space<hbm>> -> memref<128x8xf32, #tpu.memory_space<hbm>>
    %dma_wait3A_138 = arith.constant 0 : i32
    %dma_wait3A_139 = arith.constant 0 : i32
    %dma_wait3A_140 = tpu.memref_slice %arg9[%dma_wait3A_130, %dma_wait3A_138, %dma_wait3A_139] : memref<8x128x8xf32, #tpu.memory_space<vmem>> -> memref<1x128x8xf32, #tpu.memory_space<vmem>>
    %dma_wait3A_141 = tpu.memref_squeeze %dma_wait3A_140 : memref<1x128x8xf32, #tpu.memory_space<vmem>> -> memref<128x8xf32, #tpu.memory_space<vmem>>
    %dma_wait3A_142 = arith.constant 0 : i32
    %dma_wait3A_143 = arith.constant 0 : i32
    %dma_wait3A_144 = tpu.memref_slice %arg5[%dma_wait3A_142, %dma_wait3A_143] : memref<640x8xf32, #tpu.memory_space<hbm>> -> memref<128x8xf32, #tpu.memory_space<hbm>>
    tpu.wait_dma2 semaphore(%arg21 : memref<!tpu.dma_semaphore, #tpu.memory_space<semaphore_mem>>) src(%dma_wait3A_144 : memref<128x8xf32, #tpu.memory_space<hbm>>) dst(%dma_wait3A_141 : memref<128x8xf32, #tpu.memory_space<vmem>>)
    %dma_wait3A_145 = arith.constant 2 : i32
    %dma_wait3A_146 = arith.constant 0 : i32
    %dma_wait3A_147 = arith.constant 0 : i32
    %dma_wait3A_148 = tpu.memref_slice %arg9[%dma_wait3A_145, %dma_wait3A_146, %dma_wait3A_147] : memref<8x128x8xf32, #tpu.memory_space<vmem>> -> memref<1x128x8xf32, #tpu.memory_space<vmem>>
    %dma_wait3A_149 = tpu.memref_squeeze %dma_wait3A_148 : memref<1x128x8xf32, #tpu.memory_space<vmem>> -> memref<128x8xf32, #tpu.memory_space<vmem>>
    %dma_wait3A_150 = arith.constant 0 : i32
    %dma_wait3A_151 = arith.constant 0 : i32
    %dma_wait3A_152 = tpu.memref_slice %arg5[%dma_wait3A_150, %dma_wait3A_151] : memref<640x8xf32, #tpu.memory_space<hbm>> -> memref<128x8xf32, #tpu.memory_space<hbm>>
    %dma_wait3A_153 = arith.constant 0 : i32
    %dma_wait3A_154 = arith.constant 0 : i32
    %dma_wait3A_155 = tpu.memref_slice %arg9[%dma_wait3A_145, %dma_wait3A_153, %dma_wait3A_154] : memref<8x128x8xf32, #tpu.memory_space<vmem>> -> memref<1x128x8xf32, #tpu.memory_space<vmem>>
    %dma_wait3A_156 = tpu.memref_squeeze %dma_wait3A_155 : memref<1x128x8xf32, #tpu.memory_space<vmem>> -> memref<128x8xf32, #tpu.memory_space<vmem>>
    %dma_wait3A_157 = arith.constant 0 : i32
    %dma_wait3A_158 = arith.constant 0 : i32
    %dma_wait3A_159 = tpu.memref_slice %arg5[%dma_wait3A_157, %dma_wait3A_158] : memref<640x8xf32, #tpu.memory_space<hbm>> -> memref<128x8xf32, #tpu.memory_space<hbm>>
    tpu.wait_dma2 semaphore(%arg22 : memref<!tpu.dma_semaphore, #tpu.memory_space<semaphore_mem>>) src(%dma_wait3A_159 : memref<128x8xf32, #tpu.memory_space<hbm>>) dst(%dma_wait3A_156 : memref<128x8xf32, #tpu.memory_space<vmem>>)
    %dma_wait3A_160 = arith.constant 3 : i32
    %dma_wait3A_161 = arith.constant 0 : i32
    %dma_wait3A_162 = arith.constant 0 : i32
    %dma_wait3A_163 = tpu.memref_slice %arg9[%dma_wait3A_160, %dma_wait3A_161, %dma_wait3A_162] : memref<8x128x8xf32, #tpu.memory_space<vmem>> -> memref<1x128x8xf32, #tpu.memory_space<vmem>>
    %dma_wait3A_164 = tpu.memref_squeeze %dma_wait3A_163 : memref<1x128x8xf32, #tpu.memory_space<vmem>> -> memref<128x8xf32, #tpu.memory_space<vmem>>
    %dma_wait3A_165 = arith.constant 0 : i32
    %dma_wait3A_166 = arith.constant 0 : i32
    %dma_wait3A_167 = tpu.memref_slice %arg5[%dma_wait3A_165, %dma_wait3A_166] : memref<640x8xf32, #tpu.memory_space<hbm>> -> memref<128x8xf32, #tpu.memory_space<hbm>>
    %dma_wait3A_168 = arith.constant 0 : i32
    %dma_wait3A_169 = arith.constant 0 : i32
    %dma_wait3A_170 = tpu.memref_slice %arg9[%dma_wait3A_160, %dma_wait3A_168, %dma_wait3A_169] : memref<8x128x8xf32, #tpu.memory_space<vmem>> -> memref<1x128x8xf32, #tpu.memory_space<vmem>>
    %dma_wait3A_171 = tpu.memref_squeeze %dma_wait3A_170 : memref<1x128x8xf32, #tpu.memory_space<vmem>> -> memref<128x8xf32, #tpu.memory_space<vmem>>
    %dma_wait3A_172 = arith.constant 0 : i32
    %dma_wait3A_173 = arith.constant 0 : i32
    %dma_wait3A_174 = tpu.memref_slice %arg5[%dma_wait3A_172, %dma_wait3A_173] : memref<640x8xf32, #tpu.memory_space<hbm>> -> memref<128x8xf32, #tpu.memory_space<hbm>>
    tpu.wait_dma2 semaphore(%arg23 : memref<!tpu.dma_semaphore, #tpu.memory_space<semaphore_mem>>) src(%dma_wait3A_174 : memref<128x8xf32, #tpu.memory_space<hbm>>) dst(%dma_wait3A_171 : memref<128x8xf32, #tpu.memory_space<vmem>>)
    %dma_wait3A_175 = arith.constant 4 : i32
    %dma_wait3A_176 = arith.constant 0 : i32
    %dma_wait3A_177 = arith.constant 0 : i32
    %dma_wait3A_178 = tpu.memref_slice %arg9[%dma_wait3A_175, %dma_wait3A_176, %dma_wait3A_177] : memref<8x128x8xf32, #tpu.memory_space<vmem>> -> memref<1x128x8xf32, #tpu.memory_space<vmem>>
    %dma_wait3A_179 = tpu.memref_squeeze %dma_wait3A_178 : memref<1x128x8xf32, #tpu.memory_space<vmem>> -> memref<128x8xf32, #tpu.memory_space<vmem>>
    %dma_wait3A_180 = arith.constant 0 : i32
    %dma_wait3A_181 = arith.constant 0 : i32
    %dma_wait3A_182 = tpu.memref_slice %arg5[%dma_wait3A_180, %dma_wait3A_181] : memref<640x8xf32, #tpu.memory_space<hbm>> -> memref<128x8xf32, #tpu.memory_space<hbm>>
    %dma_wait3A_183 = arith.constant 0 : i32
    %dma_wait3A_184 = arith.constant 0 : i32
    %dma_wait3A_185 = tpu.memref_slice %arg9[%dma_wait3A_175, %dma_wait3A_183, %dma_wait3A_184] : memref<8x128x8xf32, #tpu.memory_space<vmem>> -> memref<1x128x8xf32, #tpu.memory_space<vmem>>
    %dma_wait3A_186 = tpu.memref_squeeze %dma_wait3A_185 : memref<1x128x8xf32, #tpu.memory_space<vmem>> -> memref<128x8xf32, #tpu.memory_space<vmem>>
    %dma_wait3A_187 = arith.constant 0 : i32
    %dma_wait3A_188 = arith.constant 0 : i32
    %dma_wait3A_189 = tpu.memref_slice %arg5[%dma_wait3A_187, %dma_wait3A_188] : memref<640x8xf32, #tpu.memory_space<hbm>> -> memref<128x8xf32, #tpu.memory_space<hbm>>
    tpu.wait_dma2 semaphore(%arg24 : memref<!tpu.dma_semaphore, #tpu.memory_space<semaphore_mem>>) src(%dma_wait3A_189 : memref<128x8xf32, #tpu.memory_space<hbm>>) dst(%dma_wait3A_186 : memref<128x8xf32, #tpu.memory_space<vmem>>)
    %dma_wait3A_190 = arith.constant 5 : i32
    %dma_wait3A_191 = arith.constant 0 : i32
    %dma_wait3A_192 = arith.constant 0 : i32
    %dma_wait3A_193 = tpu.memref_slice %arg9[%dma_wait3A_190, %dma_wait3A_191, %dma_wait3A_192] : memref<8x128x8xf32, #tpu.memory_space<vmem>> -> memref<1x128x8xf32, #tpu.memory_space<vmem>>
    %dma_wait3A_194 = tpu.memref_squeeze %dma_wait3A_193 : memref<1x128x8xf32, #tpu.memory_space<vmem>> -> memref<128x8xf32, #tpu.memory_space<vmem>>
    %dma_wait3A_195 = arith.constant 0 : i32
    %dma_wait3A_196 = arith.constant 0 : i32
    %dma_wait3A_197 = tpu.memref_slice %arg5[%dma_wait3A_195, %dma_wait3A_196] : memref<640x8xf32, #tpu.memory_space<hbm>> -> memref<128x8xf32, #tpu.memory_space<hbm>>
    %dma_wait3A_198 = arith.constant 0 : i32
    %dma_wait3A_199 = arith.constant 0 : i32
    %dma_wait3A_200 = tpu.memref_slice %arg9[%dma_wait3A_190, %dma_wait3A_198, %dma_wait3A_199] : memref<8x128x8xf32, #tpu.memory_space<vmem>> -> memref<1x128x8xf32, #tpu.memory_space<vmem>>
    %dma_wait3A_201 = tpu.memref_squeeze %dma_wait3A_200 : memref<1x128x8xf32, #tpu.memory_space<vmem>> -> memref<128x8xf32, #tpu.memory_space<vmem>>
    %dma_wait3A_202 = arith.constant 0 : i32
    %dma_wait3A_203 = arith.constant 0 : i32
    %dma_wait3A_204 = tpu.memref_slice %arg5[%dma_wait3A_202, %dma_wait3A_203] : memref<640x8xf32, #tpu.memory_space<hbm>> -> memref<128x8xf32, #tpu.memory_space<hbm>>
    tpu.wait_dma2 semaphore(%arg25 : memref<!tpu.dma_semaphore, #tpu.memory_space<semaphore_mem>>) src(%dma_wait3A_204 : memref<128x8xf32, #tpu.memory_space<hbm>>) dst(%dma_wait3A_201 : memref<128x8xf32, #tpu.memory_space<vmem>>)
    %dma_wait3A_205 = arith.constant 6 : i32
    %dma_wait3A_206 = arith.constant 0 : i32
    %dma_wait3A_207 = arith.constant 0 : i32
    %dma_wait3A_208 = tpu.memref_slice %arg9[%dma_wait3A_205, %dma_wait3A_206, %dma_wait3A_207] : memref<8x128x8xf32, #tpu.memory_space<vmem>> -> memref<1x128x8xf32, #tpu.memory_space<vmem>>
    %dma_wait3A_209 = tpu.memref_squeeze %dma_wait3A_208 : memref<1x128x8xf32, #tpu.memory_space<vmem>> -> memref<128x8xf32, #tpu.memory_space<vmem>>
    %dma_wait3A_210 = arith.constant 0 : i32
    %dma_wait3A_211 = arith.constant 0 : i32
    %dma_wait3A_212 = tpu.memref_slice %arg5[%dma_wait3A_210, %dma_wait3A_211] : memref<640x8xf32, #tpu.memory_space<hbm>> -> memref<128x8xf32, #tpu.memory_space<hbm>>
    %dma_wait3A_213 = arith.constant 0 : i32
    %dma_wait3A_214 = arith.constant 0 : i32
    %dma_wait3A_215 = tpu.memref_slice %arg9[%dma_wait3A_205, %dma_wait3A_213, %dma_wait3A_214] : memref<8x128x8xf32, #tpu.memory_space<vmem>> -> memref<1x128x8xf32, #tpu.memory_space<vmem>>
    %dma_wait3A_216 = tpu.memref_squeeze %dma_wait3A_215 : memref<1x128x8xf32, #tpu.memory_space<vmem>> -> memref<128x8xf32, #tpu.memory_space<vmem>>
    %dma_wait3A_217 = arith.constant 0 : i32
    %dma_wait3A_218 = arith.constant 0 : i32
    %dma_wait3A_219 = tpu.memref_slice %arg5[%dma_wait3A_217, %dma_wait3A_218] : memref<640x8xf32, #tpu.memory_space<hbm>> -> memref<128x8xf32, #tpu.memory_space<hbm>>
    tpu.wait_dma2 semaphore(%arg26 : memref<!tpu.dma_semaphore, #tpu.memory_space<semaphore_mem>>) src(%dma_wait3A_219 : memref<128x8xf32, #tpu.memory_space<hbm>>) dst(%dma_wait3A_216 : memref<128x8xf32, #tpu.memory_space<vmem>>)
    %dma_wait3A_220 = arith.constant 7 : i32
    %dma_wait3A_221 = arith.constant 0 : i32
    %dma_wait3A_222 = arith.constant 0 : i32
    %dma_wait3A_223 = tpu.memref_slice %arg9[%dma_wait3A_220, %dma_wait3A_221, %dma_wait3A_222] : memref<8x128x8xf32, #tpu.memory_space<vmem>> -> memref<1x128x8xf32, #tpu.memory_space<vmem>>
    %dma_wait3A_224 = tpu.memref_squeeze %dma_wait3A_223 : memref<1x128x8xf32, #tpu.memory_space<vmem>> -> memref<128x8xf32, #tpu.memory_space<vmem>>
    %dma_wait3A_225 = arith.constant 0 : i32
    %dma_wait3A_226 = arith.constant 0 : i32
    %dma_wait3A_227 = tpu.memref_slice %arg5[%dma_wait3A_225, %dma_wait3A_226] : memref<640x8xf32, #tpu.memory_space<hbm>> -> memref<128x8xf32, #tpu.memory_space<hbm>>
    %dma_wait3A_228 = arith.constant 0 : i32
    %dma_wait3A_229 = arith.constant 0 : i32
    %dma_wait3A_230 = tpu.memref_slice %arg9[%dma_wait3A_220, %dma_wait3A_228, %dma_wait3A_229] : memref<8x128x8xf32, #tpu.memory_space<vmem>> -> memref<1x128x8xf32, #tpu.memory_space<vmem>>
    %dma_wait3A_231 = tpu.memref_squeeze %dma_wait3A_230 : memref<1x128x8xf32, #tpu.memory_space<vmem>> -> memref<128x8xf32, #tpu.memory_space<vmem>>
    %dma_wait3A_232 = arith.constant 0 : i32
    %dma_wait3A_233 = arith.constant 0 : i32
    %dma_wait3A_234 = tpu.memref_slice %arg5[%dma_wait3A_232, %dma_wait3A_233] : memref<640x8xf32, #tpu.memory_space<hbm>> -> memref<128x8xf32, #tpu.memory_space<hbm>>
    tpu.wait_dma2 semaphore(%arg27 : memref<!tpu.dma_semaphore, #tpu.memory_space<semaphore_mem>>) src(%dma_wait3A_234 : memref<128x8xf32, #tpu.memory_space<hbm>>) dst(%dma_wait3A_231 : memref<128x8xf32, #tpu.memory_space<vmem>>)
    %barrier3A_235 = arith.constant 0 : index
    tpu.barrier barrier_id(%barrier3A_235)
    %mul3A_236 = arith.constant 640 : i32
    %mul3A_237 = arith.muli %arg1, %mul3A_236 : i32
    %mul3A_238 = arith.constant 640 : i32
    %mul3A_239 = arith.muli %arg1, %mul3A_238 : i32
    "tpu.region"() ({
      %run_scoped3A = tpu.sem_alloc : memref<!tpu.dma_semaphore, #tpu.memory_space<semaphore_mem>>
      %dma_start3A_240 = arith.constant 0 : i32
      %dma_start3A_241 = tpu.memref_slice %arg6[%arg0, %mul3A_239, %dma_start3A_240] : memref<2x10240x8xf32, #tpu.memory_space<hbm>> -> memref<1x640x8xf32, #tpu.memory_space<hbm>>
      %dma_start3A_242 = tpu.memref_squeeze %dma_start3A_241 : memref<1x640x8xf32, #tpu.memory_space<hbm>> -> memref<640x8xf32, #tpu.memory_space<hbm>>
      %dma_start3A_243 = arith.constant 0 : i32
      %dma_start3A_244 = tpu.memref_slice %arg11[%mul3A_237, %dma_start3A_243] : memref<10240x8xf32, #tpu.memory_space<vmem_shared>> -> memref<640x8xf32, #tpu.memory_space<vmem_shared>>
      tpu.enqueue_dma source(%dma_start3A_244 : memref<640x8xf32, #tpu.memory_space<vmem_shared>>) target(%dma_start3A_242 : memref<640x8xf32, #tpu.memory_space<hbm>>) target_semaphore(%run_scoped3A : memref<!tpu.dma_semaphore, #tpu.memory_space<semaphore_mem>>)
      %dma_wait3A_245 = arith.constant 0 : i32
      %dma_wait3A_246 = tpu.memref_slice %arg6[%arg0, %mul3A_239, %dma_wait3A_245] : memref<2x10240x8xf32, #tpu.memory_space<hbm>> -> memref<1x640x8xf32, #tpu.memory_space<hbm>>
      %dma_wait3A_247 = tpu.memref_squeeze %dma_wait3A_246 : memref<1x640x8xf32, #tpu.memory_space<hbm>> -> memref<640x8xf32, #tpu.memory_space<hbm>>
      %dma_wait3A_248 = arith.constant 0 : i32
      %dma_wait3A_249 = tpu.memref_slice %arg11[%mul3A_237, %dma_wait3A_248] : memref<10240x8xf32, #tpu.memory_space<vmem_shared>> -> memref<640x8xf32, #tpu.memory_space<vmem_shared>>
      tpu.wait_dma2 semaphore(%run_scoped3A : memref<!tpu.dma_semaphore, #tpu.memory_space<semaphore_mem>>) src(%dma_wait3A_249 : memref<640x8xf32, #tpu.memory_space<vmem_shared>>) dst(%dma_wait3A_247 : memref<640x8xf32, #tpu.memory_space<hbm>>)
      tpu.yield
    }) : () -> ()
    return
  }
}

module attributes {stable_mosaic.version = 14 : i64} {
  func.func @_ka_body(%arg0: i32, %arg1: memref<2000x128xf32, #tpu.memory_space<vmem>>, %arg2: memref<128x8xf32, #tpu.memory_space<vmem>>, %arg3: memref<128x8xf32, #tpu.memory_space<vmem>>, %arg4: memref<1x8xf32, #tpu.memory_space<vmem>>, %arg5: memref<1x8xf32, #tpu.memory_space<vmem>>, %arg6: memref<2000x8xf32, #tpu.memory_space<vmem>>, %arg7: memref<2000x8xf32, #tpu.memory_space<vmem>>) attributes {dimension_semantics = [#tpu.dimension_semantics<arbitrary>], iteration_bounds = array<i64: 5>, scalar_prefetch = 0 : i64, scratch_operands = 0 : i64, tpu.core_type = #tpu.core_type<tc>, window_params = [{transform_indices = @transform_0, window_bounds = array<i64: 2000, 128>}, {pipeline_mode = #tpu.pipeline_mode<synchronous>, transform_indices = @transform_1, window_bounds = array<i64: 128, 8>}, {pipeline_mode = #tpu.pipeline_mode<synchronous>, transform_indices = @transform_2, window_bounds = array<i64: 128, 8>}, {pipeline_mode = #tpu.pipeline_mode<synchronous>, transform_indices = @transform_3, window_bounds = array<i64: 1, 8>}, {pipeline_mode = #tpu.pipeline_mode<synchronous>, transform_indices = @transform_4, window_bounds = array<i64: 1, 8>}, {transform_indices = @transform_5, window_bounds = array<i64: 2000, 8>}, {transform_indices = @transform_6, window_bounds = array<i64: 2000, 8>}]} {
    %get3A = arith.constant 0 : index
    %get3A_0 = arith.constant 0 : index
    %get3A_1 = vector.load %arg1[%get3A, %get3A_0] : memref<2000x128xf32, #tpu.memory_space<vmem>>, vector<2000x128xf32>
    %get3A_2 = arith.constant 0 : index
    %get3A_3 = arith.constant 0 : index
    %get3A_4 = vector.load %arg2[%get3A_2, %get3A_3] : memref<128x8xf32, #tpu.memory_space<vmem>>, vector<128x8xf32>
    %dot_general3A = arith.constant dense<0.000000e+00> : vector<2000x8xf32>
    %dot_general3A_5 = tpu.matmul %get3A_1, %get3A_4, %dot_general3A {dimension_numbers = #tpu.dot_dimension_numbers<[1], [0], [0], [1], [0, 0, 1, 1], [], []>, transpose_lhs_hint = false} : vector<2000x128xf32>, vector<128x8xf32>, vector<2000x8xf32> -> vector<2000x8xf32>
    %integer_pow3A = arith.mulf %dot_general3A_5, %dot_general3A_5 : vector<2000x8xf32>
    %integer_pow3A_6 = arith.mulf %dot_general3A_5, %integer_pow3A : vector<2000x8xf32>
    %mul3A = arith.constant 4.471500e-02 : f32
    %mul3A_7 = vector.broadcast %mul3A : f32 to vector<2000x8xf32>
    %mul3A_8 = arith.mulf %mul3A_7, %integer_pow3A_6 : vector<2000x8xf32>
    %add3A = arith.addf %dot_general3A_5, %mul3A_8 : vector<2000x8xf32>
    %mul3A_9 = arith.constant 0.797884583 : f32
    %mul3A_10 = vector.broadcast %mul3A_9 : f32 to vector<2000x8xf32>
    %mul3A_11 = arith.mulf %mul3A_10, %add3A : vector<2000x8xf32>
    %tanh3A = math.tanh %mul3A_11 : vector<2000x8xf32>
    %add3A_12 = arith.constant 1.000000e+00 : f32
    %add3A_13 = vector.broadcast %add3A_12 : f32 to vector<2000x8xf32>
    %add3A_14 = arith.addf %add3A_13, %tanh3A : vector<2000x8xf32>
    %mul3A_15 = arith.constant 5.000000e-01 : f32
    %mul3A_16 = vector.broadcast %mul3A_15 : f32 to vector<2000x8xf32>
    %mul3A_17 = arith.mulf %mul3A_16, %add3A_14 : vector<2000x8xf32>
    %mul3A_18 = arith.mulf %dot_general3A_5, %mul3A_17 : vector<2000x8xf32>
    %get3A_19 = arith.constant 0 : index
    %get3A_20 = arith.constant 0 : index
    %get3A_21 = vector.load %arg4[%get3A_19, %get3A_20] : memref<1x8xf32, #tpu.memory_space<vmem>>, vector<1x8xf32>
    %add3A_22 = vector.broadcast %get3A_21 : vector<1x8xf32> to vector<2000x8xf32>
    %add3A_23 = arith.addf %mul3A_18, %add3A_22 : vector<2000x8xf32>
    %swap3A = arith.constant 0 : index
    %swap3A_24 = arith.constant 0 : index
    %swap3A_25 = vector.load %arg6[%swap3A, %swap3A_24] : memref<2000x8xf32, #tpu.memory_space<vmem>>, vector<2000x8xf32>
    tpu.vector_store %arg6[%swap3A, %swap3A_24], %add3A_23 {strides = array<i32>} : memref<2000x8xf32, #tpu.memory_space<vmem>>, vector<2000x8xf32>,
    %get3A_26 = arith.constant 0 : index
    %get3A_27 = arith.constant 0 : index
    %get3A_28 = vector.load %arg3[%get3A_26, %get3A_27] : memref<128x8xf32, #tpu.memory_space<vmem>>, vector<128x8xf32>
    %dot_general3A_29 = arith.constant dense<0.000000e+00> : vector<2000x8xf32>
    %dot_general3A_30 = tpu.matmul %get3A_1, %get3A_28, %dot_general3A_29 {dimension_numbers = #tpu.dot_dimension_numbers<[1], [0], [0], [1], [0, 0, 1, 1], [], []>, transpose_lhs_hint = false} : vector<2000x128xf32>, vector<128x8xf32>, vector<2000x8xf32> -> vector<2000x8xf32>
    %get3A_31 = arith.constant 0 : index
    %get3A_32 = arith.constant 0 : index
    %get3A_33 = vector.load %arg5[%get3A_31, %get3A_32] : memref<1x8xf32, #tpu.memory_space<vmem>>, vector<1x8xf32>
    %add3A_34 = vector.broadcast %get3A_33 : vector<1x8xf32> to vector<2000x8xf32>
    %add3A_35 = arith.addf %dot_general3A_30, %add3A_34 : vector<2000x8xf32>
    %swap3A_36 = arith.constant 0 : index
    %swap3A_37 = arith.constant 0 : index
    %swap3A_38 = vector.load %arg7[%swap3A_36, %swap3A_37] : memref<2000x8xf32, #tpu.memory_space<vmem>>, vector<2000x8xf32>
    tpu.vector_store %arg7[%swap3A_36, %swap3A_37], %add3A_35 {strides = array<i32>} : memref<2000x8xf32, #tpu.memory_space<vmem>>, vector<2000x8xf32>,
    return
  }
  func.func @transform_0(%arg0: i32) -> (i32, i32) {
    %c0_i32 = arith.constant 0 : i32
    %c0_i32_0 = arith.constant 0 : i32
    return %arg0, %c0_i32 : i32, i32
  }
  func.func @transform_1(%arg0: i32) -> (i32, i32) {
    %c0_i32 = arith.constant 0 : i32
    %c0_i32_0 = arith.constant 0 : i32
    %c0_i32_1 = arith.constant 0 : i32
    return %c0_i32, %c0_i32_0 : i32, i32
  }
  func.func @transform_2(%arg0: i32) -> (i32, i32) {
    %c0_i32 = arith.constant 0 : i32
    %c0_i32_0 = arith.constant 0 : i32
    %c0_i32_1 = arith.constant 0 : i32
    return %c0_i32, %c0_i32_0 : i32, i32
  }
  func.func @transform_3(%arg0: i32) -> (i32, i32) {
    %c0_i32 = arith.constant 0 : i32
    %c0_i32_0 = arith.constant 0 : i32
    %c0_i32_1 = arith.constant 0 : i32
    return %c0_i32, %c0_i32_0 : i32, i32
  }
  func.func @transform_4(%arg0: i32) -> (i32, i32) {
    %c0_i32 = arith.constant 0 : i32
    %c0_i32_0 = arith.constant 0 : i32
    %c0_i32_1 = arith.constant 0 : i32
    return %c0_i32, %c0_i32_0 : i32, i32
  }
  func.func @transform_5(%arg0: i32) -> (i32, i32) {
    %c0_i32 = arith.constant 0 : i32
    %c0_i32_0 = arith.constant 0 : i32
    return %arg0, %c0_i32 : i32, i32
  }
  func.func @transform_6(%arg0: i32) -> (i32, i32) {
    %c0_i32 = arith.constant 0 : i32
    %c0_i32_0 = arith.constant 0 : i32
    return %arg0, %c0_i32 : i32, i32
  }
}

module attributes {stable_mosaic.version = 14 : i64} {
  func.func @_ke_body(%arg0: i32, %arg1: memref<2x640x8xf32, #tpu.memory_space<vmem>>, %arg2: memref<640x8xf32, #tpu.memory_space<vmem>>) attributes {dimension_semantics = [#tpu.dimension_semantics<arbitrary>], iteration_bounds = array<i64: 8>, scalar_prefetch = 0 : i64, scratch_operands = 0 : i64, tpu.core_type = #tpu.core_type<tc>, window_params = [{transform_indices = @transform_0, window_bounds = array<i64: 2, 640, 8>}, {transform_indices = @transform_1, window_bounds = array<i64: 640, 8>}]} {
    %get3A = arith.constant 0 : index
    %get3A_0 = arith.constant 0 : index
    %get3A_1 = arith.constant 0 : index
    %get3A_2 = vector.load %arg1[%get3A, %get3A_0, %get3A_1] : memref<2x640x8xf32, #tpu.memory_space<vmem>>, vector<1x640x8xf32>
    %get3A_3 = vector.shape_cast %get3A_2 : vector<1x640x8xf32> to vector<640x8xf32>
    %get3A_4 = arith.constant 1 : index
    %get3A_5 = arith.constant 0 : index
    %get3A_6 = arith.constant 0 : index
    %get3A_7 = vector.load %arg1[%get3A_4, %get3A_5, %get3A_6] : memref<2x640x8xf32, #tpu.memory_space<vmem>>, vector<1x640x8xf32>
    %get3A_8 = vector.shape_cast %get3A_7 : vector<1x640x8xf32> to vector<640x8xf32>
    %add3A = arith.addf %get3A_3, %get3A_8 : vector<640x8xf32>
    %slice3A = vector.extract_strided_slice %add3A {offsets = [0, 4], sizes = [640, 1], strides = [1, 1]} : vector<640x8xf32> to vector<640x1xf32>
    %max3A = arith.constant 1.000000e+00 : f32
    %max3A_9 = vector.broadcast %max3A : f32 to vector<640x1xf32>
    %max3A_10 = arith.maximumf %slice3A, %max3A_9 : vector<640x1xf32>
    %div3A = vector.broadcast %max3A_10 : vector<640x1xf32> to vector<640x8xf32>
    %div3A_11 = arith.divf %add3A, %div3A : vector<640x8xf32>
    %swap3A = arith.constant 0 : index
    %swap3A_12 = arith.constant 0 : index
    %swap3A_13 = vector.load %arg2[%swap3A, %swap3A_12] : memref<640x8xf32, #tpu.memory_space<vmem>>, vector<640x8xf32>
    tpu.vector_store %arg2[%swap3A, %swap3A_12], %div3A_11 {strides = array<i32>} : memref<640x8xf32, #tpu.memory_space<vmem>>, vector<640x8xf32>,
    return
  }
  func.func @transform_0(%arg0: i32) -> (i32, i32, i32) {
    %c0_i32 = arith.constant 0 : i32
    %c0_i32_0 = arith.constant 0 : i32
    %c0_i32_1 = arith.constant 0 : i32
    return %c0_i32, %arg0, %c0_i32_0 : i32, i32, i32
  }
  func.func @transform_1(%arg0: i32) -> (i32, i32) {
    %c0_i32 = arith.constant 0 : i32
    %c0_i32_0 = arith.constant 0 : i32
    return %arg0, %c0_i32 : i32, i32
  }
}

module attributes {stable_mosaic.version = 14 : i64} {
  func.func @_kb_body(%arg0: i32, %arg1: memref<2x1000x8xf32, #tpu.memory_space<vmem>>, %arg2: memref<1000x8xf32, #tpu.memory_space<vmem>>, %arg3: memref<1000x4xf32, #tpu.memory_space<vmem>>) attributes {dimension_semantics = [#tpu.dimension_semantics<arbitrary>], iteration_bounds = array<i64: 10>, scalar_prefetch = 0 : i64, scratch_operands = 0 : i64, tpu.core_type = #tpu.core_type<tc>, window_params = [{transform_indices = @transform_0, window_bounds = array<i64: 2, 1000, 8>}, {transform_indices = @transform_1, window_bounds = array<i64: 1000, 8>}, {transform_indices = @transform_2, window_bounds = array<i64: 1000, 4>}]} {
    %get3A = arith.constant 0 : index
    %get3A_0 = arith.constant 0 : index
    %get3A_1 = arith.constant 0 : index
    %get3A_2 = vector.load %arg1[%get3A, %get3A_0, %get3A_1] : memref<2x1000x8xf32, #tpu.memory_space<vmem>>, vector<1x1000x8xf32>
    %get3A_3 = vector.shape_cast %get3A_2 : vector<1x1000x8xf32> to vector<1000x8xf32>
    %get3A_4 = arith.constant 1 : index
    %get3A_5 = arith.constant 0 : index
    %get3A_6 = arith.constant 0 : index
    %get3A_7 = vector.load %arg1[%get3A_4, %get3A_5, %get3A_6] : memref<2x1000x8xf32, #tpu.memory_space<vmem>>, vector<1x1000x8xf32>
    %get3A_8 = vector.shape_cast %get3A_7 : vector<1x1000x8xf32> to vector<1000x8xf32>
    %add3A = arith.addf %get3A_3, %get3A_8 : vector<1000x8xf32>
    %slice3A = vector.extract_strided_slice %add3A {offsets = [0, 4], sizes = [1000, 1], strides = [1, 1]} : vector<1000x8xf32> to vector<1000x1xf32>
    %max3A = arith.constant 1.000000e+00 : f32
    %max3A_9 = vector.broadcast %max3A : f32 to vector<1000x1xf32>
    %max3A_10 = arith.maximumf %slice3A, %max3A_9 : vector<1000x1xf32>
    %slice3A_11 = vector.extract_strided_slice %add3A {offsets = [0, 0], sizes = [1000, 4], strides = [1, 1]} : vector<1000x8xf32> to vector<1000x4xf32>
    %div3A = vector.broadcast %max3A_10 : vector<1000x1xf32> to vector<1000x4xf32>
    %div3A_12 = arith.divf %slice3A_11, %div3A : vector<1000x4xf32>
    %get3A_13 = arith.constant 0 : index
    %get3A_14 = arith.constant 0 : index
    %get3A_15 = vector.load %arg2[%get3A_13, %get3A_14] : memref<1000x8xf32, #tpu.memory_space<vmem>>, vector<1000x4xf32>
    %add3A_16 = arith.addf %get3A_15, %div3A_12 : vector<1000x4xf32>
    %integer_pow3A = arith.mulf %add3A_16, %add3A_16 : vector<1000x4xf32>
    %integer_pow3A_17 = arith.mulf %add3A_16, %integer_pow3A : vector<1000x4xf32>
    %mul3A = arith.constant 4.471500e-02 : f32
    %mul3A_18 = vector.broadcast %mul3A : f32 to vector<1000x4xf32>
    %mul3A_19 = arith.mulf %mul3A_18, %integer_pow3A_17 : vector<1000x4xf32>
    %add3A_20 = arith.addf %add3A_16, %mul3A_19 : vector<1000x4xf32>
    %mul3A_21 = arith.constant 0.797884583 : f32
    %mul3A_22 = vector.broadcast %mul3A_21 : f32 to vector<1000x4xf32>
    %mul3A_23 = arith.mulf %mul3A_22, %add3A_20 : vector<1000x4xf32>
    %tanh3A = math.tanh %mul3A_23 : vector<1000x4xf32>
    %add3A_24 = arith.constant 1.000000e+00 : f32
    %add3A_25 = vector.broadcast %add3A_24 : f32 to vector<1000x4xf32>
    %add3A_26 = arith.addf %add3A_25, %tanh3A : vector<1000x4xf32>
    %mul3A_27 = arith.constant 5.000000e-01 : f32
    %mul3A_28 = vector.broadcast %mul3A_27 : f32 to vector<1000x4xf32>
    %mul3A_29 = arith.mulf %mul3A_28, %add3A_26 : vector<1000x4xf32>
    %mul3A_30 = arith.mulf %add3A_16, %mul3A_29 : vector<1000x4xf32>
    %reduce_max3A = arith.constant dense<0xFF800000> : vector<1000xf32>
    %reduce_max3A_31 = vector.multi_reduction <maximumf>, %mul3A_30, %reduce_max3A [1] : vector<1000x4xf32> to vector<1000xf32>
    %broadcast_in_dim3A = vector.shape_cast %reduce_max3A_31 : vector<1000xf32> to vector<1000x1xf32>
    %sub3A = vector.broadcast %broadcast_in_dim3A : vector<1000x1xf32> to vector<1000x4xf32>
    %sub3A_32 = arith.subf %mul3A_30, %sub3A : vector<1000x4xf32>
    %sub3A_33 = vector.broadcast %broadcast_in_dim3A : vector<1000x1xf32> to vector<1000x4xf32>
    %sub3A_34 = arith.subf %mul3A_30, %sub3A_33 : vector<1000x4xf32>
    %exp3A = math.exp %sub3A_34 : vector<1000x4xf32>
    %reduce_sum3A = arith.constant dense<0.000000e+00> : vector<1000xf32>
    %reduce_sum3A_35 = vector.multi_reduction <add>, %exp3A, %reduce_sum3A [1] : vector<1000x4xf32> to vector<1000xf32>
    %broadcast_in_dim3A_36 = vector.shape_cast %reduce_sum3A_35 : vector<1000xf32> to vector<1000x1xf32>
    %log3A = math.log %broadcast_in_dim3A_36 : vector<1000x1xf32>
    %sub3A_37 = vector.broadcast %log3A : vector<1000x1xf32> to vector<1000x4xf32>
    %sub3A_38 = arith.subf %sub3A_32, %sub3A_37 : vector<1000x4xf32>
    %swap3A = arith.constant 0 : index
    %swap3A_39 = arith.constant 0 : index
    %swap3A_40 = vector.load %arg3[%swap3A, %swap3A_39] : memref<1000x4xf32, #tpu.memory_space<vmem>>, vector<1000x4xf32>
    tpu.vector_store %arg3[%swap3A, %swap3A_39], %sub3A_38 {strides = array<i32>} : memref<1000x4xf32, #tpu.memory_space<vmem>>, vector<1000x4xf32>,
    return
  }
  func.func @transform_0(%arg0: i32) -> (i32, i32, i32) {
    %c0_i32 = arith.constant 0 : i32
    %c0_i32_0 = arith.constant 0 : i32
    %c0_i32_1 = arith.constant 0 : i32
    return %c0_i32, %arg0, %c0_i32_0 : i32, i32, i32
  }
  func.func @transform_1(%arg0: i32) -> (i32, i32) {
    %c0_i32 = arith.constant 0 : i32
    %c0_i32_0 = arith.constant 0 : i32
    return %arg0, %c0_i32 : i32, i32
  }
  func.func @transform_2(%arg0: i32) -> (i32, i32) {
    %c0_i32 = arith.constant 0 : i32
    %c0_i32_0 = arith.constant 0 : i32
    return %arg0, %c0_i32 : i32, i32
  }
}

</mosaic_0001>

<sc_bundles>
// kernel: kernel.10.cloned.1.call-start
scs
__scs_entry_jumppad:
0x0: {  	(pc) =	sbr.rel $0x88, $3  }
0x1: {  	(tag) =	ssettag $0x0;
	lr =	simm.s32 $0x1  }
0x2: {  	[smem:$0x3F9B] =	sst lr;
	_ =	strace $0xD0000000  }
0x3: {  	_ = 	snop  }
0x4: {  	_ = 	snop  }
0x5: {  	_ = 	snop  }
0x6: {  	_ = 	snop  }
0x7: {  	_ = 	snop  }
__scs_overlays_trampoline_lowered:
0x8: {  	[smem:$0x3FAA] =	sst s0  }
0x9: {  	[smem:$0x3FAB] =	sst s1  }
0xa: {  	[smem:$0x3FAC] =	sst s2  }
0xb: {  	[smem:$0x3FAD] =	sst s3  }
0xc: {  	[smem:$0x3FAE] =	sst s4  }
0xd: {  	[smem:$0x3FAF] =	sst s5  }
0xe: {  	[smem:$0x3FB0] =	sst s6  }
0xf: {  	[smem:$0x3FB1] =	sst s7  }
0x10: {  	[smem:$0x3FB2] =	sst s8  }
0x11: {  	[smem:$0x3FB3] =	sst s9;
	s0 =	simm.s32 @!p0 $0x0  }
0x12: {  	s1 =	sld [smem:$0x3F99];
	s0 =	simm.s32 @p0 $0x1  }
0x13: {  	[smem:$0x3FB4] =	sst s0;
	s0 =	simm.s32 @!p1 $0x0  }
0x14: {  	s2 =	sld [smem:$0x3F98];
	s0 =	simm.s32 @p1 $0x1  }
0x15: {  	[smem:$0x3FB5] =	sst s0;
	s0 =	simm.s32 @!p2 $0x0  }
0x16: {  	s3 =	sld [smem:$0x3FDB];
	s0 =	simm.s32 @p2 $0x1  }
0x17: {  	s4 =	simm.s32 $0x1BF5;
	[smem:$0x3FB7] =	sst s0  }
0x18: {  	s0 =	sld [smem:$0x3F9A];
	_ =	swait.ge [sflag:s4], $0x0  }
0x19: {  	s7 =	sld [smem:$0x3F9B]  }
0x1a: {  	s8 =	sadd.s32 $0xFFFFE003, lr  }
0x1b: {  	s9 =	sadd.s32 $0xFFFFFEF7, lr;
	s5 =	simm.s32 $0xFFFFFFFF;
	p2 =	slt.u32 s8, $0xFFFFF086  }
0x1c: {  	p1 =	slt.u32 s9, $0xF7A;
	s5 =	simm.s32 @!p2 $0x0  }
0x1d: {  	s5 =	simm.s32 @p1 $0x1;
	p0 =	seq.s32 s7, s2  }
0x1e: {  	s7 =	smul.u32 @!p0 $0xF7A, s2;
	p2 =	seq.s32 @!p0 s5, $0x0  }
0x1f: {  	s9 =	smul.u32 $0xF7A, s1;
	s8 =	simm.s32 @!p0 $0x1BF5;
	p2 =	por !p2, p0  }
0x20: {  	[sflag:s8] =	ssyncset.s32 @!p0 $0xFFFFF086;
	s6 =	sadd.s32 @!p0 s3, s7;
	s7 =	simm.s32 @!p0 $0x108  }
0x21: {  	s3 =	sadd.s32 s3, s9;
	s6 =	sadd.s32 @!p0 $0x88, s6;
	s7 =	simm.s32 @p2 $0x1082  }
0x22: {  	[simem:s7], [sflag:s8] =	dma.local @!p0 [hbm:s6], $0xF7A  }
0x23: {  	s9 =	sor.u32 $0xD0000000, s2;
	s6 =	simm.s32 $0x108;
	_ =	swait.ge @!p0 [sflag:s8], $0x0  }
0x24: {  	s3 =	sadd.s32 $0x88, s3;
	s6 =	simm.s32 @!p1 $0x1082;
	[sflag:s4] =	ssyncset.s32 $0xFFFFF086  }
0x25: {  	[simem:s6], [sflag:s4] =	dma.local [hbm:s3], $0xF7A  }
0x26: {  	[smem:$0x3F9B] =	sst s1;
	(tag) =	ssettag s2;
	_ =	strace s9  }
0x27: {  	s1 =	sld [smem:$0x3FAB]  }
0x28: {  	s2 =	sld [smem:$0x3FAC]  }
0x29: {  	s4 =	sld [smem:$0x3FAE]  }
0x2a: {  	p0 =	seq.s32 s5, $0x0;
	s5 =	sld [smem:$0x3FAF]  }
0x2b: {  	s6 =	sld [smem:$0x3FB0]  }
0x2c: {  	s7 =	sld [smem:$0x3FB1]  }
0x2d: {  	s3 =	simm.s32 $0x108;
	s8 =	sld [smem:$0x3FB2]  }
0x2e: {  	s3 =	simm.s32 @!p0 $0x1082;
	s9 =	sld [smem:$0x3FB3]  }
0x2f: {  	lr =	sadd.s32 s0, s3;
	s0 =	sld [smem:$0x3FAA]  }
0x30: {  	s3 =	sld [smem:$0x3FAD]  }
0x31: {  	[smem:$0x3FB6] =	sst s10  }
0x32: {  	s10 =	sld [smem:$0x3FB4];
	_ =	sdelay $0x3  }
0x33: {  	p0 =	seq.s32 s10, $0x1;
	s10 =	sld [smem:$0x3FB6];
	_ =	sdelay $0x3  }
0x34: {  	[smem:$0x3FB6] =	sst s10  }
0x35: {  	s10 =	sld [smem:$0x3FB5];
	_ =	sdelay $0x3  }
0x36: {  	p1 =	seq.s32 s10, $0x1;
	s10 =	sld [smem:$0x3FB6];
	_ =	sdelay $0x3  }
0x37: {  	[smem:$0x3FB6] =	sst s10  }
0x38: {  	s10 =	sld [smem:$0x3FB7]  }
0x39: {  	_ = 	snop;
	(pc) =	sbr.ind lr, $3  }
0x3a: {  	_ = 	snop  }
0x3b: {  	_ = 	snop  }
0x3c: {  	p2 =	seq.s32 s10, $0x1;
	s10 =	sld [smem:$0x3FB6]  }
0x3d: {  	_ =	shalt  }
0x3e: {  	_ =	shalt  }
0x3f: {  	_ =	shalt  }
0x40: {  	_ =	shalt  }
0x41: {  	_ =	shalt  }
0x42: {  	_ =	shalt  }
0x43: {  	_ =	shalt  }
0x44: {  	_ =	shalt  }
0x45: {  	_ =	shalt  }
0x46: {  	_ =	shalt  }
0x47: {  	_ =	shalt  }
0x48: {  	_ =	shalt  }
0x49: {  	_ =	shalt  }
0x4a: {  	_ =	shalt  }
0x4b: {  	_ =	shalt  }
0x4c: {  	_ =	shalt  }
0x4d: {  	_ =	shalt  }
0x4e: {  	_ =	shalt  }
0x4f: {  	_ =	shalt  }
0x50: {  	_ =	shalt  }
0x51: {  	_ =	shalt  }
0x52: {  	_ =	shalt  }
0x53: {  	_ =	shalt  }
0x54: {  	_ =	shalt  }
0x55: {  	_ =	shalt  }
0x56: {  	_ =	shalt  }
0x57: {  	_ =	shalt  }
0x58: {  	_ =	shalt  }
0x59: {  	_ =	shalt  }
0x5a: {  	_ =	shalt  }
0x5b: {  	_ =	shalt  }
0x5c: {  	_ =	shalt  }
0x5d: {  	_ =	shalt  }
0x5e: {  	_ =	shalt  }
0x5f: {  	_ =	shalt  }
0x60: {  	_ =	shalt  }
0x61: {  	_ =	shalt  }
0x62: {  	_ =	shalt  }
0x63: {  	_ =	shalt  }
0x64: {  	_ =	shalt  }
0x65: {  	_ =	shalt  }
0x66: {  	_ =	shalt  }
0x67: {  	_ =	shalt  }
0x68: {  	_ =	shalt  }
0x69: {  	_ =	shalt  }
0x6a: {  	_ =	shalt  }
0x6b: {  	_ =	shalt  }
0x6c: {  	_ =	shalt  }
0x6d: {  	_ =	shalt  }
0x6e: {  	_ =	shalt  }
0x6f: {  	_ =	shalt  }
0x70: {  	_ =	shalt  }
0x71: {  	_ =	shalt  }
0x72: {  	_ =	shalt  }
0x73: {  	_ =	shalt  }
0x74: {  	_ =	shalt  }
0x75: {  	_ =	shalt  }
0x76: {  	_ =	shalt  }
0x77: {  	_ =	shalt  }
0x78: {  	_ =	shalt  }
0x79: {  	_ =	shalt  }
0x7a: {  	_ =	shalt  }
0x7b: {  	_ =	shalt  }
0x7c: {  	_ =	shalt  }
0x7d: {  	_ =	shalt  }
0x7e: {  	_ =	shalt  }
0x7f: {  	_ =	shalt  }
0x80: {  	_ =	shalt  }
0x81: {  	_ =	shalt  }
0x82: {  	_ =	shalt  }
0x83: {  	_ =	shalt  }
0x84: {  	_ =	shalt  }
0x85: {  	_ =	shalt  }
0x86: {  	_ =	shalt  }
0x87: {  	_ =	shalt  }
.Lfunc_end0:
.L_simem_size_0:
called_computation.1_lowered:
.L_overlay_start_0:
0x88: {  	s2 =	sld [smem:$0x3FD9]  }
0x89: {  	s3 =	sld [smem:$0x3FFE];
	_ =	sdelay $0x1  }
0x8a: {  	s1 =	srdreg.scid  }
0x8b: {  	s0 =	sand.u32 $0x1, s1  }
0x8c: {  	s17 =	sshll.u32 s0, $0xA;
	s2 =	sadd.s32 s3, s2  }
0x8d: {  	s2 =	sadd.s32 s2, s17  }
0x8e: {  	[smem:$0x3FC2] =	sst s2  }
0x8f: {  	_ = 	snop  }
0x90: {  	s2 =	sld [smem:$0x3FC8]  }
0x91: {  	s18 =	sld [smem:$0x3FC7]  }
0x92: {  	s4 =	sld [smem:$0x3FD0];
	(tm) =	ssettm $0x1  }
0x93: {  	s5 =	sld [smem:$0x3FFB];
	_ =	sdelay $0x3  }
0x94: {  	_ =	strace s5  }
0x95: {  	s5 =	sld [smem:$0x3FFC];
	_ =	sdelay $0x3  }
0x96: {  	_ =	strace s5  }
0x97: {  	s5 =	sld [smem:$0x3FFD];
	_ =	sdelay $0x3  }
0x98: {  	_ =	strace s5  }
0x99: {  	_ =	strace $0x8FFFFFFF  }
0x9a: {  	s19 =	sld [smem:$0x3FDB];
	_ =	sdelay $0x1  }
0x9b: {  	s6 =	simm.s32 $_scs_section_size  }
0x9c: {  	s7 =	simm.s32 $_size__tile_overlayer_lowered;
	s8 =	simm.s32 $_tile_overlayer_lowered  }
0x9d: {  	s22 =	simm.s32 $0x1BFF;
	s21 =	sshll.u32 s8, $0x1;
	s5 =	sadd.s32 s6, s19  }
0x9e: {  	s9 =	simm.s32 $0x0;
	s20 =	sshll.u32 s7, $0x1;
	s7 =	sadd.s32 s21, s5  }
0x9f: {  	[timem:s9], [sflag:s22] =	dma.local [hbm:s7], s20  }
0xa0: {  	_ =	swait.ge [sflag:s22], s20  }
0xa1: {  	s6 =	ssub.s32 $0x0, s20;
	[sflag:s22] =	ssyncset.done $0x0  }
0xa2: {  	[sflag:s22] =	ssyncadd.s32 s6;
	_ =	sdelay $0x1  }
0xa3: {  	s23 =	simm.s32 $0x1B8B  }
0xa4: {  	_ =	swait.ge [sflag:s23], $0x1  }
0xa5: {  	[sflag:s23] =	ssyncset.done $0x0  }
0xa6: {  	s25 =	simm.s32 $0x1B8E;
	s24 =	sld [smem:$0x3FFE];
	[sflag:s23] =	ssyncadd.s32 $0xFFFFFFFF  }
0xa7: {  	s26 =	simm.s32 $execute0_lowered;
	[smem:$0x3FD2] =	sst s25  }
0xa8: {  	s7 =	sshll.u32 s26, $0x1;
	_ =	strace $0x80000049;
	[dreg:$0x1] =	wrdreg $0xFFFFFFFF  }
0xa9: {  	s28 =	simm.s32 $_size_execute0_lowered;
	s5 =	sadd.s32 s5, s7;
	[dreg:$0x0] =	wrdreg $0x0  }
0xaa: {  	s7 =	sshll.u32 s28, $0x1;
	[dreg:$0x2] =	wrdreg s5  }
0xab: {  	[dreg:$0x3] =	wrdreg s7  }
0xac: {  	[dreg:$0x4] =	wrdreg $0xC0  }
0xad: {  	_ =	task [dreg:s9], $0x5FFFF  }
0xae: {  	[dreg:$0x1] =	wrdreg $0xFFFFFFFF  }
0xaf: {  	[dreg:$0x0] =	wrdreg $0x60  }
0xb0: {  	[dreg:$0x2] =	wrdreg s24  }
0xb1: {  	[dreg:$0x3] =	wrdreg s18  }
0xb2: {  	[dreg:$0x4] =	wrdreg s2  }
0xb3: {  	[dreg:$0x5] =	wrdreg s4  }
0xb4: {  	[dreg:$0x6] =	wrdreg $0x6F000  }
0xb5: {  	[dreg:$0x7] =	wrdreg $0x79000  }
0xb6: {  	[dreg:$0x8] =	wrdreg $0x9  }
0xb7: {  	_ =	task.clear_ibuf [dreg:s9], $0x9FFFF;
	_ =	strace $0x90000049  }
0xb8: {  	s29 =	simm.s32 $0x9;
	_ =	strace $0x8000004B  }
0xb9: {  	_ =	swait.ge [sflag:s29], $0x1  }
0xba: {  	[sflag:s29] =	ssyncadd.s32 $0xFFFFFFFF  }
0xbb: {  	_ =	strace $0x9000004B  }
0xbc: {  	_ =	sfence  }
0xbd: {  	s30 =	sld [smem:$0x0];
	_ =	sdelay $0x2  }
0xbe: {  	s31 =	sshll.u32 s1, $0xD;
	s1 =	sshrl.u32 s1, $0x2  }
0xbf: {  	s3 =	sand.u32 $0x4000, s31;
	s1 =	sadd.s32 s1, s30  }
0xc0: {  	s0 =	sor.u32 s3, s0;
	s1 =	sshll.u32 s1, $0x11  }
0xc1: {  	s0 =	sor.u32 s1, s0  }
0xc2: {  	s0 =	sadd.s32 $0x8F2B, s0  }
0xc3: {  	[sflag:s0] =	ssyncadd.remote.s32 $0x1  }
0xc4: {  	_ =	sfence.sel $0xFFFF  }
0xc5: {  	[dreg:$0x0] =	wrdreg $0xFFFFFFFF;
	(pc) =	sbr.abs _section_cstart, $3  }
0xc6: {  	[dreg:$0x1] =	wrdreg $0xFFFFFFFF  }
0xc7: {  	_ =	task.clear_ibuf [dreg:s9], $0x2FFFF;
	_ =	strace $0x9FFFFFFF  }
0xc8: {  	(tm) =	ssettm $0x7FFFFFFF  }
0xc9: {  	_ =	shalt  }
tec
execute0_lowered:
.L_overlay_start_1:
0x0: {  	(tag) =	ssettag $0x1  }
0x1: {  	s0 =	rddreg [dreg:$0x0]  }
0x2: {  	s1 =	rddreg [dreg:$0x1]  }
0x3: {  	s2 =	rddreg [dreg:$0x2]  }
0x4: {  	s3 =	rddreg [dreg:$0x4]  }
0x5: {  	s4 =	rddreg [dreg:$0x5]  }
0x6: {  	s14 =	stileid.u32;
	s6 =	srdreg.scid;
	s8 =	simm.s32 $0x0  }
0x7: {  	s15 =	simm.s32 $0x11;
	s29 =	simm.s32 $0x5F00;
	s31 =	simm.s32 $0x6300  }
0x8: {  	s28 =	simm.s32 $0x3;
	s30 =	simm.s32 $0x4;
	s5 =	smul.u32 $0xA00, s14  }
0x9: {  	s6 =	sand.u32 $0x1, s6;
	s7 =	smul.u32 $0x1400, s14;
	[smem:$0x7FF] =	sst s8  }
0xa: {  	s25 =	sshll.u32 s14, $0x6;
	s16 =	smul.u32 $0x14000, s6;
	_ =	strace $0x8000004A  }
0xb: {  	s10 =	sshll.u32 s6, $0x4;
	s11 =	ssub.s32 $0x2, s6;
	s6 =	simm.s32 $0x4F  }
0xc: {  	s9 =	sshrl.u32 s5, $0x3;
	s10 =	sor.u32 s14, s10;
	s17 =	sshrl.u32 s11, $0x1  }
0xd: {  	s21 =	sadd.s32 s5, s3;
	s23 =	sadd.s32 s7, s4;
	s14 =	simm.s32 $0x0  }
0xe: {  	s9 =	sadd.s32 s9, s0;
	s8 =	sadd.s32 s7, s16;
	s12 =	smul.u32 $0x4E, s10  }
0xf: {  	s13 =	smin.u32 s10, $0x4;
	p0 =	slt.u32 s10, $0x4;
	s26 =	sshrl.u32 s21, $0x3  }
0x10: {  	s21 =	simm.s32 $0x4F00;
	s8 =	sshrl.u32 s8, $0x3;
	s6 =	simm.s32 @!p0 $0x4E  }
0x11: {  	s22 =	sadd.s32 $0xE00, s9;
	p0 =	sgt.u32 s10, $0x3;
	[dreg:$0xe] =	wrdreg s26  }
0x12: {  	s10 =	sshrl.u32 s23, $0x3;
	s26 =	simm.s32 $0x5B00;
	s23 =	simm.s32 $0x1  }
0x13: {  	s0 =	sadd.s32 s8, s0;
	s12 =	sadd.s32 s13, s12;
	s8 =	ssub.s32 s11, s17  }
0x14: {  	[dreg:$0xb] =	wrdreg s22;
	s17 =	sor.u32 $0x1C11, s25;
	s22 =	simm.s32 $0x5300  }
0x15: {  	s25 =	simm.s32 $0x2;
	[dreg:$0xf] =	wrdreg s10;
	s0 =	sadd.s32 $0x2200, s0  }
0x16: {  	s18 =	sshll.u32 s12, $0x4;
	s24 =	smax.u32 s8, $0x1;
	[dreg:$0xc] =	wrdreg s0  }
0x17: {  	s12 =	sadd.s32 s1, s18;
	s19 =	sadd.s32 s2, s18;
	[dreg:$0xd] =	wrdreg s24  }
0x18: {  	s11 =	sadd.s32 $0x4E0, s18;
	s24 =	simm.s32 $0x5700;
	[dreg:$0x7] =	wrdreg s12  }
0x19: {  	s0 =	simm.s32 $0x5;
	[dreg:$0x8] =	wrdreg s19;
	s1 =	sadd.s32 s1, s11  }
0x1a: {  	s20 =	sadd.s32 s2, s11;
	s12 =	sadd.s32 $0xFFFFFFF8, s6;
	[dreg:$0x9] =	wrdreg s1  }
0x1b: {  	[dreg:$0xa] =	wrdreg s20;
	s20 =	simm.s32 $0x80;
	s1 =	simm.s32 $0x6  }
.LBB2_1:
0x1c: {  	s8 =	simm.s32 $0x0;
	s2 =	rddreg [dreg:$0x7]  }
0x1d: {  	[tilespmem:s8], [sflag:$0x11] =	stream.linear.gather [hbm4b:s2+s8], $0x2700, $0x38;
	[tilespmem:$0x8D00] =	vst v63  }
0x1e: {  	_ =	swait.ge [sflag:s15], $0x2700  }
0x1f: {  	[sflag:s15] =	ssyncset.done $0x0  }
0x20: {  	s5 =	simm.s32 $0x2780;
	s19 =	rddreg [dreg:$0x8];
	[sflag:s15] =	ssyncadd.s32 $0xFFFFD900  }
0x21: {  	[tilespmem:s5], [sflag:$0x11] =	stream.linear.gather [hbm4b:s19+s8], $0x2700, $0x38;
	[tilespmem:$0x8D00] =	vst v63  }
0x22: {  	_ =	swait.ge [sflag:s15], $0x2700  }
0x23: {  	s2 =	simm.s32 @!p0 $0x0;
	[sflag:s15] =	ssyncset.done $0x0  }
0x24: {  	s5 =	simm.s32 @!p0 $0x2700;
	s7 =	rddreg [dreg:$0x9];
	[sflag:s15] =	ssyncadd.s32 $0xFFFFD900  }
0x25: {  	[tilespmem:s5], [sflag:$0x11] =	stream.linear.gather @!p0 [hbm4b:s7+s2], $0x80, $0x38;
	[tilespmem:$0x8D00] =	vst v63  }
0x26: {  	s5 =	simm.s32 @!p0 $0x11  }
0x27: {  	_ =	swait.ge @!p0 [sflag:s5], $0x80  }
0x28: {  	[sflag:s5] =	ssyncset.done @!p0 $0x0  }
0x29: {  	s7 =	simm.s32 @!p0 $0x4E80;
	s9 =	rddreg [dreg:$0xa];
	[sflag:s5] =	ssyncadd.s32 @!p0 $0xFFFFFF80  }
0x2a: {  	[tilespmem:s7], [sflag:$0x11] =	stream.linear.gather @!p0 [hbm4b:s9+s2], $0x80, $0x38;
	[tilespmem:$0x8D00] =	vst v63  }
0x2b: {  	_ =	swait.ge @!p0 [sflag:s5], $0x80  }
0x2c: {  	[sflag:s5] =	ssyncset.done @!p0 $0x0;
	s7 =	rddreg [dreg:$0xb]  }
0x2d: {  	s9 =	rddreg [dreg:$0xe];
	[sflag:s5] =	ssyncadd.s32 @!p0 $0xFFFFFF80  }
0x2e: {  	[spmem:s9], [sflag:s17] =	dma.local [hbm:s7], $0x140  }
0x2f: {  	_ =	swait.ge [sflag:s15], $0x140  }
0x30: {  	[sflag:s15] =	ssyncset.done $0x0  }
0x31: {  	[sflag:s15] =	ssyncadd.s32 $0xFFFFFEC0  }
0x32: {  	s11 =	rddreg [dreg:$0x3]  }
0x33: {  	[spmem:s10], [sflag:s17] =	dma.local [hbm:s11], $0x280  }
0x34: {  	_ =	swait.ge [sflag:s15], $0x280  }
0x35: {  	[sflag:s15] =	ssyncset.done $0x0  }
0x36: {  	[sflag:s15] =	ssyncadd.s32 $0xFFFFFD80  }
0x37: {  	[bflag:$0x0] =	sbarrier.arrive $0xFFFF  }
0x38: {  	[tilespmem:s21], [sflag:$0x1] =	stream.indirect.gather [spmem:s3], $0x8, s8, s20, $0xb8;
	[tilespmem:$0x8D00] =	vst v63  }
0x39: {  	_ = 	snop  }
0x3a: {  	[tilespmem:s22], [sflag:$0x2] =	stream.indirect.gather [spmem:s3], $0x8, s20, s20, $0xb8;
	[tilespmem:$0x8D00] =	vst v63  }
0x3b: {  	s13 =	simm.s32 $0x100  }
0x3c: {  	[tilespmem:s24], [sflag:$0x3] =	stream.indirect.gather [spmem:s3], $0x8, s13, s20, $0xb8;
	[tilespmem:$0x8D00] =	vst v63  }
0x3d: {  	s16 =	simm.s32 $0x180  }
0x3e: {  	[tilespmem:s26], [sflag:$0x4] =	stream.indirect.gather [spmem:s3], $0x8, s16, s20, $0xb8;
	[tilespmem:$0x8D00] =	vst v63  }
0x3f: {  	s18 =	simm.s32 $0x200  }
0x40: {  	[tilespmem:s29], [sflag:$0x5] =	stream.indirect.gather [spmem:s3], $0x8, s18, s20, $0xb8;
	[tilespmem:$0x8D00] =	vst v63  }
0x41: {  	s19 =	simm.s32 $0x280  }
0x42: {  	[tilespmem:s31], [sflag:$0x6] =	stream.indirect.gather [spmem:s3], $0x8, s19, s20, $0xb8;
	[tilespmem:$0x8D00] =	vst v63  }
0x43: {  	s5 =	simm.s32 $0x300;
	s7 =	simm.s32 $0x6700  }
0x44: {  	[tilespmem:s7], [sflag:$0x7] =	stream.indirect.gather [spmem:s3], $0x8, s5, s20, $0xb8;
	[tilespmem:$0x8D00] =	vst v63  }
0x45: {  	p1 =	por $0x1, $0x1;
	s9 =	simm.s32 $0x6B00;
	s8 =	simm.s32 $0x380  }
0x46: {  	[tilespmem:s9], [sflag:$0x8] =	stream.indirect.gather [spmem:s3], $0x8, s8, s20, $0xb8;
	[tilespmem:$0x8D00] =	vst v63  }
0x47: {  	p2 =	slt.u32 @!p1 s12, $0x0;
	_ =	swait.ge [sflag:s23], $0x400  }
0x48: {  	p1 =	por p2, p1;
	[sflag:s23] =	ssyncset.done $0x0  }
0x49: {  	s2 =	simm.s32 @!p1 $0x10;
	s10 =	simm.s32 $0x2780;
	[sflag:s23] =	ssyncadd.s32 $0xFFFFFC00  }
0x4a: {  	[spmem:s4] =	stream.indirect.scatter.add.f32 [tilespmem:s21], [sflag:$0x9], $0x8, s10, s20, $0xb8;
	[tilespmem:$0x8D00] =	vst v63  }
0x4b: {  	_ =	swait.ge @!p1 [sflag:s2], $0x400  }
0x4c: {  	s5 =	simm.s32 @!p1 $0x380;
	[sflag:s2] =	ssyncset.done @!p1 $0x0  }
0x4d: {  	s7 =	simm.s32 @!p1 $0x80;
	s8 =	simm.s32 @!p1 $0x6B00;
	[sflag:s2] =	ssyncadd.s32 @!p1 $0xFFFFFC00  }
0x4e: {  	[tilespmem:s8], [sflag:$0x8] =	stream.indirect.gather @!p1 [spmem:s3], $0x8, s5, s7, $0xb8;
	[tilespmem:$0x8D00] =	vst v63  }
0x4f: {  	_ =	swait.ge [sflag:s25], $0x400  }
0x50: {  	p1 =	sle.u32 s12, $0x0;
	[sflag:s25] =	ssyncset.done $0x0  }
0x51: {  	s11 =	simm.s32 $0x2800;
	s5 =	simm.s32 @!p1 $0x9;
	[sflag:s25] =	ssyncadd.s32 $0xFFFFFC00  }
0x52: {  	[spmem:s4] =	stream.indirect.scatter.add.f32 [tilespmem:s22], [sflag:$0xA], $0x8, s11, s20, $0xb8;
	[tilespmem:$0x8D00] =	vst v63  }
0x53: {  	_ =	swait.ge @!p1 [sflag:s5], $0x400  }
0x54: {  	s2 =	simm.s32 @!p1 $0x400;
	[sflag:s5] =	ssyncset.done @!p1 $0x0  }
0x55: {  	s7 =	simm.s32 @!p1 $0x80;
	s8 =	simm.s32 @!p1 $0x4F00;
	[sflag:s5] =	ssyncadd.s32 @!p1 $0xFFFFFC00  }
0x56: {  	[tilespmem:s8], [sflag:$0x1] =	stream.indirect.gather @!p1 [spmem:s3], $0x8, s2, s7, $0xb8;
	[tilespmem:$0x8D00] =	vst v63  }
0x57: {  	_ =	swait.ge [sflag:s28], $0x400  }
0x58: {  	p1 =	slt.u32 s12, $0x2;
	[sflag:s28] =	ssyncset.done $0x0  }
0x59: {  	s13 =	simm.s32 $0x2880;
	s5 =	simm.s32 @!p1 $0xA;
	[sflag:s28] =	ssyncadd.s32 $0xFFFFFC00  }
0x5a: {  	[spmem:s4] =	stream.indirect.scatter.add.f32 [tilespmem:s24], [sflag:$0xB], $0x8, s13, s20, $0xb8;
	[tilespmem:$0x8D00] =	vst v63  }
0x5b: {  	_ =	swait.ge @!p1 [sflag:s5], $0x400  }
0x5c: {  	s2 =	simm.s32 @!p1 $0x480;
	[sflag:s5] =	ssyncset.done @!p1 $0x0  }
0x5d: {  	s7 =	simm.s32 @!p1 $0x80;
	s8 =	simm.s32 @!p1 $0x5300;
	[sflag:s5] =	ssyncadd.s32 @!p1 $0xFFFFFC00  }
0x5e: {  	[tilespmem:s8], [sflag:$0x2] =	stream.indirect.gather @!p1 [spmem:s3], $0x8, s2, s7, $0xb8;
	[tilespmem:$0x8D00] =	vst v63  }
0x5f: {  	_ =	swait.ge [sflag:s30], $0x400  }
0x60: {  	p1 =	slt.u32 s12, $0x3;
	[sflag:s30] =	ssyncset.done $0x0  }
0x61: {  	s16 =	simm.s32 $0x2900;
	s5 =	simm.s32 @!p1 $0xB;
	[sflag:s30] =	ssyncadd.s32 $0xFFFFFC00  }
0x62: {  	[spmem:s4] =	stream.indirect.scatter.add.f32 [tilespmem:s26], [sflag:$0xC], $0x8, s16, s20, $0xb8;
	[tilespmem:$0x8D00] =	vst v63  }
0x63: {  	_ =	swait.ge @!p1 [sflag:s5], $0x400  }
0x64: {  	s2 =	simm.s32 @!p1 $0x500;
	[sflag:s5] =	ssyncset.done @!p1 $0x0  }
0x65: {  	s7 =	simm.s32 @!p1 $0x80;
	s8 =	simm.s32 @!p1 $0x5700;
	[sflag:s5] =	ssyncadd.s32 @!p1 $0xFFFFFC00  }
0x66: {  	[tilespmem:s8], [sflag:$0x3] =	stream.indirect.gather @!p1 [spmem:s3], $0x8, s2, s7, $0xb8;
	[tilespmem:$0x8D00] =	vst v63  }
0x67: {  	_ =	swait.ge [sflag:s0], $0x400  }
0x68: {  	p1 =	slt.u32 s12, $0x4;
	[sflag:s0] =	ssyncset.done $0x0  }
0x69: {  	s18 =	simm.s32 $0x2980;
	s5 =	simm.s32 @!p1 $0xC;
	[sflag:s0] =	ssyncadd.s32 $0xFFFFFC00  }
0x6a: {  	[spmem:s4] =	stream.indirect.scatter.add.f32 [tilespmem:s29], [sflag:$0xD], $0x8, s18, s20, $0xb8;
	[tilespmem:$0x8D00] =	vst v63  }
0x6b: {  	_ =	swait.ge @!p1 [sflag:s5], $0x400  }
0x6c: {  	s2 =	simm.s32 @!p1 $0x580;
	[sflag:s5] =	ssyncset.done @!p1 $0x0  }
0x6d: {  	s7 =	simm.s32 @!p1 $0x80;
	s8 =	simm.s32 @!p1 $0x5B00;
	[sflag:s5] =	ssyncadd.s32 @!p1 $0xFFFFFC00  }
0x6e: {  	[tilespmem:s8], [sflag:$0x4] =	stream.indirect.gather @!p1 [spmem:s3], $0x8, s2, s7, $0xb8;
	[tilespmem:$0x8D00] =	vst v63  }
0x6f: {  	_ =	swait.ge [sflag:s1], $0x400  }
0x70: {  	p2 =	slt.u32 s12, $0x5;
	[sflag:s1] =	ssyncset.done $0x0  }
0x71: {  	s19 =	simm.s32 $0x2A00;
	s5 =	simm.s32 @!p2 $0xD;
	[sflag:s1] =	ssyncadd.s32 $0xFFFFFC00  }
0x72: {  	[spmem:s4] =	stream.indirect.scatter.add.f32 [tilespmem:s31], [sflag:$0xE], $0x8, s19, s20, $0xb8;
	[tilespmem:$0x8D00] =	vst v63  }
0x73: {  	s2 =	simm.s32 @!p2 $0x600;
	_ =	swait.ge @!p2 [sflag:s5], $0x400  }
0x74: {  	s7 =	simm.s32 @!p2 $0x5F00;
	p1 =	sle.u32 s6, $0x6;
	[sflag:s5] =	ssyncset.done @!p2 $0x0  }
0x75: {  	s8 =	simm.s32 @!p2 $0x80;
	[sflag:s5] =	ssyncadd.s32 @!p2 $0xFFFFFC00;
	s5 =	simm.s32 @!p1 $0x7  }
0x76: {  	[tilespmem:s7], [sflag:$0x5] =	stream.indirect.gather @!p2 [spmem:s3], $0x8, s2, s8, $0xb8;
	[tilespmem:$0x8D00] =	vst v63  }
0x77: {  	s2 =	simm.s32 @!p1 $0x2A80;
	p2 =	slt.u32 @!p1 s12, $0x6;
	_ =	swait.ge @!p1 [sflag:s5], $0x400  }
0x78: {  	s7 =	simm.s32 @!p1 $0x80;
	p2 =	por p2, p1;
	[sflag:s5] =	ssyncset.done @!p1 $0x0  }
0x79: {  	s8 =	simm.s32 @!p2 $0xE;
	[sflag:s5] =	ssyncadd.s32 @!p1 $0xFFFFFC00;
	s5 =	simm.s32 @!p1 $0x6700  }
0x7a: {  	[spmem:s4] =	stream.indirect.scatter.add.f32 @!p1 [tilespmem:s5], [sflag:$0xF], $0x8, s2, s7, $0xb8;
	[tilespmem:$0x8D00] =	vst v63  }
0x7b: {  	s2 =	simm.s32 @!p2 $0x680;
	_ =	swait.ge @!p2 [sflag:s8], $0x400  }
0x7c: {  	s5 =	simm.s32 @!p2 $0x80;
	p1 =	sle.u32 s6, $0x7;
	[sflag:s8] =	ssyncset.done @!p2 $0x0  }
0x7d: {  	s7 =	simm.s32 @!p2 $0x6300;
	[sflag:s8] =	ssyncadd.s32 @!p2 $0xFFFFFC00;
	s8 =	simm.s32 @!p1 $0x8  }
0x7e: {  	[tilespmem:s7], [sflag:$0x6] =	stream.indirect.gather @!p2 [spmem:s3], $0x8, s2, s5, $0xb8;
	[tilespmem:$0x8D00] =	vst v63  }
0x7f: {  	s18 =	simm.s32 $0x1000;
	s2 =	simm.s32 @!p1 $0x2B00;
	_ =	swait.ge @!p1 [sflag:s8], $0x400  }
0x80: {  	s5 =	simm.s32 @!p1 $0x6B00;
	p2 =	slt.u32 @!p1 s12, $0x7;
	[sflag:s8] =	ssyncset.done @!p1 $0x0  }
0x81: {  	s7 =	simm.s32 @!p1 $0x80;
	p2 =	por p2, p1;
	[sflag:s8] =	ssyncadd.s32 @!p1 $0xFFFFFC00  }
0x82: {  	[spmem:s4] =	stream.indirect.scatter.add.f32 @!p1 [tilespmem:s5], [sflag:$0x10], $0x8, s2, s7, $0xb8;
	[tilespmem:$0x8D00] =	vst v63  }
0x83: {  	s8 =	simm.s32 @!p2 $0x700;
	s7 =	simm.s32 @!p2 $0xF;
	s5 =	simm.s32 $0x8  }
.LBB2_2:
0x84: {  	_ =	swait.ge @!p2 [sflag:s7], $0x400  }
0x85: {  	s9 =	simm.s32 @!p2 $0x6700;
	s2 =	smov.u32 s18;
	s18 =	sadd.s32 $0x1000, s18  }
0x86: {  	s16 =	sshra.s32 s2, $0x2;
	p1 =	seq.s32 s2, $0x0;
	[sflag:s7] =	ssyncset.done @!p2 $0x0  }
0x87: {  	p3 =	sgt.u32 @!p1 s5, s12;
	[sflag:s7] =	ssyncadd.s32 @!p2 $0xFFFFFC00;
	s7 =	simm.s32 @!p2 $0x80  }
0x88: {  	[tilespmem:s9], [sflag:$0x7] =	stream.indirect.gather @!p2 [spmem:s3], $0x8, s8, s7, $0xb8;
	[tilespmem:$0x8D00] =	vst v63  }
0x89: {  	p2 =	por p3, p1;
	p1 =	sne.s32 s18, $0xA000;
	_ =	swait.ge [sflag:s23], $0x400  }
0x8a: {  	s7 =	simm.s32 @!p2 $0x10;
	s8 =	sshra.s32 @!p2 s2, $0x2;
	[sflag:s23] =	ssyncset.done $0x0  }
0x8b: {  	s9 =	sadd.s32 $0x2780, s16;
	s8 =	sadd.s32 @!p2 $0x380, s8;
	[sflag:s23] =	ssyncadd.s32 $0xFFFFFC00  }
0x8c: {  	[spmem:s4] =	stream.indirect.scatter.add.f32 [tilespmem:s21], [sflag:$0x9], $0x8, s9, s20, $0xb8;
	[tilespmem:$0x8D00] =	vst v63  }
0x8d: {  	s10 =	simm.s32 @!p2 $0x6B00;
	s9 =	simm.s32 @!p2 $0x80;
	_ =	swait.ge @!p2 [sflag:s7], $0x400  }
0x8e: {  	[sflag:s7] =	ssyncset.done @!p2 $0x0  }
0x8f: {  	[sflag:s7] =	ssyncadd.s32 @!p2 $0xFFFFFC00  }
0x90: {  	[tilespmem:s10], [sflag:$0x8] =	stream.indirect.gather @!p2 [spmem:s3], $0x8, s8, s9, $0xb8;
	[tilespmem:$0x8D00] =	vst v63  }
0x91: {  	s7 =	sadd.s32 $0x2800, s16;
	p2 =	sge.u32 s5, s12;
	_ =	swait.ge [sflag:s25], $0x400  }
0x92: {  	s8 =	simm.s32 @!p2 $0x9;
	s9 =	sshra.s32 @!p2 s2, $0x2;
	[sflag:s25] =	ssyncset.done $0x0  }
0x93: {  	s9 =	sadd.s32 @!p2 $0x400, s9;
	[sflag:s25] =	ssyncadd.s32 $0xFFFFFC00  }
0x94: {  	[spmem:s4] =	stream.indirect.scatter.add.f32 [tilespmem:s22], [sflag:$0xA], $0x8, s7, s20, $0xb8;
	[tilespmem:$0x8D00] =	vst v63  }
0x95: {  	s10 =	simm.s32 @!p2 $0x4F00;
	s7 =	simm.s32 @!p2 $0x80;
	_ =	swait.ge @!p2 [sflag:s8], $0x400  }
0x96: {  	[sflag:s8] =	ssyncset.done @!p2 $0x0  }
0x97: {  	[sflag:s8] =	ssyncadd.s32 @!p2 $0xFFFFFC00;
	s8 =	sadd.s32 $0x2, s5  }
0x98: {  	[tilespmem:s10], [sflag:$0x1] =	stream.indirect.gather @!p2 [spmem:s3], $0x8, s9, s7, $0xb8;
	[tilespmem:$0x8D00] =	vst v63  }
0x99: {  	s7 =	sadd.s32 $0x2880, s16;
	p2 =	sgt.u32 s8, s12;
	_ =	swait.ge [sflag:s28], $0x400  }
0x9a: {  	s8 =	simm.s32 @!p2 $0xA;
	s9 =	sshra.s32 @!p2 s2, $0x2;
	[sflag:s28] =	ssyncset.done $0x0  }
0x9b: {  	s9 =	sadd.s32 @!p2 $0x480, s9;
	[sflag:s28] =	ssyncadd.s32 $0xFFFFFC00  }
0x9c: {  	[spmem:s4] =	stream.indirect.scatter.add.f32 [tilespmem:s24], [sflag:$0xB], $0x8, s7, s20, $0xb8;
	[tilespmem:$0x8D00] =	vst v63  }
0x9d: {  	s10 =	simm.s32 @!p2 $0x5300;
	s7 =	simm.s32 @!p2 $0x80;
	_ =	swait.ge @!p2 [sflag:s8], $0x400  }
0x9e: {  	[sflag:s8] =	ssyncset.done @!p2 $0x0  }
0x9f: {  	[sflag:s8] =	ssyncadd.s32 @!p2 $0xFFFFFC00;
	s8 =	sadd.s32 $0x3, s5  }
0xa0: {  	[tilespmem:s10], [sflag:$0x2] =	stream.indirect.gather @!p2 [spmem:s3], $0x8, s9, s7, $0xb8;
	[tilespmem:$0x8D00] =	vst v63  }
0xa1: {  	s7 =	sadd.s32 $0x2900, s16;
	p2 =	sgt.u32 s8, s12;
	_ =	swait.ge [sflag:s30], $0x400  }
0xa2: {  	s8 =	simm.s32 @!p2 $0xB;
	s9 =	sshra.s32 @!p2 s2, $0x2;
	[sflag:s30] =	ssyncset.done $0x0  }
0xa3: {  	s9 =	sadd.s32 @!p2 $0x500, s9;
	[sflag:s30] =	ssyncadd.s32 $0xFFFFFC00  }
0xa4: {  	[spmem:s4] =	stream.indirect.scatter.add.f32 [tilespmem:s26], [sflag:$0xC], $0x8, s7, s20, $0xb8;
	[tilespmem:$0x8D00] =	vst v63  }
0xa5: {  	s10 =	simm.s32 @!p2 $0x5700;
	s7 =	simm.s32 @!p2 $0x80;
	_ =	swait.ge @!p2 [sflag:s8], $0x400  }
0xa6: {  	[sflag:s8] =	ssyncset.done @!p2 $0x0  }
0xa7: {  	[sflag:s8] =	ssyncadd.s32 @!p2 $0xFFFFFC00;
	s8 =	sadd.s32 $0x4, s5  }
0xa8: {  	[tilespmem:s10], [sflag:$0x3] =	stream.indirect.gather @!p2 [spmem:s3], $0x8, s9, s7, $0xb8;
	[tilespmem:$0x8D00] =	vst v63  }
0xa9: {  	s7 =	sadd.s32 $0x2980, s16;
	p2 =	sgt.u32 s8, s12;
	_ =	swait.ge [sflag:s0], $0x400  }
0xaa: {  	s8 =	simm.s32 @!p2 $0xC;
	s9 =	sshra.s32 @!p2 s2, $0x2;
	[sflag:s0] =	ssyncset.done $0x0  }
0xab: {  	s9 =	sadd.s32 @!p2 $0x580, s9;
	[sflag:s0] =	ssyncadd.s32 $0xFFFFFC00  }
0xac: {  	[spmem:s4] =	stream.indirect.scatter.add.f32 [tilespmem:s29], [sflag:$0xD], $0x8, s7, s20, $0xb8;
	[tilespmem:$0x8D00] =	vst v63  }
0xad: {  	s10 =	simm.s32 @!p2 $0x80;
	s11 =	simm.s32 @!p2 $0x5B00;
	_ =	swait.ge @!p2 [sflag:s8], $0x400  }
0xae: {  	s7 =	sadd.s32 $0x7, s5;
	[sflag:s8] =	ssyncset.done @!p2 $0x0  }
0xaf: {  	s13 =	sadd.s32 $0x6, s5;
	[sflag:s8] =	ssyncadd.s32 @!p2 $0xFFFFFC00;
	s8 =	sadd.s32 $0x5, s5  }
0xb0: {  	[tilespmem:s11], [sflag:$0x4] =	stream.indirect.gather @!p2 [spmem:s3], $0x8, s9, s10, $0xb8;
	[tilespmem:$0x8D00] =	vst v63  }
0xb1: {  	s9 =	sadd.s32 $0x2A00, s16;
	p2 =	sgt.u32 s8, s12;
	_ =	swait.ge [sflag:s1], $0x400  }
0xb2: {  	s8 =	simm.s32 @!p2 $0xD;
	s10 =	sshra.s32 @!p2 s2, $0x2;
	[sflag:s1] =	ssyncset.done $0x0  }
0xb3: {  	s11 =	simm.s32 @!p2 $0x5F00;
	s10 =	sadd.s32 @!p2 $0x600, s10;
	[sflag:s1] =	ssyncadd.s32 $0xFFFFFC00  }
0xb4: {  	[spmem:s4] =	stream.indirect.scatter.add.f32 [tilespmem:s31], [sflag:$0xE], $0x8, s9, s20, $0xb8;
	[tilespmem:$0x8D00] =	vst v63  }
0xb5: {  	p3 =	sge.u32 s13, s6;
	s9 =	simm.s32 @!p2 $0x80;
	_ =	swait.ge @!p2 [sflag:s8], $0x400  }
0xb6: {  	s19 =	sshra.s32 @!p3 s2, $0x2;
	s16 =	simm.s32 @!p3 $0x7;
	[sflag:s8] =	ssyncset.done @!p2 $0x0  }
0xb7: {  	p4 =	sgt.u32 @!p3 s13, s12;
	[sflag:s8] =	ssyncadd.s32 @!p2 $0xFFFFFC00;
	s8 =	sadd.s32 @!p3 $0x2A80, s19  }
0xb8: {  	[tilespmem:s11], [sflag:$0x5] =	stream.indirect.gather @!p2 [spmem:s3], $0x8, s10, s9, $0xb8;
	[tilespmem:$0x8D00] =	vst v63  }
0xb9: {  	s9 =	simm.s32 @!p3 $0x80;
	p2 =	por p4, p3;
	_ =	swait.ge @!p3 [sflag:s16], $0x400  }
0xba: {  	s10 =	simm.s32 @!p2 $0xE;
	s11 =	sshra.s32 @!p2 s2, $0x2;
	[sflag:s16] =	ssyncset.done @!p3 $0x0  }
0xbb: {  	s13 =	simm.s32 @!p3 $0x6700;
	s11 =	sadd.s32 @!p2 $0x680, s11;
	[sflag:s16] =	ssyncadd.s32 @!p3 $0xFFFFFC00  }
0xbc: {  	[spmem:s4] =	stream.indirect.scatter.add.f32 @!p3 [tilespmem:s13], [sflag:$0xF], $0x8, s8, s9, $0xb8;
	[tilespmem:$0x8D00] =	vst v63  }
0xbd: {  	s8 =	simm.s32 @!p2 $0x80;
	s9 =	simm.s32 @!p2 $0x6300;
	_ =	swait.ge @!p2 [sflag:s10], $0x400  }
0xbe: {  	p3 =	sge.u32 s7, s6;
	[sflag:s10] =	ssyncset.done @!p2 $0x0  }
0xbf: {  	s13 =	sshra.s32 @!p3 s2, $0x2;
	[sflag:s10] =	ssyncadd.s32 @!p2 $0xFFFFFC00;
	s10 =	simm.s32 @!p3 $0x8  }
0xc0: {  	s16 =	simm.s32 @!p3 $0x6B00;
	p4 =	sgt.u32 @!p3 s7, s12;
	s13 =	sadd.s32 @!p3 $0x2B00, s13  }
0xc1: {  	[tilespmem:s9], [sflag:$0x6] =	stream.indirect.gather @!p2 [spmem:s3], $0x8, s11, s8, $0xb8;
	[tilespmem:$0x8D00] =	vst v63  }
.Ltmp0:
0xc2: {  	_ = 	snop;
	(pc) =	sbr.rel @p1 .LBB2_2-.Ltmp0, $4  }
0xc3: {  	s9 =	simm.s32 @!p3 $0x80;
	p2 =	por p4, p3;
	_ =	swait.ge @!p3 [sflag:s10], $0x400  }
0xc4: {  	s7 =	simm.s32 @!p2 $0xF;
	s2 =	sshra.s32 @!p2 s2, $0x2;
	[sflag:s10] =	ssyncset.done @!p3 $0x0  }
0xc5: {  	s5 =	sadd.s32 $0x8, s5;
	s8 =	sadd.s32 @!p2 $0x700, s2;
	[sflag:s10] =	ssyncadd.s32 @!p3 $0xFFFFFC00  }
0xc6: {  	[spmem:s4] =	stream.indirect.scatter.add.f32 @!p3 [tilespmem:s16], [sflag:$0x10], $0x8, s13, s9, $0xb8;
	[tilespmem:$0x8D00] =	vst v63  }
0xc7: {  	_ =	swait.ge @!p2 [sflag:s7], $0x400  }
0xc8: {  	[sflag:s7] =	ssyncset.done @!p2 $0x0  }
0xc9: {  	s2 =	simm.s32 @!p2 $0x6700;
	s5 =	simm.s32 @!p2 $0x80;
	[sflag:s7] =	ssyncadd.s32 @!p2 $0xFFFFFC00  }
0xca: {  	[tilespmem:s2], [sflag:$0x7] =	stream.indirect.gather @!p2 [spmem:s3], $0x8, s8, s5, $0xb8;
	[tilespmem:$0x8D00] =	vst v63  }
0xcb: {  	s5 =	simm.s32 $0x9  }
0xcc: {  	_ =	swait.ge [sflag:s5], $0x400  }
0xcd: {  	[sflag:s5] =	ssyncset.done $0x0  }
0xce: {  	s7 =	simm.s32 $0xA;
	[sflag:s5] =	ssyncadd.s32 $0xFFFFFC00  }
0xcf: {  	_ =	swait.ge [sflag:s7], $0x400  }
0xd0: {  	[sflag:s7] =	ssyncset.done $0x0  }
0xd1: {  	s8 =	simm.s32 $0xB;
	[sflag:s7] =	ssyncadd.s32 $0xFFFFFC00  }
0xd2: {  	_ =	swait.ge [sflag:s8], $0x400  }
0xd3: {  	[sflag:s8] =	ssyncset.done $0x0  }
0xd4: {  	s9 =	simm.s32 $0xC;
	[sflag:s8] =	ssyncadd.s32 $0xFFFFFC00  }
0xd5: {  	_ =	swait.ge [sflag:s9], $0x400  }
0xd6: {  	[sflag:s9] =	ssyncset.done $0x0  }
0xd7: {  	s10 =	simm.s32 $0xD;
	[sflag:s9] =	ssyncadd.s32 $0xFFFFFC00  }
0xd8: {  	_ =	swait.ge [sflag:s10], $0x400  }
0xd9: {  	[sflag:s10] =	ssyncset.done $0x0  }
0xda: {  	s11 =	simm.s32 $0xE;
	[sflag:s10] =	ssyncadd.s32 $0xFFFFFC00  }
0xdb: {  	_ =	swait.ge [sflag:s11], $0x400  }
0xdc: {  	[sflag:s11] =	ssyncset.done $0x0  }
0xdd: {  	s13 =	simm.s32 $0xF;
	[sflag:s11] =	ssyncadd.s32 $0xFFFFFC00  }
0xde: {  	_ =	swait.ge [sflag:s13], $0x400  }
0xdf: {  	[sflag:s13] =	ssyncset.done $0x0  }
0xe0: {  	s16 =	simm.s32 $0x10;
	[sflag:s13] =	ssyncadd.s32 $0xFFFFFC00  }
0xe1: {  	_ =	swait.ge [sflag:s16], $0x400  }
0xe2: {  	[sflag:s16] =	ssyncset.done $0x0  }
0xe3: {  	[sflag:s16] =	ssyncadd.s32 $0xFFFFFC00  }
0xe4: {  	[bflag:$0x0] =	sbarrier.arrive $0xFFFF  }
0xe5: {  	s18 =	rddreg [dreg:$0xc]  }
0xe6: {  	s10 =	rddreg [dreg:$0xf]  }
0xe7: {  	[hbm:s18], [sflag:s17] =	dma.local [spmem:s10], $0x280  }
0xe8: {  	_ =	swait.ge [sflag:s15], $0x280  }
0xe9: {  	s14 =	sadd.s32 $0x1, s14;
	s19 =	rddreg [dreg:$0xd]  }
0xea: {  	p1 =	sne.s32 s14, s19  }
.Ltmp1:
0xeb: {  	_ = 	snop;
	(pc) =	sbr.rel @p1 .LBB2_1-.Ltmp1, $3  }
0xec: {  	_ =	sdelay $0x1  }
0xed: {  	[sflag:s15] =	ssyncset.done $0x0  }
0xee: {  	[sflag:s15] =	ssyncadd.s32 $0xFFFFFD80  }
0xef: {  	_ =	sfence.sel $0x180000  }
0xf0: {  	[bflag:$0x0] =	sbarrier.arrive $0xFFFF  }
0xf1: {  	_ =	strace $0x9000004A  }
0xf2: {  	s0 =	stileid.u32;
	[bflag:$0x2] =	sbarrier.arrive $0xFFFF  }
0xf3: {  	p0 =	sne.s32 s0, $0x0;
	s0 =	rddreg [dreg:$0x6]  }
0xf4: {  	s0 =	sadd.s32 @!p0 $0x100000, s0  }
0xf5: {  	[sflag:s0] =	ssyncadd.tile.s32 @!p0 $0x1;
	_ =	shalt  }
.Lfunc_end2:
_tile_overlayer_lowered:
.L_overlay_start_2:
0xf6: {  	(tag) =	ssettag $0x2  }
0xf7: {  	s0 =	rddreg [dreg:$0x0];
	s2 =	stileid.u32  }
0xf8: {  	s1 =	rddreg [dreg:$0x1];
	p0 =	sne.s32 s2, $0x0  }
0xf9: {  	s3 =	rddreg [dreg:$0x2];
	[bflag:$0x3] =	sbarrier.arrive $0xFFFF;
	s2 =	simm.s32 @!p0 $0x1C11  }
0xfa: {  	[timem:s3], [sflag:s2] =	dma.local @!p0 [hbm:s0], s1  }
0xfb: {  	s0 =	simm.s32 @!p0 $0x11  }
0xfc: {  	_ =	swait.ge @!p0 [sflag:s0], s1  }
0xfd: {  	s1 =	ssub.s32 @!p0 $0x0, s1;
	[sflag:s0] =	ssyncset.done @!p0 $0x0  }
0xfe: {  	[sflag:s0] =	ssyncadd.s32 @!p0 s1  }
0xff: {  	[bflag:$0x3] =	sbarrier.arrive $0xFFFF  }
0x100: {  	_ =	shalt  }

// kernel: kernel.7.cloned.1.call-start
scs
__scs_entry_jumppad:
0x0: {  	(pc) =	sbr.rel $0x88, $3  }
0x1: {  	(tag) =	ssettag $0x0;
	lr =	simm.s32 $0x1  }
0x2: {  	[smem:$0x3F9B] =	sst lr;
	_ =	strace $0xD0000000  }
0x3: {  	_ = 	snop  }
0x4: {  	_ = 	snop  }
0x5: {  	_ = 	snop  }
0x6: {  	_ = 	snop  }
0x7: {  	_ = 	snop  }
__scs_overlays_trampoline_lowered:
0x8: {  	[smem:$0x3FAA] =	sst s0  }
0x9: {  	[smem:$0x3FAB] =	sst s1  }
0xa: {  	[smem:$0x3FAC] =	sst s2  }
0xb: {  	[smem:$0x3FAD] =	sst s3  }
0xc: {  	[smem:$0x3FAE] =	sst s4  }
0xd: {  	[smem:$0x3FAF] =	sst s5  }
0xe: {  	[smem:$0x3FB0] =	sst s6  }
0xf: {  	[smem:$0x3FB1] =	sst s7  }
0x10: {  	[smem:$0x3FB2] =	sst s8  }
0x11: {  	[smem:$0x3FB3] =	sst s9;
	s0 =	simm.s32 @!p0 $0x0  }
0x12: {  	s1 =	sld [smem:$0x3F99];
	s0 =	simm.s32 @p0 $0x1  }
0x13: {  	[smem:$0x3FB4] =	sst s0;
	s0 =	simm.s32 @!p1 $0x0  }
0x14: {  	s2 =	sld [smem:$0x3F98];
	s0 =	simm.s32 @p1 $0x1  }
0x15: {  	[smem:$0x3FB5] =	sst s0;
	s0 =	simm.s32 @!p2 $0x0  }
0x16: {  	s3 =	sld [smem:$0x3FDB];
	s0 =	simm.s32 @p2 $0x1  }
0x17: {  	s4 =	simm.s32 $0x1BF5;
	[smem:$0x3FB7] =	sst s0  }
0x18: {  	s0 =	sld [smem:$0x3F9A];
	_ =	swait.ge [sflag:s4], $0x0  }
0x19: {  	s7 =	sld [smem:$0x3F9B]  }
0x1a: {  	s8 =	sadd.s32 $0xFFFFE003, lr  }
0x1b: {  	s9 =	sadd.s32 $0xFFFFFEF7, lr;
	s5 =	simm.s32 $0xFFFFFFFF;
	p2 =	slt.u32 s8, $0xFFFFF086  }
0x1c: {  	p1 =	slt.u32 s9, $0xF7A;
	s5 =	simm.s32 @!p2 $0x0  }
0x1d: {  	s5 =	simm.s32 @p1 $0x1;
	p0 =	seq.s32 s7, s2  }
0x1e: {  	s7 =	smul.u32 @!p0 $0xF7A, s2;
	p2 =	seq.s32 @!p0 s5, $0x0  }
0x1f: {  	s9 =	smul.u32 $0xF7A, s1;
	s8 =	simm.s32 @!p0 $0x1BF5;
	p2 =	por !p2, p0  }
0x20: {  	[sflag:s8] =	ssyncset.s32 @!p0 $0xFFFFF086;
	s6 =	sadd.s32 @!p0 s3, s7;
	s7 =	simm.s32 @!p0 $0x108  }
0x21: {  	s3 =	sadd.s32 s3, s9;
	s6 =	sadd.s32 @!p0 $0x88, s6;
	s7 =	simm.s32 @p2 $0x1082  }
0x22: {  	[simem:s7], [sflag:s8] =	dma.local @!p0 [hbm:s6], $0xF7A  }
0x23: {  	s9 =	sor.u32 $0xD0000000, s2;
	s6 =	simm.s32 $0x108;
	_ =	swait.ge @!p0 [sflag:s8], $0x0  }
0x24: {  	s3 =	sadd.s32 $0x88, s3;
	s6 =	simm.s32 @!p1 $0x1082;
	[sflag:s4] =	ssyncset.s32 $0xFFFFF086  }
0x25: {  	[simem:s6], [sflag:s4] =	dma.local [hbm:s3], $0xF7A  }
0x26: {  	[smem:$0x3F9B] =	sst s1;
	(tag) =	ssettag s2;
	_ =	strace s9  }
0x27: {  	s1 =	sld [smem:$0x3FAB]  }
0x28: {  	s2 =	sld [smem:$0x3FAC]  }
0x29: {  	s4 =	sld [smem:$0x3FAE]  }
0x2a: {  	p0 =	seq.s32 s5, $0x0;
	s5 =	sld [smem:$0x3FAF]  }
0x2b: {  	s6 =	sld [smem:$0x3FB0]  }
0x2c: {  	s7 =	sld [smem:$0x3FB1]  }
0x2d: {  	s3 =	simm.s32 $0x108;
	s8 =	sld [smem:$0x3FB2]  }
0x2e: {  	s3 =	simm.s32 @!p0 $0x1082;
	s9 =	sld [smem:$0x3FB3]  }
0x2f: {  	lr =	sadd.s32 s0, s3;
	s0 =	sld [smem:$0x3FAA]  }
0x30: {  	s3 =	sld [smem:$0x3FAD]  }
0x31: {  	[smem:$0x3FB6] =	sst s10  }
0x32: {  	s10 =	sld [smem:$0x3FB4];
	_ =	sdelay $0x3  }
0x33: {  	p0 =	seq.s32 s10, $0x1;
	s10 =	sld [smem:$0x3FB6];
	_ =	sdelay $0x3  }
0x34: {  	[smem:$0x3FB6] =	sst s10  }
0x35: {  	s10 =	sld [smem:$0x3FB5];
	_ =	sdelay $0x3  }
0x36: {  	p1 =	seq.s32 s10, $0x1;
	s10 =	sld [smem:$0x3FB6];
	_ =	sdelay $0x3  }
0x37: {  	[smem:$0x3FB6] =	sst s10  }
0x38: {  	s10 =	sld [smem:$0x3FB7]  }
0x39: {  	_ = 	snop;
	(pc) =	sbr.ind lr, $3  }
0x3a: {  	_ = 	snop  }
0x3b: {  	_ = 	snop  }
0x3c: {  	p2 =	seq.s32 s10, $0x1;
	s10 =	sld [smem:$0x3FB6]  }
0x3d: {  	_ =	shalt  }
0x3e: {  	_ =	shalt  }
0x3f: {  	_ =	shalt  }
0x40: {  	_ =	shalt  }
0x41: {  	_ =	shalt  }
0x42: {  	_ =	shalt  }
0x43: {  	_ =	shalt  }
0x44: {  	_ =	shalt  }
0x45: {  	_ =	shalt  }
0x46: {  	_ =	shalt  }
0x47: {  	_ =	shalt  }
0x48: {  	_ =	shalt  }
0x49: {  	_ =	shalt  }
0x4a: {  	_ =	shalt  }
0x4b: {  	_ =	shalt  }
0x4c: {  	_ =	shalt  }
0x4d: {  	_ =	shalt  }
0x4e: {  	_ =	shalt  }
0x4f: {  	_ =	shalt  }
0x50: {  	_ =	shalt  }
0x51: {  	_ =	shalt  }
0x52: {  	_ =	shalt  }
0x53: {  	_ =	shalt  }
0x54: {  	_ =	shalt  }
0x55: {  	_ =	shalt  }
0x56: {  	_ =	shalt  }
0x57: {  	_ =	shalt  }
0x58: {  	_ =	shalt  }
0x59: {  	_ =	shalt  }
0x5a: {  	_ =	shalt  }
0x5b: {  	_ =	shalt  }
0x5c: {  	_ =	shalt  }
0x5d: {  	_ =	shalt  }
0x5e: {  	_ =	shalt  }
0x5f: {  	_ =	shalt  }
0x60: {  	_ =	shalt  }
0x61: {  	_ =	shalt  }
0x62: {  	_ =	shalt  }
0x63: {  	_ =	shalt  }
0x64: {  	_ =	shalt  }
0x65: {  	_ =	shalt  }
0x66: {  	_ =	shalt  }
0x67: {  	_ =	shalt  }
0x68: {  	_ =	shalt  }
0x69: {  	_ =	shalt  }
0x6a: {  	_ =	shalt  }
0x6b: {  	_ =	shalt  }
0x6c: {  	_ =	shalt  }
0x6d: {  	_ =	shalt  }
0x6e: {  	_ =	shalt  }
0x6f: {  	_ =	shalt  }
0x70: {  	_ =	shalt  }
0x71: {  	_ =	shalt  }
0x72: {  	_ =	shalt  }
0x73: {  	_ =	shalt  }
0x74: {  	_ =	shalt  }
0x75: {  	_ =	shalt  }
0x76: {  	_ =	shalt  }
0x77: {  	_ =	shalt  }
0x78: {  	_ =	shalt  }
0x79: {  	_ =	shalt  }
0x7a: {  	_ =	shalt  }
0x7b: {  	_ =	shalt  }
0x7c: {  	_ =	shalt  }
0x7d: {  	_ =	shalt  }
0x7e: {  	_ =	shalt  }
0x7f: {  	_ =	shalt  }
0x80: {  	_ =	shalt  }
0x81: {  	_ =	shalt  }
0x82: {  	_ =	shalt  }
0x83: {  	_ =	shalt  }
0x84: {  	_ =	shalt  }
0x85: {  	_ =	shalt  }
0x86: {  	_ =	shalt  }
0x87: {  	_ =	shalt  }
.Lfunc_end0:
.L_simem_size_0:
called_computation_lowered:
.L_overlay_start_0:
0x88: {  	s2 =	sld [smem:$0x3FD9]  }
0x89: {  	s3 =	sld [smem:$0x3FFE];
	_ =	sdelay $0x1  }
0x8a: {  	s1 =	srdreg.scid  }
0x8b: {  	s0 =	sand.u32 $0x1, s1  }
0x8c: {  	s17 =	sshll.u32 s0, $0xA;
	s2 =	sadd.s32 s3, s2  }
0x8d: {  	s2 =	sadd.s32 s2, s17  }
0x8e: {  	[smem:$0x3FC2] =	sst s2  }
0x8f: {  	_ = 	snop  }
0x90: {  	s2 =	sld [smem:$0x3FC8]  }
0x91: {  	s18 =	sld [smem:$0x3FC7]  }
0x92: {  	s4 =	sld [smem:$0x3FD0];
	(tm) =	ssettm $0x1  }
0x93: {  	s5 =	sld [smem:$0x3FFB];
	_ =	sdelay $0x3  }
0x94: {  	_ =	strace s5  }
0x95: {  	s5 =	sld [smem:$0x3FFC];
	_ =	sdelay $0x3  }
0x96: {  	_ =	strace s5  }
0x97: {  	s5 =	sld [smem:$0x3FFD];
	_ =	sdelay $0x3  }
0x98: {  	_ =	strace s5  }
0x99: {  	_ =	strace $0x8FFFFFFF  }
0x9a: {  	s19 =	sld [smem:$0x3FDB];
	_ =	sdelay $0x1  }
0x9b: {  	s6 =	simm.s32 $_scs_section_size  }
0x9c: {  	s7 =	simm.s32 $_size__tile_overlayer_lowered;
	s8 =	simm.s32 $_tile_overlayer_lowered  }
0x9d: {  	s22 =	simm.s32 $0x1BFF;
	s21 =	sshll.u32 s8, $0x1;
	s5 =	sadd.s32 s6, s19  }
0x9e: {  	s9 =	simm.s32 $0x0;
	s20 =	sshll.u32 s7, $0x1;
	s7 =	sadd.s32 s21, s5  }
0x9f: {  	[timem:s9], [sflag:s22] =	dma.local [hbm:s7], s20  }
0xa0: {  	_ =	swait.ge [sflag:s22], s20  }
0xa1: {  	s6 =	ssub.s32 $0x0, s20;
	[sflag:s22] =	ssyncset.done $0x0  }
0xa2: {  	[sflag:s22] =	ssyncadd.s32 s6;
	_ =	sdelay $0x1  }
0xa3: {  	s23 =	simm.s32 $0x1B8B  }
0xa4: {  	_ =	swait.ge [sflag:s23], $0x1  }
0xa5: {  	[sflag:s23] =	ssyncset.done $0x0  }
0xa6: {  	s25 =	simm.s32 $0x1B8E;
	s24 =	sld [smem:$0x3FFE];
	[sflag:s23] =	ssyncadd.s32 $0xFFFFFFFF  }
0xa7: {  	s26 =	simm.s32 $execute0_lowered;
	[smem:$0x3FD2] =	sst s25  }
0xa8: {  	s7 =	sshll.u32 s26, $0x1;
	_ =	strace $0x80000046;
	[dreg:$0x1] =	wrdreg $0xFFFFFFFF  }
0xa9: {  	s28 =	simm.s32 $_size_execute0_lowered;
	s5 =	sadd.s32 s5, s7;
	[dreg:$0x0] =	wrdreg $0x0  }
0xaa: {  	s7 =	sshll.u32 s28, $0x1;
	[dreg:$0x2] =	wrdreg s5  }
0xab: {  	[dreg:$0x3] =	wrdreg s7  }
0xac: {  	[dreg:$0x4] =	wrdreg $0xC0  }
0xad: {  	_ =	task [dreg:s9], $0x5FFFF  }
0xae: {  	[dreg:$0x1] =	wrdreg $0xFFFFFFFF  }
0xaf: {  	[dreg:$0x0] =	wrdreg $0x60  }
0xb0: {  	[dreg:$0x2] =	wrdreg s24  }
0xb1: {  	[dreg:$0x3] =	wrdreg s2  }
0xb2: {  	[dreg:$0x4] =	wrdreg s18  }
0xb3: {  	[dreg:$0x5] =	wrdreg s4  }
0xb4: {  	[dreg:$0x6] =	wrdreg $0x6F000  }
0xb5: {  	[dreg:$0x7] =	wrdreg $0x82880  }
0xb6: {  	[dreg:$0x8] =	wrdreg $0x9  }
0xb7: {  	_ =	task.clear_ibuf [dreg:s9], $0x9FFFF;
	_ =	strace $0x90000046  }
0xb8: {  	s29 =	simm.s32 $0x9;
	_ =	strace $0x80000048  }
0xb9: {  	_ =	swait.ge [sflag:s29], $0x1  }
0xba: {  	[sflag:s29] =	ssyncadd.s32 $0xFFFFFFFF  }
0xbb: {  	_ =	strace $0x90000048  }
0xbc: {  	_ =	sfence  }
0xbd: {  	s30 =	sld [smem:$0x0];
	_ =	sdelay $0x2  }
0xbe: {  	s31 =	sshll.u32 s1, $0xD;
	s1 =	sshrl.u32 s1, $0x2  }
0xbf: {  	s3 =	sand.u32 $0x4000, s31;
	s1 =	sadd.s32 s1, s30  }
0xc0: {  	s0 =	sor.u32 s3, s0;
	s1 =	sshll.u32 s1, $0x11  }
0xc1: {  	s0 =	sor.u32 s1, s0  }
0xc2: {  	s0 =	sadd.s32 $0x8F2B, s0  }
0xc3: {  	[sflag:s0] =	ssyncadd.remote.s32 $0x1  }
0xc4: {  	_ =	sfence.sel $0xFFFF  }
0xc5: {  	[dreg:$0x0] =	wrdreg $0xFFFFFFFF;
	(pc) =	sbr.abs _section_cstart, $3  }
0xc6: {  	[dreg:$0x1] =	wrdreg $0xFFFFFFFF  }
0xc7: {  	_ =	task.clear_ibuf [dreg:s9], $0x2FFFF;
	_ =	strace $0x9FFFFFFF  }
0xc8: {  	(tm) =	ssettm $0x7FFFFFFF  }
0xc9: {  	_ =	shalt  }
tec
execute0_lowered:
.L_overlay_start_1:
0x0: {  	(tag) =	ssettag $0x1  }
0x1: {  	s0 =	rddreg [dreg:$0x0]  }
0x2: {  	s1 =	rddreg [dreg:$0x1]  }
0x3: {  	s2 =	rddreg [dreg:$0x2]  }
0x4: {  	s3 =	rddreg [dreg:$0x4]  }
0x5: {  	s4 =	rddreg [dreg:$0x5]  }
0x6: {  	s14 =	stileid.u32;
	s6 =	srdreg.scid;
	s8 =	simm.s32 $0x0  }
0x7: {  	s15 =	simm.s32 $0x11;
	s29 =	simm.s32 $0x5F00;
	s31 =	simm.s32 $0x6300  }
0x8: {  	s28 =	simm.s32 $0x3;
	s30 =	simm.s32 $0x4;
	s5 =	smul.u32 $0x1388, s14  }
0x9: {  	s6 =	sand.u32 $0x1, s6;
	s7 =	smul.u32 $0xA00, s14;
	[smem:$0x7FF] =	sst s8  }
0xa: {  	s25 =	sshll.u32 s14, $0x6;
	s16 =	smul.u32 $0xA000, s6;
	_ =	strace $0x80000047  }
0xb: {  	s10 =	sshll.u32 s6, $0x4;
	s11 =	ssub.s32 $0x2, s6;
	s6 =	simm.s32 $0x4F  }
0xc: {  	s9 =	sshrl.u32 s5, $0x3;
	s10 =	sor.u32 s14, s10;
	s17 =	sshrl.u32 s11, $0x1  }
0xd: {  	s21 =	sadd.s32 s5, s3;
	s23 =	sadd.s32 s7, s4;
	s14 =	simm.s32 $0x0  }
0xe: {  	s9 =	sadd.s32 s9, s0;
	s8 =	sadd.s32 s7, s16;
	s12 =	smul.u32 $0x4E, s10  }
0xf: {  	s13 =	smin.u32 s10, $0x4;
	p0 =	slt.u32 s10, $0x4;
	s26 =	sshrl.u32 s21, $0x3  }
0x10: {  	s21 =	simm.s32 $0x4F00;
	s8 =	sshrl.u32 s8, $0x3;
	s6 =	simm.s32 @!p0 $0x4E  }
0x11: {  	s22 =	sadd.s32 $0xE00, s9;
	p0 =	sgt.u32 s10, $0x3;
	[dreg:$0xe] =	wrdreg s26  }
0x12: {  	s10 =	sshrl.u32 s23, $0x3;
	s26 =	simm.s32 $0x5B00;
	s23 =	simm.s32 $0x1  }
0x13: {  	s0 =	sadd.s32 s8, s0;
	s12 =	sadd.s32 s13, s12;
	s8 =	ssub.s32 s11, s17  }
0x14: {  	[dreg:$0xb] =	wrdreg s22;
	s17 =	sor.u32 $0x1C11, s25;
	s22 =	simm.s32 $0x5300  }
0x15: {  	s25 =	simm.s32 $0x2;
	[dreg:$0xf] =	wrdreg s10;
	s0 =	sadd.s32 $0x3600, s0  }
0x16: {  	s18 =	sshll.u32 s12, $0x4;
	s24 =	smax.u32 s8, $0x1;
	[dreg:$0xc] =	wrdreg s0  }
0x17: {  	s12 =	sadd.s32 s1, s18;
	s19 =	sadd.s32 s2, s18;
	[dreg:$0xd] =	wrdreg s24  }
0x18: {  	s11 =	sadd.s32 $0x4E0, s18;
	s24 =	simm.s32 $0x5700;
	[dreg:$0x7] =	wrdreg s12  }
0x19: {  	s0 =	simm.s32 $0x5;
	[dreg:$0x8] =	wrdreg s19;
	s1 =	sadd.s32 s1, s11  }
0x1a: {  	s20 =	sadd.s32 s2, s11;
	s12 =	sadd.s32 $0xFFFFFFF8, s6;
	[dreg:$0x9] =	wrdreg s1  }
0x1b: {  	[dreg:$0xa] =	wrdreg s20;
	s20 =	simm.s32 $0x80;
	s1 =	simm.s32 $0x6  }
.LBB2_1:
0x1c: {  	s8 =	simm.s32 $0x0;
	s2 =	rddreg [dreg:$0x7]  }
0x1d: {  	[tilespmem:s8], [sflag:$0x11] =	stream.linear.gather [hbm4b:s2+s8], $0x2700, $0x38;
	[tilespmem:$0x8C88] =	vst v63  }
0x1e: {  	_ =	swait.ge [sflag:s15], $0x2700  }
0x1f: {  	[sflag:s15] =	ssyncset.done $0x0  }
0x20: {  	s5 =	simm.s32 $0x2780;
	s19 =	rddreg [dreg:$0x8];
	[sflag:s15] =	ssyncadd.s32 $0xFFFFD900  }
0x21: {  	[tilespmem:s5], [sflag:$0x11] =	stream.linear.gather [hbm4b:s19+s8], $0x2700, $0x38;
	[tilespmem:$0x8C88] =	vst v63  }
0x22: {  	_ =	swait.ge [sflag:s15], $0x2700  }
0x23: {  	s2 =	simm.s32 @!p0 $0x0;
	[sflag:s15] =	ssyncset.done $0x0  }
0x24: {  	s5 =	simm.s32 @!p0 $0x2700;
	s7 =	rddreg [dreg:$0x9];
	[sflag:s15] =	ssyncadd.s32 $0xFFFFD900  }
0x25: {  	[tilespmem:s5], [sflag:$0x11] =	stream.linear.gather @!p0 [hbm4b:s7+s2], $0x80, $0x38;
	[tilespmem:$0x8C88] =	vst v63  }
0x26: {  	s5 =	simm.s32 @!p0 $0x11  }
0x27: {  	_ =	swait.ge @!p0 [sflag:s5], $0x80  }
0x28: {  	[sflag:s5] =	ssyncset.done @!p0 $0x0  }
0x29: {  	s7 =	simm.s32 @!p0 $0x4E80;
	s9 =	rddreg [dreg:$0xa];
	[sflag:s5] =	ssyncadd.s32 @!p0 $0xFFFFFF80  }
0x2a: {  	[tilespmem:s7], [sflag:$0x11] =	stream.linear.gather @!p0 [hbm4b:s9+s2], $0x80, $0x38;
	[tilespmem:$0x8C88] =	vst v63  }
0x2b: {  	_ =	swait.ge @!p0 [sflag:s5], $0x80  }
0x2c: {  	[sflag:s5] =	ssyncset.done @!p0 $0x0;
	s7 =	rddreg [dreg:$0xb]  }
0x2d: {  	s9 =	rddreg [dreg:$0xe];
	[sflag:s5] =	ssyncadd.s32 @!p0 $0xFFFFFF80  }
0x2e: {  	[spmem:s9], [sflag:s17] =	dma.local [hbm:s7], $0x271  }
0x2f: {  	_ =	swait.ge [sflag:s15], $0x271  }
0x30: {  	[sflag:s15] =	ssyncset.done $0x0  }
0x31: {  	[sflag:s15] =	ssyncadd.s32 $0xFFFFFD8F  }
0x32: {  	s11 =	rddreg [dreg:$0x3]  }
0x33: {  	[spmem:s10], [sflag:s17] =	dma.local [hbm:s11], $0x140  }
0x34: {  	_ =	swait.ge [sflag:s15], $0x140  }
0x35: {  	[sflag:s15] =	ssyncset.done $0x0  }
0x36: {  	[sflag:s15] =	ssyncadd.s32 $0xFFFFFEC0  }
0x37: {  	[bflag:$0x0] =	sbarrier.arrive $0xFFFF  }
0x38: {  	[tilespmem:s21], [sflag:$0x1] =	stream.indirect.gather [spmem:s3], $0x8, s8, s20, $0xb8;
	[tilespmem:$0x8C88] =	vst v63  }
0x39: {  	_ = 	snop  }
0x3a: {  	[tilespmem:s22], [sflag:$0x2] =	stream.indirect.gather [spmem:s3], $0x8, s20, s20, $0xb8;
	[tilespmem:$0x8C88] =	vst v63  }
0x3b: {  	s13 =	simm.s32 $0x100  }
0x3c: {  	[tilespmem:s24], [sflag:$0x3] =	stream.indirect.gather [spmem:s3], $0x8, s13, s20, $0xb8;
	[tilespmem:$0x8C88] =	vst v63  }
0x3d: {  	s16 =	simm.s32 $0x180  }
0x3e: {  	[tilespmem:s26], [sflag:$0x4] =	stream.indirect.gather [spmem:s3], $0x8, s16, s20, $0xb8;
	[tilespmem:$0x8C88] =	vst v63  }
0x3f: {  	s18 =	simm.s32 $0x200  }
0x40: {  	[tilespmem:s29], [sflag:$0x5] =	stream.indirect.gather [spmem:s3], $0x8, s18, s20, $0xb8;
	[tilespmem:$0x8C88] =	vst v63  }
0x41: {  	s19 =	simm.s32 $0x280  }
0x42: {  	[tilespmem:s31], [sflag:$0x6] =	stream.indirect.gather [spmem:s3], $0x8, s19, s20, $0xb8;
	[tilespmem:$0x8C88] =	vst v63  }
0x43: {  	s5 =	simm.s32 $0x300;
	s7 =	simm.s32 $0x6700  }
0x44: {  	[tilespmem:s7], [sflag:$0x7] =	stream.indirect.gather [spmem:s3], $0x8, s5, s20, $0xb8;
	[tilespmem:$0x8C88] =	vst v63  }
0x45: {  	p1 =	por $0x1, $0x1;
	s9 =	simm.s32 $0x6B00;
	s8 =	simm.s32 $0x380  }
0x46: {  	[tilespmem:s9], [sflag:$0x8] =	stream.indirect.gather [spmem:s3], $0x8, s8, s20, $0xb8;
	[tilespmem:$0x8C88] =	vst v63  }
0x47: {  	p2 =	slt.u32 @!p1 s12, $0x0;
	_ =	swait.ge [sflag:s23], $0x400  }
0x48: {  	p1 =	por p2, p1;
	[sflag:s23] =	ssyncset.done $0x0  }
0x49: {  	s2 =	simm.s32 @!p1 $0x10;
	s10 =	simm.s32 $0x2780;
	[sflag:s23] =	ssyncadd.s32 $0xFFFFFC00  }
0x4a: {  	[spmem:s4] =	stream.indirect.scatter.add.f32 [tilespmem:s21], [sflag:$0x9], $0x8, s10, s20, $0xb8;
	[tilespmem:$0x8C88] =	vst v63  }
0x4b: {  	_ =	swait.ge @!p1 [sflag:s2], $0x400  }
0x4c: {  	s5 =	simm.s32 @!p1 $0x380;
	[sflag:s2] =	ssyncset.done @!p1 $0x0  }
0x4d: {  	s7 =	simm.s32 @!p1 $0x80;
	s8 =	simm.s32 @!p1 $0x6B00;
	[sflag:s2] =	ssyncadd.s32 @!p1 $0xFFFFFC00  }
0x4e: {  	[tilespmem:s8], [sflag:$0x8] =	stream.indirect.gather @!p1 [spmem:s3], $0x8, s5, s7, $0xb8;
	[tilespmem:$0x8C88] =	vst v63  }
0x4f: {  	_ =	swait.ge [sflag:s25], $0x400  }
0x50: {  	p1 =	sle.u32 s12, $0x0;
	[sflag:s25] =	ssyncset.done $0x0  }
0x51: {  	s11 =	simm.s32 $0x2800;
	s5 =	simm.s32 @!p1 $0x9;
	[sflag:s25] =	ssyncadd.s32 $0xFFFFFC00  }
0x52: {  	[spmem:s4] =	stream.indirect.scatter.add.f32 [tilespmem:s22], [sflag:$0xA], $0x8, s11, s20, $0xb8;
	[tilespmem:$0x8C88] =	vst v63  }
0x53: {  	_ =	swait.ge @!p1 [sflag:s5], $0x400  }
0x54: {  	s2 =	simm.s32 @!p1 $0x400;
	[sflag:s5] =	ssyncset.done @!p1 $0x0  }
0x55: {  	s7 =	simm.s32 @!p1 $0x80;
	s8 =	simm.s32 @!p1 $0x4F00;
	[sflag:s5] =	ssyncadd.s32 @!p1 $0xFFFFFC00  }
0x56: {  	[tilespmem:s8], [sflag:$0x1] =	stream.indirect.gather @!p1 [spmem:s3], $0x8, s2, s7, $0xb8;
	[tilespmem:$0x8C88] =	vst v63  }
0x57: {  	_ =	swait.ge [sflag:s28], $0x400  }
0x58: {  	p1 =	slt.u32 s12, $0x2;
	[sflag:s28] =	ssyncset.done $0x0  }
0x59: {  	s13 =	simm.s32 $0x2880;
	s5 =	simm.s32 @!p1 $0xA;
	[sflag:s28] =	ssyncadd.s32 $0xFFFFFC00  }
0x5a: {  	[spmem:s4] =	stream.indirect.scatter.add.f32 [tilespmem:s24], [sflag:$0xB], $0x8, s13, s20, $0xb8;
	[tilespmem:$0x8C88] =	vst v63  }
0x5b: {  	_ =	swait.ge @!p1 [sflag:s5], $0x400  }
0x5c: {  	s2 =	simm.s32 @!p1 $0x480;
	[sflag:s5] =	ssyncset.done @!p1 $0x0  }
0x5d: {  	s7 =	simm.s32 @!p1 $0x80;
	s8 =	simm.s32 @!p1 $0x5300;
	[sflag:s5] =	ssyncadd.s32 @!p1 $0xFFFFFC00  }
0x5e: {  	[tilespmem:s8], [sflag:$0x2] =	stream.indirect.gather @!p1 [spmem:s3], $0x8, s2, s7, $0xb8;
	[tilespmem:$0x8C88] =	vst v63  }
0x5f: {  	_ =	swait.ge [sflag:s30], $0x400  }
0x60: {  	p1 =	slt.u32 s12, $0x3;
	[sflag:s30] =	ssyncset.done $0x0  }
0x61: {  	s16 =	simm.s32 $0x2900;
	s5 =	simm.s32 @!p1 $0xB;
	[sflag:s30] =	ssyncadd.s32 $0xFFFFFC00  }
0x62: {  	[spmem:s4] =	stream.indirect.scatter.add.f32 [tilespmem:s26], [sflag:$0xC], $0x8, s16, s20, $0xb8;
	[tilespmem:$0x8C88] =	vst v63  }
0x63: {  	_ =	swait.ge @!p1 [sflag:s5], $0x400  }
0x64: {  	s2 =	simm.s32 @!p1 $0x500;
	[sflag:s5] =	ssyncset.done @!p1 $0x0  }
0x65: {  	s7 =	simm.s32 @!p1 $0x80;
	s8 =	simm.s32 @!p1 $0x5700;
	[sflag:s5] =	ssyncadd.s32 @!p1 $0xFFFFFC00  }
0x66: {  	[tilespmem:s8], [sflag:$0x3] =	stream.indirect.gather @!p1 [spmem:s3], $0x8, s2, s7, $0xb8;
	[tilespmem:$0x8C88] =	vst v63  }
0x67: {  	_ =	swait.ge [sflag:s0], $0x400  }
0x68: {  	p1 =	slt.u32 s12, $0x4;
	[sflag:s0] =	ssyncset.done $0x0  }
0x69: {  	s18 =	simm.s32 $0x2980;
	s5 =	simm.s32 @!p1 $0xC;
	[sflag:s0] =	ssyncadd.s32 $0xFFFFFC00  }
0x6a: {  	[spmem:s4] =	stream.indirect.scatter.add.f32 [tilespmem:s29], [sflag:$0xD], $0x8, s18, s20, $0xb8;
	[tilespmem:$0x8C88] =	vst v63  }
0x6b: {  	_ =	swait.ge @!p1 [sflag:s5], $0x400  }
0x6c: {  	s2 =	simm.s32 @!p1 $0x580;
	[sflag:s5] =	ssyncset.done @!p1 $0x0  }
0x6d: {  	s7 =	simm.s32 @!p1 $0x80;
	s8 =	simm.s32 @!p1 $0x5B00;
	[sflag:s5] =	ssyncadd.s32 @!p1 $0xFFFFFC00  }
0x6e: {  	[tilespmem:s8], [sflag:$0x4] =	stream.indirect.gather @!p1 [spmem:s3], $0x8, s2, s7, $0xb8;
	[tilespmem:$0x8C88] =	vst v63  }
0x6f: {  	_ =	swait.ge [sflag:s1], $0x400  }
0x70: {  	p2 =	slt.u32 s12, $0x5;
	[sflag:s1] =	ssyncset.done $0x0  }
0x71: {  	s19 =	simm.s32 $0x2A00;
	s5 =	simm.s32 @!p2 $0xD;
	[sflag:s1] =	ssyncadd.s32 $0xFFFFFC00  }
0x72: {  	[spmem:s4] =	stream.indirect.scatter.add.f32 [tilespmem:s31], [sflag:$0xE], $0x8, s19, s20, $0xb8;
	[tilespmem:$0x8C88] =	vst v63  }
0x73: {  	s2 =	simm.s32 @!p2 $0x600;
	_ =	swait.ge @!p2 [sflag:s5], $0x400  }
0x74: {  	s7 =	simm.s32 @!p2 $0x5F00;
	p1 =	sle.u32 s6, $0x6;
	[sflag:s5] =	ssyncset.done @!p2 $0x0  }
0x75: {  	s8 =	simm.s32 @!p2 $0x80;
	[sflag:s5] =	ssyncadd.s32 @!p2 $0xFFFFFC00;
	s5 =	simm.s32 @!p1 $0x7  }
0x76: {  	[tilespmem:s7], [sflag:$0x5] =	stream.indirect.gather @!p2 [spmem:s3], $0x8, s2, s8, $0xb8;
	[tilespmem:$0x8C88] =	vst v63  }
0x77: {  	s2 =	simm.s32 @!p1 $0x2A80;
	p2 =	slt.u32 @!p1 s12, $0x6;
	_ =	swait.ge @!p1 [sflag:s5], $0x400  }
0x78: {  	s7 =	simm.s32 @!p1 $0x80;
	p2 =	por p2, p1;
	[sflag:s5] =	ssyncset.done @!p1 $0x0  }
0x79: {  	s8 =	simm.s32 @!p2 $0xE;
	[sflag:s5] =	ssyncadd.s32 @!p1 $0xFFFFFC00;
	s5 =	simm.s32 @!p1 $0x6700  }
0x7a: {  	[spmem:s4] =	stream.indirect.scatter.add.f32 @!p1 [tilespmem:s5], [sflag:$0xF], $0x8, s2, s7, $0xb8;
	[tilespmem:$0x8C88] =	vst v63  }
0x7b: {  	s2 =	simm.s32 @!p2 $0x680;
	_ =	swait.ge @!p2 [sflag:s8], $0x400  }
0x7c: {  	s5 =	simm.s32 @!p2 $0x80;
	p1 =	sle.u32 s6, $0x7;
	[sflag:s8] =	ssyncset.done @!p2 $0x0  }
0x7d: {  	s7 =	simm.s32 @!p2 $0x6300;
	[sflag:s8] =	ssyncadd.s32 @!p2 $0xFFFFFC00;
	s8 =	simm.s32 @!p1 $0x8  }
0x7e: {  	[tilespmem:s7], [sflag:$0x6] =	stream.indirect.gather @!p2 [spmem:s3], $0x8, s2, s5, $0xb8;
	[tilespmem:$0x8C88] =	vst v63  }
0x7f: {  	s18 =	simm.s32 $0x1000;
	s2 =	simm.s32 @!p1 $0x2B00;
	_ =	swait.ge @!p1 [sflag:s8], $0x400  }
0x80: {  	s5 =	simm.s32 @!p1 $0x6B00;
	p2 =	slt.u32 @!p1 s12, $0x7;
	[sflag:s8] =	ssyncset.done @!p1 $0x0  }
0x81: {  	s7 =	simm.s32 @!p1 $0x80;
	p2 =	por p2, p1;
	[sflag:s8] =	ssyncadd.s32 @!p1 $0xFFFFFC00  }
0x82: {  	[spmem:s4] =	stream.indirect.scatter.add.f32 @!p1 [tilespmem:s5], [sflag:$0x10], $0x8, s2, s7, $0xb8;
	[tilespmem:$0x8C88] =	vst v63  }
0x83: {  	s8 =	simm.s32 @!p2 $0x700;
	s7 =	simm.s32 @!p2 $0xF;
	s5 =	simm.s32 $0x8  }
.LBB2_2:
0x84: {  	_ =	swait.ge @!p2 [sflag:s7], $0x400  }
0x85: {  	s9 =	simm.s32 @!p2 $0x6700;
	s2 =	smov.u32 s18;
	s18 =	sadd.s32 $0x1000, s18  }
0x86: {  	s16 =	sshra.s32 s2, $0x2;
	p1 =	seq.s32 s2, $0x0;
	[sflag:s7] =	ssyncset.done @!p2 $0x0  }
0x87: {  	p3 =	sgt.u32 @!p1 s5, s12;
	[sflag:s7] =	ssyncadd.s32 @!p2 $0xFFFFFC00;
	s7 =	simm.s32 @!p2 $0x80  }
0x88: {  	[tilespmem:s9], [sflag:$0x7] =	stream.indirect.gather @!p2 [spmem:s3], $0x8, s8, s7, $0xb8;
	[tilespmem:$0x8C88] =	vst v63  }
0x89: {  	p2 =	por p3, p1;
	p1 =	sne.s32 s18, $0xA000;
	_ =	swait.ge [sflag:s23], $0x400  }
0x8a: {  	s7 =	simm.s32 @!p2 $0x10;
	s8 =	sshra.s32 @!p2 s2, $0x2;
	[sflag:s23] =	ssyncset.done $0x0  }
0x8b: {  	s9 =	sadd.s32 $0x2780, s16;
	s8 =	sadd.s32 @!p2 $0x380, s8;
	[sflag:s23] =	ssyncadd.s32 $0xFFFFFC00  }
0x8c: {  	[spmem:s4] =	stream.indirect.scatter.add.f32 [tilespmem:s21], [sflag:$0x9], $0x8, s9, s20, $0xb8;
	[tilespmem:$0x8C88] =	vst v63  }
0x8d: {  	s10 =	simm.s32 @!p2 $0x6B00;
	s9 =	simm.s32 @!p2 $0x80;
	_ =	swait.ge @!p2 [sflag:s7], $0x400  }
0x8e: {  	[sflag:s7] =	ssyncset.done @!p2 $0x0  }
0x8f: {  	[sflag:s7] =	ssyncadd.s32 @!p2 $0xFFFFFC00  }
0x90: {  	[tilespmem:s10], [sflag:$0x8] =	stream.indirect.gather @!p2 [spmem:s3], $0x8, s8, s9, $0xb8;
	[tilespmem:$0x8C88] =	vst v63  }
0x91: {  	s7 =	sadd.s32 $0x2800, s16;
	p2 =	sge.u32 s5, s12;
	_ =	swait.ge [sflag:s25], $0x400  }
0x92: {  	s8 =	simm.s32 @!p2 $0x9;
	s9 =	sshra.s32 @!p2 s2, $0x2;
	[sflag:s25] =	ssyncset.done $0x0  }
0x93: {  	s9 =	sadd.s32 @!p2 $0x400, s9;
	[sflag:s25] =	ssyncadd.s32 $0xFFFFFC00  }
0x94: {  	[spmem:s4] =	stream.indirect.scatter.add.f32 [tilespmem:s22], [sflag:$0xA], $0x8, s7, s20, $0xb8;
	[tilespmem:$0x8C88] =	vst v63  }
0x95: {  	s10 =	simm.s32 @!p2 $0x4F00;
	s7 =	simm.s32 @!p2 $0x80;
	_ =	swait.ge @!p2 [sflag:s8], $0x400  }
0x96: {  	[sflag:s8] =	ssyncset.done @!p2 $0x0  }
0x97: {  	[sflag:s8] =	ssyncadd.s32 @!p2 $0xFFFFFC00;
	s8 =	sadd.s32 $0x2, s5  }
0x98: {  	[tilespmem:s10], [sflag:$0x1] =	stream.indirect.gather @!p2 [spmem:s3], $0x8, s9, s7, $0xb8;
	[tilespmem:$0x8C88] =	vst v63  }
0x99: {  	s7 =	sadd.s32 $0x2880, s16;
	p2 =	sgt.u32 s8, s12;
	_ =	swait.ge [sflag:s28], $0x400  }
0x9a: {  	s8 =	simm.s32 @!p2 $0xA;
	s9 =	sshra.s32 @!p2 s2, $0x2;
	[sflag:s28] =	ssyncset.done $0x0  }
0x9b: {  	s9 =	sadd.s32 @!p2 $0x480, s9;
	[sflag:s28] =	ssyncadd.s32 $0xFFFFFC00  }
0x9c: {  	[spmem:s4] =	stream.indirect.scatter.add.f32 [tilespmem:s24], [sflag:$0xB], $0x8, s7, s20, $0xb8;
	[tilespmem:$0x8C88] =	vst v63  }
0x9d: {  	s10 =	simm.s32 @!p2 $0x5300;
	s7 =	simm.s32 @!p2 $0x80;
	_ =	swait.ge @!p2 [sflag:s8], $0x400  }
0x9e: {  	[sflag:s8] =	ssyncset.done @!p2 $0x0  }
0x9f: {  	[sflag:s8] =	ssyncadd.s32 @!p2 $0xFFFFFC00;
	s8 =	sadd.s32 $0x3, s5  }
0xa0: {  	[tilespmem:s10], [sflag:$0x2] =	stream.indirect.gather @!p2 [spmem:s3], $0x8, s9, s7, $0xb8;
	[tilespmem:$0x8C88] =	vst v63  }
0xa1: {  	s7 =	sadd.s32 $0x2900, s16;
	p2 =	sgt.u32 s8, s12;
	_ =	swait.ge [sflag:s30], $0x400  }
0xa2: {  	s8 =	simm.s32 @!p2 $0xB;
	s9 =	sshra.s32 @!p2 s2, $0x2;
	[sflag:s30] =	ssyncset.done $0x0  }
0xa3: {  	s9 =	sadd.s32 @!p2 $0x500, s9;
	[sflag:s30] =	ssyncadd.s32 $0xFFFFFC00  }
0xa4: {  	[spmem:s4] =	stream.indirect.scatter.add.f32 [tilespmem:s26], [sflag:$0xC], $0x8, s7, s20, $0xb8;
	[tilespmem:$0x8C88] =	vst v63  }
0xa5: {  	s10 =	simm.s32 @!p2 $0x5700;
	s7 =	simm.s32 @!p2 $0x80;
	_ =	swait.ge @!p2 [sflag:s8], $0x400  }
0xa6: {  	[sflag:s8] =	ssyncset.done @!p2 $0x0  }
0xa7: {  	[sflag:s8] =	ssyncadd.s32 @!p2 $0xFFFFFC00;
	s8 =	sadd.s32 $0x4, s5  }
0xa8: {  	[tilespmem:s10], [sflag:$0x3] =	stream.indirect.gather @!p2 [spmem:s3], $0x8, s9, s7, $0xb8;
	[tilespmem:$0x8C88] =	vst v63  }
0xa9: {  	s7 =	sadd.s32 $0x2980, s16;
	p2 =	sgt.u32 s8, s12;
	_ =	swait.ge [sflag:s0], $0x400  }
0xaa: {  	s8 =	simm.s32 @!p2 $0xC;
	s9 =	sshra.s32 @!p2 s2, $0x2;
	[sflag:s0] =	ssyncset.done $0x0  }
0xab: {  	s9 =	sadd.s32 @!p2 $0x580, s9;
	[sflag:s0] =	ssyncadd.s32 $0xFFFFFC00  }
0xac: {  	[spmem:s4] =	stream.indirect.scatter.add.f32 [tilespmem:s29], [sflag:$0xD], $0x8, s7, s20, $0xb8;
	[tilespmem:$0x8C88] =	vst v63  }
0xad: {  	s10 =	simm.s32 @!p2 $0x80;
	s11 =	simm.s32 @!p2 $0x5B00;
	_ =	swait.ge @!p2 [sflag:s8], $0x400  }
0xae: {  	s7 =	sadd.s32 $0x7, s5;
	[sflag:s8] =	ssyncset.done @!p2 $0x0  }
0xaf: {  	s13 =	sadd.s32 $0x6, s5;
	[sflag:s8] =	ssyncadd.s32 @!p2 $0xFFFFFC00;
	s8 =	sadd.s32 $0x5, s5  }
0xb0: {  	[tilespmem:s11], [sflag:$0x4] =	stream.indirect.gather @!p2 [spmem:s3], $0x8, s9, s10, $0xb8;
	[tilespmem:$0x8C88] =	vst v63  }
0xb1: {  	s9 =	sadd.s32 $0x2A00, s16;
	p2 =	sgt.u32 s8, s12;
	_ =	swait.ge [sflag:s1], $0x400  }
0xb2: {  	s8 =	simm.s32 @!p2 $0xD;
	s10 =	sshra.s32 @!p2 s2, $0x2;
	[sflag:s1] =	ssyncset.done $0x0  }
0xb3: {  	s11 =	simm.s32 @!p2 $0x5F00;
	s10 =	sadd.s32 @!p2 $0x600, s10;
	[sflag:s1] =	ssyncadd.s32 $0xFFFFFC00  }
0xb4: {  	[spmem:s4] =	stream.indirect.scatter.add.f32 [tilespmem:s31], [sflag:$0xE], $0x8, s9, s20, $0xb8;
	[tilespmem:$0x8C88] =	vst v63  }
0xb5: {  	p3 =	sge.u32 s13, s6;
	s9 =	simm.s32 @!p2 $0x80;
	_ =	swait.ge @!p2 [sflag:s8], $0x400  }
0xb6: {  	s19 =	sshra.s32 @!p3 s2, $0x2;
	s16 =	simm.s32 @!p3 $0x7;
	[sflag:s8] =	ssyncset.done @!p2 $0x0  }
0xb7: {  	p4 =	sgt.u32 @!p3 s13, s12;
	[sflag:s8] =	ssyncadd.s32 @!p2 $0xFFFFFC00;
	s8 =	sadd.s32 @!p3 $0x2A80, s19  }
0xb8: {  	[tilespmem:s11], [sflag:$0x5] =	stream.indirect.gather @!p2 [spmem:s3], $0x8, s10, s9, $0xb8;
	[tilespmem:$0x8C88] =	vst v63  }
0xb9: {  	s9 =	simm.s32 @!p3 $0x80;
	p2 =	por p4, p3;
	_ =	swait.ge @!p3 [sflag:s16], $0x400  }
0xba: {  	s10 =	simm.s32 @!p2 $0xE;
	s11 =	sshra.s32 @!p2 s2, $0x2;
	[sflag:s16] =	ssyncset.done @!p3 $0x0  }
0xbb: {  	s13 =	simm.s32 @!p3 $0x6700;
	s11 =	sadd.s32 @!p2 $0x680, s11;
	[sflag:s16] =	ssyncadd.s32 @!p3 $0xFFFFFC00  }
0xbc: {  	[spmem:s4] =	stream.indirect.scatter.add.f32 @!p3 [tilespmem:s13], [sflag:$0xF], $0x8, s8, s9, $0xb8;
	[tilespmem:$0x8C88] =	vst v63  }
0xbd: {  	s8 =	simm.s32 @!p2 $0x80;
	s9 =	simm.s32 @!p2 $0x6300;
	_ =	swait.ge @!p2 [sflag:s10], $0x400  }
0xbe: {  	p3 =	sge.u32 s7, s6;
	[sflag:s10] =	ssyncset.done @!p2 $0x0  }
0xbf: {  	s13 =	sshra.s32 @!p3 s2, $0x2;
	[sflag:s10] =	ssyncadd.s32 @!p2 $0xFFFFFC00;
	s10 =	simm.s32 @!p3 $0x8  }
0xc0: {  	s16 =	simm.s32 @!p3 $0x6B00;
	p4 =	sgt.u32 @!p3 s7, s12;
	s13 =	sadd.s32 @!p3 $0x2B00, s13  }
0xc1: {  	[tilespmem:s9], [sflag:$0x6] =	stream.indirect.gather @!p2 [spmem:s3], $0x8, s11, s8, $0xb8;
	[tilespmem:$0x8C88] =	vst v63  }
.Ltmp0:
0xc2: {  	_ = 	snop;
	(pc) =	sbr.rel @p1 .LBB2_2-.Ltmp0, $4  }
0xc3: {  	s9 =	simm.s32 @!p3 $0x80;
	p2 =	por p4, p3;
	_ =	swait.ge @!p3 [sflag:s10], $0x400  }
0xc4: {  	s7 =	simm.s32 @!p2 $0xF;
	s2 =	sshra.s32 @!p2 s2, $0x2;
	[sflag:s10] =	ssyncset.done @!p3 $0x0  }
0xc5: {  	s5 =	sadd.s32 $0x8, s5;
	s8 =	sadd.s32 @!p2 $0x700, s2;
	[sflag:s10] =	ssyncadd.s32 @!p3 $0xFFFFFC00  }
0xc6: {  	[spmem:s4] =	stream.indirect.scatter.add.f32 @!p3 [tilespmem:s16], [sflag:$0x10], $0x8, s13, s9, $0xb8;
	[tilespmem:$0x8C88] =	vst v63  }
0xc7: {  	_ =	swait.ge @!p2 [sflag:s7], $0x400  }
0xc8: {  	[sflag:s7] =	ssyncset.done @!p2 $0x0  }
0xc9: {  	s2 =	simm.s32 @!p2 $0x6700;
	s5 =	simm.s32 @!p2 $0x80;
	[sflag:s7] =	ssyncadd.s32 @!p2 $0xFFFFFC00  }
0xca: {  	[tilespmem:s2], [sflag:$0x7] =	stream.indirect.gather @!p2 [spmem:s3], $0x8, s8, s5, $0xb8;
	[tilespmem:$0x8C88] =	vst v63  }
0xcb: {  	s5 =	simm.s32 $0x9  }
0xcc: {  	_ =	swait.ge [sflag:s5], $0x400  }
0xcd: {  	[sflag:s5] =	ssyncset.done $0x0  }
0xce: {  	s7 =	simm.s32 $0xA;
	[sflag:s5] =	ssyncadd.s32 $0xFFFFFC00  }
0xcf: {  	_ =	swait.ge [sflag:s7], $0x400  }
0xd0: {  	[sflag:s7] =	ssyncset.done $0x0  }
0xd1: {  	s8 =	simm.s32 $0xB;
	[sflag:s7] =	ssyncadd.s32 $0xFFFFFC00  }
0xd2: {  	_ =	swait.ge [sflag:s8], $0x400  }
0xd3: {  	[sflag:s8] =	ssyncset.done $0x0  }
0xd4: {  	s9 =	simm.s32 $0xC;
	[sflag:s8] =	ssyncadd.s32 $0xFFFFFC00  }
0xd5: {  	_ =	swait.ge [sflag:s9], $0x400  }
0xd6: {  	[sflag:s9] =	ssyncset.done $0x0  }
0xd7: {  	s10 =	simm.s32 $0xD;
	[sflag:s9] =	ssyncadd.s32 $0xFFFFFC00  }
0xd8: {  	_ =	swait.ge [sflag:s10], $0x400  }
0xd9: {  	[sflag:s10] =	ssyncset.done $0x0  }
0xda: {  	s11 =	simm.s32 $0xE;
	[sflag:s10] =	ssyncadd.s32 $0xFFFFFC00  }
0xdb: {  	_ =	swait.ge [sflag:s11], $0x400  }
0xdc: {  	[sflag:s11] =	ssyncset.done $0x0  }
0xdd: {  	s13 =	simm.s32 $0xF;
	[sflag:s11] =	ssyncadd.s32 $0xFFFFFC00  }
0xde: {  	_ =	swait.ge [sflag:s13], $0x400  }
0xdf: {  	[sflag:s13] =	ssyncset.done $0x0  }
0xe0: {  	s16 =	simm.s32 $0x10;
	[sflag:s13] =	ssyncadd.s32 $0xFFFFFC00  }
0xe1: {  	_ =	swait.ge [sflag:s16], $0x400  }
0xe2: {  	[sflag:s16] =	ssyncset.done $0x0  }
0xe3: {  	[sflag:s16] =	ssyncadd.s32 $0xFFFFFC00  }
0xe4: {  	[bflag:$0x0] =	sbarrier.arrive $0xFFFF  }
0xe5: {  	s18 =	rddreg [dreg:$0xc]  }
0xe6: {  	s10 =	rddreg [dreg:$0xf]  }
0xe7: {  	[hbm:s18], [sflag:s17] =	dma.local [spmem:s10], $0x140  }
0xe8: {  	_ =	swait.ge [sflag:s15], $0x140  }
0xe9: {  	s14 =	sadd.s32 $0x1, s14;
	s19 =	rddreg [dreg:$0xd]  }
0xea: {  	p1 =	sne.s32 s14, s19  }
.Ltmp1:
0xeb: {  	_ = 	snop;
	(pc) =	sbr.rel @p1 .LBB2_1-.Ltmp1, $3  }
0xec: {  	_ =	sdelay $0x1  }
0xed: {  	[sflag:s15] =	ssyncset.done $0x0  }
0xee: {  	[sflag:s15] =	ssyncadd.s32 $0xFFFFFEC0  }
0xef: {  	_ =	sfence.sel $0x180000  }
0xf0: {  	[bflag:$0x0] =	sbarrier.arrive $0xFFFF  }
0xf1: {  	_ =	strace $0x90000047  }
0xf2: {  	s0 =	stileid.u32;
	[bflag:$0x2] =	sbarrier.arrive $0xFFFF  }
0xf3: {  	p0 =	sne.s32 s0, $0x0;
	s0 =	rddreg [dreg:$0x6]  }
0xf4: {  	s0 =	sadd.s32 @!p0 $0x100000, s0  }
0xf5: {  	[sflag:s0] =	ssyncadd.tile.s32 @!p0 $0x1;
	_ =	shalt  }
.Lfunc_end2:
_tile_overlayer_lowered:
.L_overlay_start_2:
0xf6: {  	(tag) =	ssettag $0x2  }
0xf7: {  	s0 =	rddreg [dreg:$0x0];
	s2 =	stileid.u32  }
0xf8: {  	s1 =	rddreg [dreg:$0x1];
	p0 =	sne.s32 s2, $0x0  }
0xf9: {  	s3 =	rddreg [dreg:$0x2];
	[bflag:$0x3] =	sbarrier.arrive $0xFFFF;
	s2 =	simm.s32 @!p0 $0x1C11  }
0xfa: {  	[timem:s3], [sflag:s2] =	dma.local @!p0 [hbm:s0], s1  }
0xfb: {  	s0 =	simm.s32 @!p0 $0x11  }
0xfc: {  	_ =	swait.ge @!p0 [sflag:s0], s1  }
0xfd: {  	s1 =	ssub.s32 @!p0 $0x0, s1;
	[sflag:s0] =	ssyncset.done @!p0 $0x0  }
0xfe: {  	[sflag:s0] =	ssyncadd.s32 @!p0 s1  }
0xff: {  	[bflag:$0x3] =	sbarrier.arrive $0xFFFF  }
0x100: {  	_ =	shalt  }

</sc_bundles>
